<compile_context>
chip_gen: v7x
topology: tpu7x:2x2x1
jax: 0.10.2.dev20260603
libtpu: 0.0.44.dev20260713+nightly
codegen_flags: <defaults>
</compile_context>

<pallas_src>
import functools

import jax
import jax.numpy as jnp
from jax import lax
from jax.experimental import pallas as pl
from jax.experimental.pallas import tpu as pltpu
from jax.experimental.pallas import tpu_sc as plsc

EMB = 64
NC = 2
NS = 16
NW = NC * NS
BL = 256
BLP = 257
KL = 1
CH = KL * BL
UNROLL = 4


def _transpose_block(rows_v, t_v, lc, row_base):
    iota16 = lax.iota(jnp.int32, 16)
    zerov = jnp.zeros((16,), jnp.int32)
    evs = [lc * EMB + e0 * 16 + iota16 for e0 in range(EMB // 16)]

    def b_body(b, carry):
        bv = jnp.full((16,), b, jnp.int32)
        r = row_base + b
        for e0 in range(EMB // 16):
            v = rows_v[r, pl.ds(e0 * 16, 16)]
            plsc.store_scatter(t_v, [zerov, evs[e0], bv], v)
        return carry

    lax.fori_loop(0, BL, b_body, 0, unroll=8)


def _make_gather(n_user: int, b: int, l: int):
    assert b % (NW * 16) == 0
    bpw = b // NW
    nblk = bpw // BL
    assert l % KL == 0
    nlch = l // KL
    n_chunks = nblk * nlch
    assert n_chunks % UNROLL == 0
    assert n_user == b

    mesh = plsc.VectorSubcoreMesh(core_axis_name="c", subcore_axis_name="s")

    @functools.partial(
        pl.kernel,
        mesh=mesh,
        compiler_params=pltpu.CompilerParams(
            use_tc_tiling_on_sc=False, needs_layout_passes=False),
        out_type=[
            jax.ShapeDtypeStruct((EMB, b), jnp.float32),
            jax.ShapeDtypeStruct((l, EMB, b), jnp.float32),
        ],
        scratch_types=[
            pltpu.VMEM((CH,), jnp.int32),
            pltpu.VMEM((CH,), jnp.int32),
            pltpu.VMEM((CH,), jnp.int32),
            pltpu.VMEM((CH,), jnp.int32),
            pltpu.VMEM((CH, EMB), jnp.float32),
            pltpu.VMEM((CH, EMB), jnp.float32),
            pltpu.VMEM((KL, EMB, BLP), jnp.float32),
            pltpu.VMEM((KL, EMB, BLP), jnp.float32),
            pltpu.SemaphoreType.DMA,
            pltpu.SemaphoreType.DMA,
            pltpu.SemaphoreType.DMA,
            pltpu.SemaphoreType.DMA,
            pltpu.SemaphoreType.DMA,
            pltpu.SemaphoreType.DMA,
            pltpu.SemaphoreType.DMA,
            pltpu.SemaphoreType.DMA,
        ],
    )
    def gather(uids, iidsT, utab, itab, uout, iout,
               i0, i1, i2, i3, r0, r1, t0, t1,
               si0, si1, si2, si3, sg0, sg1, so0, so1):
        idx = (i0, i1, i2, i3)
        rows = (r0, r1)
        tb = (t0, t1)
        si = (si0, si1, si2, si3)
        sg = (sg0, sg1)
        so = (so0, so1)

        wid = lax.axis_index("s") * NC + lax.axis_index("c")
        bbase = wid * bpw

        def user_body(k, carry):
            ub0 = pl.multiple_of(bbase + k * BL, 8)
            pltpu.sync_copy(uids.at[pl.ds(ub0, BL)], i0.at[pl.ds(0, BL)])
            pltpu.async_copy(
                utab.at[i0.at[pl.ds(0, BL)]], r0.at[pl.ds(0, BL)], sg0
            ).wait()
            _transpose_block(r0, t0, 0, 0)
            pltpu.sync_copy(
                t0.at[0, :, pl.ds(0, BL)], uout.at[:, pl.ds(ub0, BL)])
            return carry

        lax.fori_loop(0, nblk, user_body, 0)

        def idx_starts(c, q):
            bi = lax.rem(c, nblk)
            l0 = lax.div(c, nblk) * KL
            b0 = bbase + bi * BL
            for lc in range(KL):
                pltpu.make_async_copy(
                    iidsT.at[l0 + lc, pl.ds(b0, BL)],
                    idx[q].at[pl.ds(lc * BL, BL)], si[q]).start()

        def idx_waits(c, q):
            bi = lax.rem(c, nblk)
            l0 = lax.div(c, nblk) * KL
            b0 = bbase + bi * BL
            for lc in range(KL):
                pltpu.make_async_copy(
                    iidsT.at[l0 + lc, pl.ds(b0, BL)],
                    idx[q].at[pl.ds(lc * BL, BL)], si[q]).wait()

        def store_op(c, p):
            bi = lax.rem(c, nblk)
            l0 = lax.div(c, nblk) * KL
            b0 = bbase + bi * BL
            return pltpu.make_async_copy(
                tb[p].at[:, :, pl.ds(0, BL)],
                iout.at[pl.ds(l0, KL), :, pl.ds(b0, BL)], so[p])

        for q in range(UNROLL):
            idx_starts(q, q)

        def outer(go, carry):
            for j in range(UNROLL):
                c = go * UNROLL + j
                @pl.when(c < n_chunks)
                def _():
                    idx_waits(c, j)
                    pltpu.make_async_copy(
                        itab.at[idx[j]], rows[j % 2], sg[j % 2]).start()
                cf = c - 1
                pj = (j + 1) % 2
                qf = (j + 3) % 4

                @pl.when((cf >= 0) & (cf < n_chunks))
                def _():
                    pltpu.make_async_copy(
                        itab.at[idx[qf]], rows[pj], sg[pj]).wait()
                    @pl.when(cf + UNROLL < n_chunks)
                    def _():
                        idx_starts(cf + UNROLL, qf)
                    @pl.when(cf >= 2)
                    def _():
                        store_op(cf - 2, pj).wait()
                    for lc in range(KL):
                        _transpose_block(rows[pj], tb[pj], lc, lc * BL)
                    store_op(cf, pj).start()
            return carry

        lax.fori_loop(0, n_chunks // UNROLL + 1, outer, 0)

        store_op(n_chunks - 2, (n_chunks - 2) % 2).wait()
        store_op(n_chunks - 1, (n_chunks - 1) % 2).wait()

    return gather


def kernel(user_ids, item_ids, user_table, item_table):
    b, l = item_ids.shape
    iT = jnp.transpose(item_ids).astype(jnp.int32)
    uids = user_ids.astype(jnp.int32)
    gather = _make_gather(uids.shape[0], b, l)
    uout_t, iout_t = gather(uids, iT, user_table, item_table)
    return (jnp.transpose(uout_t), jnp.transpose(iout_t, (2, 0, 1)))

# --- scband reference (transcript-rebuilt; emitter-appended) ---
"""Pipeline reference for scband-light-gcl-base-40389872451692 (READ-ONLY COPY).

The authoritative reference and input builder live on the scoring server;
editing this copy changes nothing except your own understanding.
"""

import jax, jax.numpy as jnp
import numpy as np

NUM_USERS = 1000000
NUM_ITEMS = 1000000
EMB = 64
B = 16384
L = 200


def setup_inputs(seed: int = 0) -> dict:
    key = jax.random.key(seed)
    k1, k2, k3, k4 = jax.random.split(key, 4)
    # nn.Embedding(num+1, emb_dim, padding_idx=0): row 0 is the padding row (zeros).
    user_table = jax.random.normal(k1, (NUM_USERS + 1, EMB), dtype=jnp.float32) * 0.02
    item_table = jax.random.normal(k2, (NUM_ITEMS + 1, EMB), dtype=jnp.float32) * 0.02
    user_table = user_table.at[0].set(0.0)
    item_table = item_table.at[0].set(0.0)
    user_ids = jax.random.randint(k3, (B,), 0, NUM_USERS)
    item_ids = jax.random.randint(k4, (B, L), 0, NUM_ITEMS)
    return {
        "user_ids": user_ids,
        "item_ids": item_ids,
        "user_table": user_table,
        "item_table": item_table,
    }


def reference(user_ids, item_ids, user_table, item_table):
    # Faithful to the torch module: two embedding lookups
    # (embedding_user(user_ids), embedding_item(item_ids)).
    user_emb = jnp.take(user_table, user_ids, axis=0)   # [B, EMB]
    item_emb = jnp.take(item_table, item_ids, axis=0)   # [B, L, EMB]
    return (user_emb, item_emb)

if __name__ == "__main__":
    import jax
    _d = setup_inputs()
    print(jax.jit(kernel)(*tuple(_d.values())))

</pallas_src>

<mosaic_0001>
#map = affine_map<(d0, d1) -> (0)>
#map1 = affine_map<(d0, d1) -> (0, 0)>
#map2 = affine_map<(d0, d1) -> (0, 0, 0)>
module attributes {stable_mosaic.version = 14 : i64} {
  func.func @gather(%arg0: i32, %arg1: i32, %arg2: memref<16384xi32, #tpu.memory_space<hbm>>, %arg3: memref<200x16384xi32, #tpu.memory_space<hbm>>, %arg4: memref<1000001x64xf32, #tpu.memory_space<hbm>>, %arg5: memref<1000001x64xf32, #tpu.memory_space<hbm>>, %arg6: memref<64x16384xf32, #tpu.memory_space<hbm>>, %arg7: memref<200x64x16384xf32, #tpu.memory_space<hbm>>, %arg8: memref<256xi32, #tpu.memory_space<vmem>>, %arg9: memref<256xi32, #tpu.memory_space<vmem>>, %arg10: memref<256xi32, #tpu.memory_space<vmem>>, %arg11: memref<256xi32, #tpu.memory_space<vmem>>, %arg12: memref<256x64xf32, #tpu.memory_space<vmem>>, %arg13: memref<256x64xf32, #tpu.memory_space<vmem>>, %arg14: memref<1x64x257xf32, #tpu.memory_space<vmem>>, %arg15: memref<1x64x257xf32, #tpu.memory_space<vmem>>, %arg16: memref<!tpu.dma_semaphore, #tpu.memory_space<semaphore_mem>>, %arg17: memref<!tpu.dma_semaphore, #tpu.memory_space<semaphore_mem>>, %arg18: memref<!tpu.dma_semaphore, #tpu.memory_space<semaphore_mem>>, %arg19: memref<!tpu.dma_semaphore, #tpu.memory_space<semaphore_mem>>, %arg20: memref<!tpu.dma_semaphore, #tpu.memory_space<semaphore_mem>>, %arg21: memref<!tpu.dma_semaphore, #tpu.memory_space<semaphore_mem>>, %arg22: memref<!tpu.dma_semaphore, #tpu.memory_space<semaphore_mem>>, %arg23: memref<!tpu.dma_semaphore, #tpu.memory_space<semaphore_mem>>) attributes {dimension_semantics = [#tpu.dimension_semantics<core_parallel>, #tpu.dimension_semantics<subcore_parallel>], iteration_bounds = array<i64: 2, 16>, scalar_prefetch = 0 : i64, scratch_operands = 16 : i64, tpu.core_type = #tpu.core_type<sc_vector_subcore>, window_params = [{transform_indices = #map}, {transform_indices = #map1}, {transform_indices = #map1}, {transform_indices = #map1}, {transform_indices = #map1}, {transform_indices = #map2}]} {
    %mul3A = arith.constant 2 : i32
    %mul3A_0 = arith.muli %arg1, %mul3A : i32
    %add3A = arith.addi %mul3A_0, %arg0 : i32
    %mul3A_1 = arith.constant 512 : i32
    %mul3A_2 = arith.muli %add3A, %mul3A_1 : i32
    %scan3A = arith.constant 0 : i32
    %scan3A_3 = arith.constant 0 : i32
    %scan3A_4 = arith.constant 2 : i32
    %scan3A_5 = arith.addi %scan3A_3, %scan3A_4 : i32
    %scan3A_6 = arith.constant 1 : i32
    scf.for %scan3A_140 = %scan3A_3 to %scan3A_5 step %scan3A_6  : i32 {
      %mul3A_141 = arith.constant 256 : i32
      %mul3A_142 = arith.muli %scan3A_140, %mul3A_141 : i32
      %add3A_143 = arith.addi %mul3A_2, %mul3A_142 : i32
      %multiple_of3A = tpu.assume_multiple %add3A_143, 8 : i32
      "tpu.region"() ({
        %run_scoped3A_179 = tpu.sem_alloc : memref<!tpu.dma_semaphore, #tpu.memory_space<semaphore_mem>>
        %dma_start3A_180 = arith.constant 0 : i32
        %dma_start3A_181 = tpu.memref_slice %arg8[%dma_start3A_180] : memref<256xi32, #tpu.memory_space<vmem>> -> memref<256xi32, #tpu.memory_space<vmem>>
        %dma_start3A_182 = tpu.memref_slice %arg2[%multiple_of3A] : memref<16384xi32, #tpu.memory_space<hbm>> -> memref<256xi32, #tpu.memory_space<hbm>>
        %dma_start3A_183 = arith.constant 0 : i32
        %dma_start3A_184 = tpu.memref_slice %arg8[%dma_start3A_183] : memref<256xi32, #tpu.memory_space<vmem>> -> memref<256xi32, #tpu.memory_space<vmem>>
        %dma_start3A_185 = tpu.memref_slice %arg2[%multiple_of3A] : memref<16384xi32, #tpu.memory_space<hbm>> -> memref<256xi32, #tpu.memory_space<hbm>>
        tpu.enqueue_dma source(%dma_start3A_185 : memref<256xi32, #tpu.memory_space<hbm>>) target(%dma_start3A_184 : memref<256xi32, #tpu.memory_space<vmem>>) target_semaphore(%run_scoped3A_179 : memref<!tpu.dma_semaphore, #tpu.memory_space<semaphore_mem>>)
        %dma_wait3A_186 = arith.constant 0 : i32
        %dma_wait3A_187 = tpu.memref_slice %arg8[%dma_wait3A_186] : memref<256xi32, #tpu.memory_space<vmem>> -> memref<256xi32, #tpu.memory_space<vmem>>
        %dma_wait3A_188 = tpu.memref_slice %arg2[%multiple_of3A] : memref<16384xi32, #tpu.memory_space<hbm>> -> memref<256xi32, #tpu.memory_space<hbm>>
        %dma_wait3A_189 = arith.constant 0 : i32
        %dma_wait3A_190 = tpu.memref_slice %arg8[%dma_wait3A_189] : memref<256xi32, #tpu.memory_space<vmem>> -> memref<256xi32, #tpu.memory_space<vmem>>
        %dma_wait3A_191 = tpu.memref_slice %arg2[%multiple_of3A] : memref<16384xi32, #tpu.memory_space<hbm>> -> memref<256xi32, #tpu.memory_space<hbm>>
        tpu.wait_dma2 semaphore(%run_scoped3A_179 : memref<!tpu.dma_semaphore, #tpu.memory_space<semaphore_mem>>) src(%dma_wait3A_191 : memref<256xi32, #tpu.memory_space<hbm>>) dst(%dma_wait3A_190 : memref<256xi32, #tpu.memory_space<vmem>>)
        tpu.yield
      }) : () -> ()
      %dma_start3A_144 = arith.constant 0 : i32
      %dma_start3A_145 = arith.constant 0 : i32
      %dma_start3A_146 = tpu.memref_slice %arg12[%dma_start3A_144, %dma_start3A_145] : memref<256x64xf32, #tpu.memory_space<vmem>> -> memref<256x64xf32, #tpu.memory_space<vmem>>
      %dma_start3A_147 = arith.constant 0 : i32
      %dma_start3A_148 = tpu.memref_slice %arg8[%dma_start3A_147] : memref<256xi32, #tpu.memory_space<vmem>> -> memref<256xi32, #tpu.memory_space<vmem>>
      %dma_start3A_149 = arith.constant 0 : i32
      %dma_start3A_150 = arith.constant 0 : i32
      %dma_start3A_151 = tpu.memref_slice %arg4[%dma_start3A_149, %dma_start3A_150] : memref<1000001x64xf32, #tpu.memory_space<hbm>> -> memref<1000001x64xf32, #tpu.memory_space<hbm>>
      tpu.enqueue_indirect_dma source(%dma_start3A_151 : memref<1000001x64xf32, #tpu.memory_space<hbm>>) target(%dma_start3A_146 : memref<256x64xf32, #tpu.memory_space<vmem>>) offsets(%dma_start3A_148 : memref<256xi32, #tpu.memory_space<vmem>>) semaphore(%arg20 : memref<!tpu.dma_semaphore, #tpu.memory_space<semaphore_mem>>)
      %dma_wait3A_152 = arith.constant 0 : i32
      %dma_wait3A_153 = arith.constant 0 : i32
      %dma_wait3A_154 = tpu.memref_slice %arg12[%dma_wait3A_152, %dma_wait3A_153] : memref<256x64xf32, #tpu.memory_space<vmem>> -> memref<256x64xf32, #tpu.memory_space<vmem>>
      %dma_wait3A_155 = arith.constant 0 : i32
      %dma_wait3A_156 = tpu.memref_slice %arg8[%dma_wait3A_155] : memref<256xi32, #tpu.memory_space<vmem>> -> memref<256xi32, #tpu.memory_space<vmem>>
      %dma_wait3A_157 = arith.constant 0 : i32
      %dma_wait3A_158 = arith.constant 0 : i32
      %dma_wait3A_159 = tpu.memref_slice %arg4[%dma_wait3A_157, %dma_wait3A_158] : memref<1000001x64xf32, #tpu.memory_space<hbm>> -> memref<1000001x64xf32, #tpu.memory_space<hbm>>
      tpu.wait_indirect_dma semaphore(%arg20 : memref<!tpu.dma_semaphore, #tpu.memory_space<semaphore_mem>>) src(%dma_wait3A_159 : memref<1000001x64xf32, #tpu.memory_space<hbm>>) dst(%dma_wait3A_154 : memref<256x64xf32, #tpu.memory_space<vmem>>)
      %iota3A = tpu.iota {dimensions = array<i32: 0>} : vector<16xi32>
      %broadcast_in_dim3A = arith.constant 0 : i32
      %broadcast_in_dim3A_160 = vector.broadcast %broadcast_in_dim3A : i32 to vector<16xi32>
      %add3A_161 = arith.constant 0 : i32
      %add3A_162 = vector.broadcast %add3A_161 : i32 to vector<16xi32>
      %add3A_163 = arith.addi %add3A_162, %iota3A : vector<16xi32>
      %add3A_164 = arith.constant 16 : i32
      %add3A_165 = vector.broadcast %add3A_164 : i32 to vector<16xi32>
      %add3A_166 = arith.addi %add3A_165, %iota3A : vector<16xi32>
      %add3A_167 = arith.constant 32 : i32
      %add3A_168 = vector.broadcast %add3A_167 : i32 to vector<16xi32>
      %add3A_169 = arith.addi %add3A_168, %iota3A : vector<16xi32>
      %add3A_170 = arith.constant 48 : i32
      %add3A_171 = vector.broadcast %add3A_170 : i32 to vector<16xi32>
      %add3A_172 = arith.addi %add3A_171, %iota3A : vector<16xi32>
      %scan3A_173 = arith.constant 0 : i32
      %scan3A_174 = arith.constant 0 : i32
      %scan3A_175 = arith.constant 256 : i32
      %scan3A_176 = arith.addi %scan3A_174, %scan3A_175 : i32
      %scan3A_177 = arith.constant 8 : i32
      scf.for %scan3A_179 = %scan3A_174 to %scan3A_176 step %scan3A_177  : i32 {
        %broadcast_in_dim3A_180 = vector.broadcast %scan3A_179 : i32 to vector<16xi32>
        %add3A_181 = arith.constant 0 : i32
        %add3A_182 = arith.addi %add3A_181, %scan3A_179 : i32
        %get3A = arith.index_cast %add3A_182 : i32 to index
        %get3A_183 = arith.constant 0 : index
        %get3A_184 = tpu.vector_load %arg12[%get3A, %get3A_183] {strides = array<i32>} : memref<256x64xf32, #tpu.memory_space<vmem>>, vector<16xf32>,
        tpu.vector_store_idx %arg14[%broadcast_in_dim3A_160, %add3A_163, %broadcast_in_dim3A_180], %get3A_184 : memref<1x64x257xf32, #tpu.memory_space<vmem>>[vector<16xi32>, vector<16xi32>, vector<16xi32>], vector<16xf32>,
        %get3A_185 = arith.index_cast %add3A_182 : i32 to index
        %get3A_186 = arith.constant 16 : index
        %get3A_187 = tpu.vector_load %arg12[%get3A_185, %get3A_186] {strides = array<i32>} : memref<256x64xf32, #tpu.memory_space<vmem>>, vector<16xf32>,
        tpu.vector_store_idx %arg14[%broadcast_in_dim3A_160, %add3A_166, %broadcast_in_dim3A_180], %get3A_187 : memref<1x64x257xf32, #tpu.memory_space<vmem>>[vector<16xi32>, vector<16xi32>, vector<16xi32>], vector<16xf32>,
        %get3A_188 = arith.index_cast %add3A_182 : i32 to index
        %get3A_189 = arith.constant 32 : index
        %get3A_190 = tpu.vector_load %arg12[%get3A_188, %get3A_189] {strides = array<i32>} : memref<256x64xf32, #tpu.memory_space<vmem>>, vector<16xf32>,
        tpu.vector_store_idx %arg14[%broadcast_in_dim3A_160, %add3A_169, %broadcast_in_dim3A_180], %get3A_190 : memref<1x64x257xf32, #tpu.memory_space<vmem>>[vector<16xi32>, vector<16xi32>, vector<16xi32>], vector<16xf32>,
        %get3A_191 = arith.index_cast %add3A_182 : i32 to index
        %get3A_192 = arith.constant 48 : index
        %get3A_193 = tpu.vector_load %arg12[%get3A_191, %get3A_192] {strides = array<i32>} : memref<256x64xf32, #tpu.memory_space<vmem>>, vector<16xf32>,
        tpu.vector_store_idx %arg14[%broadcast_in_dim3A_160, %add3A_172, %broadcast_in_dim3A_180], %get3A_193 : memref<1x64x257xf32, #tpu.memory_space<vmem>>[vector<16xi32>, vector<16xi32>, vector<16xi32>], vector<16xf32>,
        %scan3A_194 = arith.constant 1 : i32
        %scan3A_195 = arith.addi %scan3A_179, %scan3A_194 : i32
        %broadcast_in_dim3A_196 = vector.broadcast %scan3A_195 : i32 to vector<16xi32>
        %add3A_197 = arith.constant 0 : i32
        %add3A_198 = arith.addi %add3A_197, %scan3A_195 : i32
        %get3A_199 = arith.index_cast %add3A_198 : i32 to index
        %get3A_200 = arith.constant 0 : index
        %get3A_201 = tpu.vector_load %arg12[%get3A_199, %get3A_200] {strides = array<i32>} : memref<256x64xf32, #tpu.memory_space<vmem>>, vector<16xf32>,
        tpu.vector_store_idx %arg14[%broadcast_in_dim3A_160, %add3A_163, %broadcast_in_dim3A_196], %get3A_201 : memref<1x64x257xf32, #tpu.memory_space<vmem>>[vector<16xi32>, vector<16xi32>, vector<16xi32>], vector<16xf32>,
        %get3A_202 = arith.index_cast %add3A_198 : i32 to index
        %get3A_203 = arith.constant 16 : index
        %get3A_204 = tpu.vector_load %arg12[%get3A_202, %get3A_203] {strides = array<i32>} : memref<256x64xf32, #tpu.memory_space<vmem>>, vector<16xf32>,
        tpu.vector_store_idx %arg14[%broadcast_in_dim3A_160, %add3A_166, %broadcast_in_dim3A_196], %get3A_204 : memref<1x64x257xf32, #tpu.memory_space<vmem>>[vector<16xi32>, vector<16xi32>, vector<16xi32>], vector<16xf32>,
        %get3A_205 = arith.index_cast %add3A_198 : i32 to index
        %get3A_206 = arith.constant 32 : index
        %get3A_207 = tpu.vector_load %arg12[%get3A_205, %get3A_206] {strides = array<i32>} : memref<256x64xf32, #tpu.memory_space<vmem>>, vector<16xf32>,
        tpu.vector_store_idx %arg14[%broadcast_in_dim3A_160, %add3A_169, %broadcast_in_dim3A_196], %get3A_207 : memref<1x64x257xf32, #tpu.memory_space<vmem>>[vector<16xi32>, vector<16xi32>, vector<16xi32>], vector<16xf32>,
        %get3A_208 = arith.index_cast %add3A_198 : i32 to index
        %get3A_209 = arith.constant 48 : index
        %get3A_210 = tpu.vector_load %arg12[%get3A_208, %get3A_209] {strides = array<i32>} : memref<256x64xf32, #tpu.memory_space<vmem>>, vector<16xf32>,
        tpu.vector_store_idx %arg14[%broadcast_in_dim3A_160, %add3A_172, %broadcast_in_dim3A_196], %get3A_210 : memref<1x64x257xf32, #tpu.memory_space<vmem>>[vector<16xi32>, vector<16xi32>, vector<16xi32>], vector<16xf32>,
        %scan3A_211 = arith.constant 2 : i32
        %scan3A_212 = arith.addi %scan3A_179, %scan3A_211 : i32
        %broadcast_in_dim3A_213 = vector.broadcast %scan3A_212 : i32 to vector<16xi32>
        %add3A_214 = arith.constant 0 : i32
        %add3A_215 = arith.addi %add3A_214, %scan3A_212 : i32
        %get3A_216 = arith.index_cast %add3A_215 : i32 to index
        %get3A_217 = arith.constant 0 : index
        %get3A_218 = tpu.vector_load %arg12[%get3A_216, %get3A_217] {strides = array<i32>} : memref<256x64xf32, #tpu.memory_space<vmem>>, vector<16xf32>,
        tpu.vector_store_idx %arg14[%broadcast_in_dim3A_160, %add3A_163, %broadcast_in_dim3A_213], %get3A_218 : memref<1x64x257xf32, #tpu.memory_space<vmem>>[vector<16xi32>, vector<16xi32>, vector<16xi32>], vector<16xf32>,
        %get3A_219 = arith.index_cast %add3A_215 : i32 to index
        %get3A_220 = arith.constant 16 : index
        %get3A_221 = tpu.vector_load %arg12[%get3A_219, %get3A_220] {strides = array<i32>} : memref<256x64xf32, #tpu.memory_space<vmem>>, vector<16xf32>,
        tpu.vector_store_idx %arg14[%broadcast_in_dim3A_160, %add3A_166, %broadcast_in_dim3A_213], %get3A_221 : memref<1x64x257xf32, #tpu.memory_space<vmem>>[vector<16xi32>, vector<16xi32>, vector<16xi32>], vector<16xf32>,
        %get3A_222 = arith.index_cast %add3A_215 : i32 to index
        %get3A_223 = arith.constant 32 : index
        %get3A_224 = tpu.vector_load %arg12[%get3A_222, %get3A_223] {strides = array<i32>} : memref<256x64xf32, #tpu.memory_space<vmem>>, vector<16xf32>,
        tpu.vector_store_idx %arg14[%broadcast_in_dim3A_160, %add3A_169, %broadcast_in_dim3A_213], %get3A_224 : memref<1x64x257xf32, #tpu.memory_space<vmem>>[vector<16xi32>, vector<16xi32>, vector<16xi32>], vector<16xf32>,
        %get3A_225 = arith.index_cast %add3A_215 : i32 to index
        %get3A_226 = arith.constant 48 : index
        %get3A_227 = tpu.vector_load %arg12[%get3A_225, %get3A_226] {strides = array<i32>} : memref<256x64xf32, #tpu.memory_space<vmem>>, vector<16xf32>,
        tpu.vector_store_idx %arg14[%broadcast_in_dim3A_160, %add3A_172, %broadcast_in_dim3A_213], %get3A_227 : memref<1x64x257xf32, #tpu.memory_space<vmem>>[vector<16xi32>, vector<16xi32>, vector<16xi32>], vector<16xf32>,
        %scan3A_228 = arith.constant 3 : i32
        %scan3A_229 = arith.addi %scan3A_179, %scan3A_228 : i32
        %broadcast_in_dim3A_230 = vector.broadcast %scan3A_229 : i32 to vector<16xi32>
        %add3A_231 = arith.constant 0 : i32
        %add3A_232 = arith.addi %add3A_231, %scan3A_229 : i32
        %get3A_233 = arith.index_cast %add3A_232 : i32 to index
        %get3A_234 = arith.constant 0 : index
        %get3A_235 = tpu.vector_load %arg12[%get3A_233, %get3A_234] {strides = array<i32>} : memref<256x64xf32, #tpu.memory_space<vmem>>, vector<16xf32>,
        tpu.vector_store_idx %arg14[%broadcast_in_dim3A_160, %add3A_163, %broadcast_in_dim3A_230], %get3A_235 : memref<1x64x257xf32, #tpu.memory_space<vmem>>[vector<16xi32>, vector<16xi32>, vector<16xi32>], vector<16xf32>,
        %get3A_236 = arith.index_cast %add3A_232 : i32 to index
        %get3A_237 = arith.constant 16 : index
        %get3A_238 = tpu.vector_load %arg12[%get3A_236, %get3A_237] {strides = array<i32>} : memref<256x64xf32, #tpu.memory_space<vmem>>, vector<16xf32>,
        tpu.vector_store_idx %arg14[%broadcast_in_dim3A_160, %add3A_166, %broadcast_in_dim3A_230], %get3A_238 : memref<1x64x257xf32, #tpu.memory_space<vmem>>[vector<16xi32>, vector<16xi32>, vector<16xi32>], vector<16xf32>,
        %get3A_239 = arith.index_cast %add3A_232 : i32 to index
        %get3A_240 = arith.constant 32 : index
        %get3A_241 = tpu.vector_load %arg12[%get3A_239, %get3A_240] {strides = array<i32>} : memref<256x64xf32, #tpu.memory_space<vmem>>, vector<16xf32>,
        tpu.vector_store_idx %arg14[%broadcast_in_dim3A_160, %add3A_169, %broadcast_in_dim3A_230], %get3A_241 : memref<1x64x257xf32, #tpu.memory_space<vmem>>[vector<16xi32>, vector<16xi32>, vector<16xi32>], vector<16xf32>,
        %get3A_242 = arith.index_cast %add3A_232 : i32 to index
        %get3A_243 = arith.constant 48 : index
        %get3A_244 = tpu.vector_load %arg12[%get3A_242, %get3A_243] {strides = array<i32>} : memref<256x64xf32, #tpu.memory_space<vmem>>, vector<16xf32>,
        tpu.vector_store_idx %arg14[%broadcast_in_dim3A_160, %add3A_172, %broadcast_in_dim3A_230], %get3A_244 : memref<1x64x257xf32, #tpu.memory_space<vmem>>[vector<16xi32>, vector<16xi32>, vector<16xi32>], vector<16xf32>,
        %scan3A_245 = arith.constant 4 : i32
        %scan3A_246 = arith.addi %scan3A_179, %scan3A_245 : i32
        %broadcast_in_dim3A_247 = vector.broadcast %scan3A_246 : i32 to vector<16xi32>
        %add3A_248 = arith.constant 0 : i32
        %add3A_249 = arith.addi %add3A_248, %scan3A_246 : i32
        %get3A_250 = arith.index_cast %add3A_249 : i32 to index
        %get3A_251 = arith.constant 0 : index
        %get3A_252 = tpu.vector_load %arg12[%get3A_250, %get3A_251] {strides = array<i32>} : memref<256x64xf32, #tpu.memory_space<vmem>>, vector<16xf32>,
        tpu.vector_store_idx %arg14[%broadcast_in_dim3A_160, %add3A_163, %broadcast_in_dim3A_247], %get3A_252 : memref<1x64x257xf32, #tpu.memory_space<vmem>>[vector<16xi32>, vector<16xi32>, vector<16xi32>], vector<16xf32>,
        %get3A_253 = arith.index_cast %add3A_249 : i32 to index
        %get3A_254 = arith.constant 16 : index
        %get3A_255 = tpu.vector_load %arg12[%get3A_253, %get3A_254] {strides = array<i32>} : memref<256x64xf32, #tpu.memory_space<vmem>>, vector<16xf32>,
        tpu.vector_store_idx %arg14[%broadcast_in_dim3A_160, %add3A_166, %broadcast_in_dim3A_247], %get3A_255 : memref<1x64x257xf32, #tpu.memory_space<vmem>>[vector<16xi32>, vector<16xi32>, vector<16xi32>], vector<16xf32>,
        %get3A_256 = arith.index_cast %add3A_249 : i32 to index
        %get3A_257 = arith.constant 32 : index
        %get3A_258 = tpu.vector_load %arg12[%get3A_256, %get3A_257] {strides = array<i32>} : memref<256x64xf32, #tpu.memory_space<vmem>>, vector<16xf32>,
        tpu.vector_store_idx %arg14[%broadcast_in_dim3A_160, %add3A_169, %broadcast_in_dim3A_247], %get3A_258 : memref<1x64x257xf32, #tpu.memory_space<vmem>>[vector<16xi32>, vector<16xi32>, vector<16xi32>], vector<16xf32>,
        %get3A_259 = arith.index_cast %add3A_249 : i32 to index
        %get3A_260 = arith.constant 48 : index
        %get3A_261 = tpu.vector_load %arg12[%get3A_259, %get3A_260] {strides = array<i32>} : memref<256x64xf32, #tpu.memory_space<vmem>>, vector<16xf32>,
        tpu.vector_store_idx %arg14[%broadcast_in_dim3A_160, %add3A_172, %broadcast_in_dim3A_247], %get3A_261 : memref<1x64x257xf32, #tpu.memory_space<vmem>>[vector<16xi32>, vector<16xi32>, vector<16xi32>], vector<16xf32>,
        %scan3A_262 = arith.constant 5 : i32
        %scan3A_263 = arith.addi %scan3A_179, %scan3A_262 : i32
        %broadcast_in_dim3A_264 = vector.broadcast %scan3A_263 : i32 to vector<16xi32>
        %add3A_265 = arith.constant 0 : i32
        %add3A_266 = arith.addi %add3A_265, %scan3A_263 : i32
        %get3A_267 = arith.index_cast %add3A_266 : i32 to index
        %get3A_268 = arith.constant 0 : index
        %get3A_269 = tpu.vector_load %arg12[%get3A_267, %get3A_268] {strides = array<i32>} : memref<256x64xf32, #tpu.memory_space<vmem>>, vector<16xf32>,
        tpu.vector_store_idx %arg14[%broadcast_in_dim3A_160, %add3A_163, %broadcast_in_dim3A_264], %get3A_269 : memref<1x64x257xf32, #tpu.memory_space<vmem>>[vector<16xi32>, vector<16xi32>, vector<16xi32>], vector<16xf32>,
        %get3A_270 = arith.index_cast %add3A_266 : i32 to index
        %get3A_271 = arith.constant 16 : index
        %get3A_272 = tpu.vector_load %arg12[%get3A_270, %get3A_271] {strides = array<i32>} : memref<256x64xf32, #tpu.memory_space<vmem>>, vector<16xf32>,
        tpu.vector_store_idx %arg14[%broadcast_in_dim3A_160, %add3A_166, %broadcast_in_dim3A_264], %get3A_272 : memref<1x64x257xf32, #tpu.memory_space<vmem>>[vector<16xi32>, vector<16xi32>, vector<16xi32>], vector<16xf32>,
        %get3A_273 = arith.index_cast %add3A_266 : i32 to index
        %get3A_274 = arith.constant 32 : index
        %get3A_275 = tpu.vector_load %arg12[%get3A_273, %get3A_274] {strides = array<i32>} : memref<256x64xf32, #tpu.memory_space<vmem>>, vector<16xf32>,
        tpu.vector_store_idx %arg14[%broadcast_in_dim3A_160, %add3A_169, %broadcast_in_dim3A_264], %get3A_275 : memref<1x64x257xf32, #tpu.memory_space<vmem>>[vector<16xi32>, vector<16xi32>, vector<16xi32>], vector<16xf32>,
        %get3A_276 = arith.index_cast %add3A_266 : i32 to index
        %get3A_277 = arith.constant 48 : index
        %get3A_278 = tpu.vector_load %arg12[%get3A_276, %get3A_277] {strides = array<i32>} : memref<256x64xf32, #tpu.memory_space<vmem>>, vector<16xf32>,
        tpu.vector_store_idx %arg14[%broadcast_in_dim3A_160, %add3A_172, %broadcast_in_dim3A_264], %get3A_278 : memref<1x64x257xf32, #tpu.memory_space<vmem>>[vector<16xi32>, vector<16xi32>, vector<16xi32>], vector<16xf32>,
        %scan3A_279 = arith.constant 6 : i32
        %scan3A_280 = arith.addi %scan3A_179, %scan3A_279 : i32
        %broadcast_in_dim3A_281 = vector.broadcast %scan3A_280 : i32 to vector<16xi32>
        %add3A_282 = arith.constant 0 : i32
        %add3A_283 = arith.addi %add3A_282, %scan3A_280 : i32
        %get3A_284 = arith.index_cast %add3A_283 : i32 to index
        %get3A_285 = arith.constant 0 : index
        %get3A_286 = tpu.vector_load %arg12[%get3A_284, %get3A_285] {strides = array<i32>} : memref<256x64xf32, #tpu.memory_space<vmem>>, vector<16xf32>,
        tpu.vector_store_idx %arg14[%broadcast_in_dim3A_160, %add3A_163, %broadcast_in_dim3A_281], %get3A_286 : memref<1x64x257xf32, #tpu.memory_space<vmem>>[vector<16xi32>, vector<16xi32>, vector<16xi32>], vector<16xf32>,
        %get3A_287 = arith.index_cast %add3A_283 : i32 to index
        %get3A_288 = arith.constant 16 : index
        %get3A_289 = tpu.vector_load %arg12[%get3A_287, %get3A_288] {strides = array<i32>} : memref<256x64xf32, #tpu.memory_space<vmem>>, vector<16xf32>,
        tpu.vector_store_idx %arg14[%broadcast_in_dim3A_160, %add3A_166, %broadcast_in_dim3A_281], %get3A_289 : memref<1x64x257xf32, #tpu.memory_space<vmem>>[vector<16xi32>, vector<16xi32>, vector<16xi32>], vector<16xf32>,
        %get3A_290 = arith.index_cast %add3A_283 : i32 to index
        %get3A_291 = arith.constant 32 : index
        %get3A_292 = tpu.vector_load %arg12[%get3A_290, %get3A_291] {strides = array<i32>} : memref<256x64xf32, #tpu.memory_space<vmem>>, vector<16xf32>,
        tpu.vector_store_idx %arg14[%broadcast_in_dim3A_160, %add3A_169, %broadcast_in_dim3A_281], %get3A_292 : memref<1x64x257xf32, #tpu.memory_space<vmem>>[vector<16xi32>, vector<16xi32>, vector<16xi32>], vector<16xf32>,
        %get3A_293 = arith.index_cast %add3A_283 : i32 to index
        %get3A_294 = arith.constant 48 : index
        %get3A_295 = tpu.vector_load %arg12[%get3A_293, %get3A_294] {strides = array<i32>} : memref<256x64xf32, #tpu.memory_space<vmem>>, vector<16xf32>,
        tpu.vector_store_idx %arg14[%broadcast_in_dim3A_160, %add3A_172, %broadcast_in_dim3A_281], %get3A_295 : memref<1x64x257xf32, #tpu.memory_space<vmem>>[vector<16xi32>, vector<16xi32>, vector<16xi32>], vector<16xf32>,
        %scan3A_296 = arith.constant 7 : i32
        %scan3A_297 = arith.addi %scan3A_179, %scan3A_296 : i32
        %broadcast_in_dim3A_298 = vector.broadcast %scan3A_297 : i32 to vector<16xi32>
        %add3A_299 = arith.constant 0 : i32
        %add3A_300 = arith.addi %add3A_299, %scan3A_297 : i32
        %get3A_301 = arith.index_cast %add3A_300 : i32 to index
        %get3A_302 = arith.constant 0 : index
        %get3A_303 = tpu.vector_load %arg12[%get3A_301, %get3A_302] {strides = array<i32>} : memref<256x64xf32, #tpu.memory_space<vmem>>, vector<16xf32>,
        tpu.vector_store_idx %arg14[%broadcast_in_dim3A_160, %add3A_163, %broadcast_in_dim3A_298], %get3A_303 : memref<1x64x257xf32, #tpu.memory_space<vmem>>[vector<16xi32>, vector<16xi32>, vector<16xi32>], vector<16xf32>,
        %get3A_304 = arith.index_cast %add3A_300 : i32 to index
        %get3A_305 = arith.constant 16 : index
        %get3A_306 = tpu.vector_load %arg12[%get3A_304, %get3A_305] {strides = array<i32>} : memref<256x64xf32, #tpu.memory_space<vmem>>, vector<16xf32>,
        tpu.vector_store_idx %arg14[%broadcast_in_dim3A_160, %add3A_166, %broadcast_in_dim3A_298], %get3A_306 : memref<1x64x257xf32, #tpu.memory_space<vmem>>[vector<16xi32>, vector<16xi32>, vector<16xi32>], vector<16xf32>,
        %get3A_307 = arith.index_cast %add3A_300 : i32 to index
        %get3A_308 = arith.constant 32 : index
        %get3A_309 = tpu.vector_load %arg12[%get3A_307, %get3A_308] {strides = array<i32>} : memref<256x64xf32, #tpu.memory_space<vmem>>, vector<16xf32>,
        tpu.vector_store_idx %arg14[%broadcast_in_dim3A_160, %add3A_169, %broadcast_in_dim3A_298], %get3A_309 : memref<1x64x257xf32, #tpu.memory_space<vmem>>[vector<16xi32>, vector<16xi32>, vector<16xi32>], vector<16xf32>,
        %get3A_310 = arith.index_cast %add3A_300 : i32 to index
        %get3A_311 = arith.constant 48 : index
        %get3A_312 = tpu.vector_load %arg12[%get3A_310, %get3A_311] {strides = array<i32>} : memref<256x64xf32, #tpu.memory_space<vmem>>, vector<16xf32>,
        tpu.vector_store_idx %arg14[%broadcast_in_dim3A_160, %add3A_172, %broadcast_in_dim3A_298], %get3A_312 : memref<1x64x257xf32, #tpu.memory_space<vmem>>[vector<16xi32>, vector<16xi32>, vector<16xi32>], vector<16xf32>,
      }
      %scan3A_178 = arith.constant 256 : i32
      %run_scoped3A = arith.constant 0 : i32
      "tpu.region"() ({
        %run_scoped3A_179 = tpu.sem_alloc : memref<!tpu.dma_semaphore, #tpu.memory_space<semaphore_mem>>
        %dma_start3A_180 = arith.constant 0 : i32
        %dma_start3A_181 = arith.constant 0 : i32
        %dma_start3A_182 = tpu.memref_slice %arg14[%run_scoped3A, %dma_start3A_180, %dma_start3A_181] : memref<1x64x257xf32, #tpu.memory_space<vmem>> -> memref<1x64x256xf32, #tpu.memory_space<vmem>>
        %dma_start3A_183 = tpu.memref_squeeze %dma_start3A_182 : memref<1x64x256xf32, #tpu.memory_space<vmem>> -> memref<64x256xf32, #tpu.memory_space<vmem>>
        %dma_start3A_184 = arith.constant 0 : i32
        %dma_start3A_185 = tpu.memref_slice %arg6[%dma_start3A_184, %multiple_of3A] : memref<64x16384xf32, #tpu.memory_space<hbm>> -> memref<64x256xf32, #tpu.memory_space<hbm>>
        %dma_start3A_186 = arith.constant 0 : i32
        %dma_start3A_187 = tpu.memref_slice %arg6[%dma_start3A_186, %multiple_of3A] : memref<64x16384xf32, #tpu.memory_space<hbm>> -> memref<64x256xf32, #tpu.memory_space<hbm>>
        %dma_start3A_188 = arith.constant 0 : i32
        %dma_start3A_189 = arith.constant 0 : i32
        %dma_start3A_190 = tpu.memref_slice %arg14[%run_scoped3A, %dma_start3A_188, %dma_start3A_189] : memref<1x64x257xf32, #tpu.memory_space<vmem>> -> memref<1x64x256xf32, #tpu.memory_space<vmem>>
        %dma_start3A_191 = tpu.memref_squeeze %dma_start3A_190 : memref<1x64x256xf32, #tpu.memory_space<vmem>> -> memref<64x256xf32, #tpu.memory_space<vmem>>
        tpu.enqueue_dma source(%dma_start3A_191 : memref<64x256xf32, #tpu.memory_space<vmem>>) target(%dma_start3A_187 : memref<64x256xf32, #tpu.memory_space<hbm>>) target_semaphore(%run_scoped3A_179 : memref<!tpu.dma_semaphore, #tpu.memory_space<semaphore_mem>>)
        %dma_wait3A_192 = arith.constant 0 : i32
        %dma_wait3A_193 = arith.constant 0 : i32
        %dma_wait3A_194 = tpu.memref_slice %arg14[%run_scoped3A, %dma_wait3A_192, %dma_wait3A_193] : memref<1x64x257xf32, #tpu.memory_space<vmem>> -> memref<1x64x256xf32, #tpu.memory_space<vmem>>
        %dma_wait3A_195 = tpu.memref_squeeze %dma_wait3A_194 : memref<1x64x256xf32, #tpu.memory_space<vmem>> -> memref<64x256xf32, #tpu.memory_space<vmem>>
        %dma_wait3A_196 = arith.constant 0 : i32
        %dma_wait3A_197 = tpu.memref_slice %arg6[%dma_wait3A_196, %multiple_of3A] : memref<64x16384xf32, #tpu.memory_space<hbm>> -> memref<64x256xf32, #tpu.memory_space<hbm>>
        %dma_wait3A_198 = arith.constant 0 : i32
        %dma_wait3A_199 = tpu.memref_slice %arg6[%dma_wait3A_198, %multiple_of3A] : memref<64x16384xf32, #tpu.memory_space<hbm>> -> memref<64x256xf32, #tpu.memory_space<hbm>>
        %dma_wait3A_200 = arith.constant 0 : i32
        %dma_wait3A_201 = arith.constant 0 : i32
        %dma_wait3A_202 = tpu.memref_slice %arg14[%run_scoped3A, %dma_wait3A_200, %dma_wait3A_201] : memref<1x64x257xf32, #tpu.memory_space<vmem>> -> memref<1x64x256xf32, #tpu.memory_space<vmem>>
        %dma_wait3A_203 = tpu.memref_squeeze %dma_wait3A_202 : memref<1x64x256xf32, #tpu.memory_space<vmem>> -> memref<64x256xf32, #tpu.memory_space<vmem>>
        tpu.wait_dma2 semaphore(%run_scoped3A_179 : memref<!tpu.dma_semaphore, #tpu.memory_space<semaphore_mem>>) src(%dma_wait3A_203 : memref<64x256xf32, #tpu.memory_space<vmem>>) dst(%dma_wait3A_199 : memref<64x256xf32, #tpu.memory_space<hbm>>)
        tpu.yield
      }) : () -> ()
    }
    %scan3A_7 = arith.constant 2 : i32
    %rem3A = arith.constant 0 : i32
    %rem3A_8 = arith.constant 2 : i32
    %rem3A_9 = arith.remsi %rem3A, %rem3A_8 : i32
    %div3A = arith.constant 0 : i32
    %div3A_10 = arith.constant 2 : i32
    %div3A_11 = arith.divsi %div3A, %div3A_10 : i32
    %mul3A_12 = arith.constant 1 : i32
    %mul3A_13 = arith.muli %div3A_11, %mul3A_12 : i32
    %mul3A_14 = arith.constant 256 : i32
    %mul3A_15 = arith.muli %rem3A_9, %mul3A_14 : i32
    %add3A_16 = arith.addi %mul3A_2, %mul3A_15 : i32
    %add3A_17 = arith.constant 0 : i32
    %add3A_18 = arith.addi %mul3A_13, %add3A_17 : i32
    %dma_start3A = arith.constant 0 : i32
    %dma_start3A_19 = tpu.memref_slice %arg8[%dma_start3A] : memref<256xi32, #tpu.memory_space<vmem>> -> memref<256xi32, #tpu.memory_space<vmem>>
    %dma_start3A_20 = tpu.memref_slice %arg3[%add3A_18, %add3A_16] : memref<200x16384xi32, #tpu.memory_space<hbm>> -> memref<1x256xi32, #tpu.memory_space<hbm>>
    %dma_start3A_21 = tpu.memref_squeeze %dma_start3A_20 : memref<1x256xi32, #tpu.memory_space<hbm>> -> memref<256xi32, #tpu.memory_space<hbm>>
    %dma_start3A_22 = arith.constant 0 : i32
    %dma_start3A_23 = tpu.memref_slice %arg8[%dma_start3A_22] : memref<256xi32, #tpu.memory_space<vmem>> -> memref<256xi32, #tpu.memory_space<vmem>>
    %dma_start3A_24 = tpu.memref_slice %arg3[%add3A_18, %add3A_16] : memref<200x16384xi32, #tpu.memory_space<hbm>> -> memref<1x256xi32, #tpu.memory_space<hbm>>
    %dma_start3A_25 = tpu.memref_squeeze %dma_start3A_24 : memref<1x256xi32, #tpu.memory_space<hbm>> -> memref<256xi32, #tpu.memory_space<hbm>>
    tpu.enqueue_dma source(%dma_start3A_25 : memref<256xi32, #tpu.memory_space<hbm>>) target(%dma_start3A_23 : memref<256xi32, #tpu.memory_space<vmem>>) target_semaphore(%arg16 : memref<!tpu.dma_semaphore, #tpu.memory_space<semaphore_mem>>)
    %rem3A_26 = arith.constant 1 : i32
    %rem3A_27 = arith.constant 2 : i32
    %rem3A_28 = arith.remsi %rem3A_26, %rem3A_27 : i32
    %div3A_29 = arith.constant 1 : i32
    %div3A_30 = arith.constant 2 : i32
    %div3A_31 = arith.divsi %div3A_29, %div3A_30 : i32
    %mul3A_32 = arith.constant 1 : i32
    %mul3A_33 = arith.muli %div3A_31, %mul3A_32 : i32
    %mul3A_34 = arith.constant 256 : i32
    %mul3A_35 = arith.muli %rem3A_28, %mul3A_34 : i32
    %add3A_36 = arith.addi %mul3A_2, %mul3A_35 : i32
    %add3A_37 = arith.constant 0 : i32
    %add3A_38 = arith.addi %mul3A_33, %add3A_37 : i32
    %dma_start3A_39 = arith.constant 0 : i32
    %dma_start3A_40 = tpu.memref_slice %arg9[%dma_start3A_39] : memref<256xi32, #tpu.memory_space<vmem>> -> memref<256xi32, #tpu.memory_space<vmem>>
    %dma_start3A_41 = tpu.memref_slice %arg3[%add3A_38, %add3A_36] : memref<200x16384xi32, #tpu.memory_space<hbm>> -> memref<1x256xi32, #tpu.memory_space<hbm>>
    %dma_start3A_42 = tpu.memref_squeeze %dma_start3A_41 : memref<1x256xi32, #tpu.memory_space<hbm>> -> memref<256xi32, #tpu.memory_space<hbm>>
    %dma_start3A_43 = arith.constant 0 : i32
    %dma_start3A_44 = tpu.memref_slice %arg9[%dma_start3A_43] : memref<256xi32, #tpu.memory_space<vmem>> -> memref<256xi32, #tpu.memory_space<vmem>>
    %dma_start3A_45 = tpu.memref_slice %arg3[%add3A_38, %add3A_36] : memref<200x16384xi32, #tpu.memory_space<hbm>> -> memref<1x256xi32, #tpu.memory_space<hbm>>
    %dma_start3A_46 = tpu.memref_squeeze %dma_start3A_45 : memref<1x256xi32, #tpu.memory_space<hbm>> -> memref<256xi32, #tpu.memory_space<hbm>>
    tpu.enqueue_dma source(%dma_start3A_46 : memref<256xi32, #tpu.memory_space<hbm>>) target(%dma_start3A_44 : memref<256xi32, #tpu.memory_space<vmem>>) target_semaphore(%arg17 : memref<!tpu.dma_semaphore, #tpu.memory_space<semaphore_mem>>)
    %rem3A_47 = arith.constant 2 : i32
    %rem3A_48 = arith.constant 2 : i32
    %rem3A_49 = arith.remsi %rem3A_47, %rem3A_48 : i32
    %div3A_50 = arith.constant 2 : i32
    %div3A_51 = arith.constant 2 : i32
    %div3A_52 = arith.divsi %div3A_50, %div3A_51 : i32
    %mul3A_53 = arith.constant 1 : i32
    %mul3A_54 = arith.muli %div3A_52, %mul3A_53 : i32
    %mul3A_55 = arith.constant 256 : i32
    %mul3A_56 = arith.muli %rem3A_49, %mul3A_55 : i32
    %add3A_57 = arith.addi %mul3A_2, %mul3A_56 : i32
    %add3A_58 = arith.constant 0 : i32
    %add3A_59 = arith.addi %mul3A_54, %add3A_58 : i32
    %dma_start3A_60 = arith.constant 0 : i32
    %dma_start3A_61 = tpu.memref_slice %arg10[%dma_start3A_60] : memref<256xi32, #tpu.memory_space<vmem>> -> memref<256xi32, #tpu.memory_space<vmem>>
    %dma_start3A_62 = tpu.memref_slice %arg3[%add3A_59, %add3A_57] : memref<200x16384xi32, #tpu.memory_space<hbm>> -> memref<1x256xi32, #tpu.memory_space<hbm>>
    %dma_start3A_63 = tpu.memref_squeeze %dma_start3A_62 : memref<1x256xi32, #tpu.memory_space<hbm>> -> memref<256xi32, #tpu.memory_space<hbm>>
    %dma_start3A_64 = arith.constant 0 : i32
    %dma_start3A_65 = tpu.memref_slice %arg10[%dma_start3A_64] : memref<256xi32, #tpu.memory_space<vmem>> -> memref<256xi32, #tpu.memory_space<vmem>>
    %dma_start3A_66 = tpu.memref_slice %arg3[%add3A_59, %add3A_57] : memref<200x16384xi32, #tpu.memory_space<hbm>> -> memref<1x256xi32, #tpu.memory_space<hbm>>
    %dma_start3A_67 = tpu.memref_squeeze %dma_start3A_66 : memref<1x256xi32, #tpu.memory_space<hbm>> -> memref<256xi32, #tpu.memory_space<hbm>>
    tpu.enqueue_dma source(%dma_start3A_67 : memref<256xi32, #tpu.memory_space<hbm>>) target(%dma_start3A_65 : memref<256xi32, #tpu.memory_space<vmem>>) target_semaphore(%arg18 : memref<!tpu.dma_semaphore, #tpu.memory_space<semaphore_mem>>)
    %rem3A_68 = arith.constant 3 : i32
    %rem3A_69 = arith.constant 2 : i32
    %rem3A_70 = arith.remsi %rem3A_68, %rem3A_69 : i32
    %div3A_71 = arith.constant 3 : i32
    %div3A_72 = arith.constant 2 : i32
    %div3A_73 = arith.divsi %div3A_71, %div3A_72 : i32
    %mul3A_74 = arith.constant 1 : i32
    %mul3A_75 = arith.muli %div3A_73, %mul3A_74 : i32
    %mul3A_76 = arith.constant 256 : i32
    %mul3A_77 = arith.muli %rem3A_70, %mul3A_76 : i32
    %add3A_78 = arith.addi %mul3A_2, %mul3A_77 : i32
    %add3A_79 = arith.constant 0 : i32
    %add3A_80 = arith.addi %mul3A_75, %add3A_79 : i32
    %dma_start3A_81 = arith.constant 0 : i32
    %dma_start3A_82 = tpu.memref_slice %arg11[%dma_start3A_81] : memref<256xi32, #tpu.memory_space<vmem>> -> memref<256xi32, #tpu.memory_space<vmem>>
    %dma_start3A_83 = tpu.memref_slice %arg3[%add3A_80, %add3A_78] : memref<200x16384xi32, #tpu.memory_space<hbm>> -> memref<1x256xi32, #tpu.memory_space<hbm>>
    %dma_start3A_84 = tpu.memref_squeeze %dma_start3A_83 : memref<1x256xi32, #tpu.memory_space<hbm>> -> memref<256xi32, #tpu.memory_space<hbm>>
    %dma_start3A_85 = arith.constant 0 : i32
    %dma_start3A_86 = tpu.memref_slice %arg11[%dma_start3A_85] : memref<256xi32, #tpu.memory_space<vmem>> -> memref<256xi32, #tpu.memory_space<vmem>>
    %dma_start3A_87 = tpu.memref_slice %arg3[%add3A_80, %add3A_78] : memref<200x16384xi32, #tpu.memory_space<hbm>> -> memref<1x256xi32, #tpu.memory_space<hbm>>
    %dma_start3A_88 = tpu.memref_squeeze %dma_start3A_87 : memref<1x256xi32, #tpu.memory_space<hbm>> -> memref<256xi32, #tpu.memory_space<hbm>>
    tpu.enqueue_dma source(%dma_start3A_88 : memref<256xi32, #tpu.memory_space<hbm>>) target(%dma_start3A_86 : memref<256xi32, #tpu.memory_space<vmem>>) target_semaphore(%arg19 : memref<!tpu.dma_semaphore, #tpu.memory_space<semaphore_mem>>)
    %scan3A_89 = arith.constant 0 : i32
    %scan3A_90 = arith.constant 0 : i32
    %scan3A_91 = arith.constant 101 : i32
    %scan3A_92 = arith.addi %scan3A_90, %scan3A_91 : i32
    %scan3A_93 = arith.constant 1 : i32
    scf.for %scan3A_140 = %scan3A_90 to %scan3A_92 step %scan3A_93  : i32 {
      %mul3A_141 = arith.constant 4 : i32
      %mul3A_142 = arith.muli %scan3A_140, %mul3A_141 : i32
      %add3A_143 = arith.constant 0 : i32
      %add3A_144 = arith.addi %mul3A_142, %add3A_143 : i32
      %lt3A = arith.constant 400 : i32
      %lt3A_145 = arith.cmpi slt, %add3A_144, %lt3A : i32
      %convert_element_type3A = arith.extui %lt3A_145 : i1 to i32
      %cond3A = arith.constant 0 : i32
      %cond3A_146 = arith.cmpi ne, %convert_element_type3A, %cond3A : i32
      scf.if %cond3A_146 {
        %rem3A_211 = arith.constant 2 : i32
        %rem3A_212 = arith.remsi %add3A_144, %rem3A_211 : i32
        %div3A_213 = arith.constant 2 : i32
        %div3A_214 = arith.divsi %add3A_144, %div3A_213 : i32
        %mul3A_215 = arith.constant 1 : i32
        %mul3A_216 = arith.muli %div3A_214, %mul3A_215 : i32
        %mul3A_217 = arith.constant 256 : i32
        %mul3A_218 = arith.muli %rem3A_212, %mul3A_217 : i32
        %add3A_219 = arith.addi %mul3A_2, %mul3A_218 : i32
        %add3A_220 = arith.constant 0 : i32
        %add3A_221 = arith.addi %mul3A_216, %add3A_220 : i32
        %dma_wait3A_222 = arith.constant 0 : i32
        %dma_wait3A_223 = tpu.memref_slice %arg8[%dma_wait3A_222] : memref<256xi32, #tpu.memory_space<vmem>> -> memref<256xi32, #tpu.memory_space<vmem>>
        %dma_wait3A_224 = tpu.memref_slice %arg3[%add3A_221, %add3A_219] : memref<200x16384xi32, #tpu.memory_space<hbm>> -> memref<1x256xi32, #tpu.memory_space<hbm>>
        %dma_wait3A_225 = tpu.memref_squeeze %dma_wait3A_224 : memref<1x256xi32, #tpu.memory_space<hbm>> -> memref<256xi32, #tpu.memory_space<hbm>>
        %dma_wait3A_226 = arith.constant 0 : i32
        %dma_wait3A_227 = tpu.memref_slice %arg8[%dma_wait3A_226] : memref<256xi32, #tpu.memory_space<vmem>> -> memref<256xi32, #tpu.memory_space<vmem>>
        %dma_wait3A_228 = tpu.memref_slice %arg3[%add3A_221, %add3A_219] : memref<200x16384xi32, #tpu.memory_space<hbm>> -> memref<1x256xi32, #tpu.memory_space<hbm>>
        %dma_wait3A_229 = tpu.memref_squeeze %dma_wait3A_228 : memref<1x256xi32, #tpu.memory_space<hbm>> -> memref<256xi32, #tpu.memory_space<hbm>>
        tpu.wait_dma2 semaphore(%arg16 : memref<!tpu.dma_semaphore, #tpu.memory_space<semaphore_mem>>) src(%dma_wait3A_229 : memref<256xi32, #tpu.memory_space<hbm>>) dst(%dma_wait3A_227 : memref<256xi32, #tpu.memory_space<vmem>>)
        %dma_start3A_230 = arith.constant 0 : i32
        %dma_start3A_231 = arith.constant 0 : i32
        %dma_start3A_232 = tpu.memref_slice %arg5[%dma_start3A_230, %dma_start3A_231] : memref<1000001x64xf32, #tpu.memory_space<hbm>> -> memref<1000001x64xf32, #tpu.memory_space<hbm>>
        tpu.enqueue_indirect_dma source(%dma_start3A_232 : memref<1000001x64xf32, #tpu.memory_space<hbm>>) target(%arg12 : memref<256x64xf32, #tpu.memory_space<vmem>>) offsets(%arg8 : memref<256xi32, #tpu.memory_space<vmem>>) semaphore(%arg20 : memref<!tpu.dma_semaphore, #tpu.memory_space<semaphore_mem>>)
      } else {
      }
      %sub3A = arith.constant 1 : i32
      %sub3A_147 = arith.subi %add3A_144, %sub3A : i32
      %ge3A = arith.constant 0 : i32
      %ge3A_148 = arith.cmpi sge, %sub3A_147, %ge3A : i32
      %lt3A_149 = arith.constant 400 : i32
      %lt3A_150 = arith.cmpi slt, %sub3A_147, %lt3A_149 : i32
      %and3A = arith.andi %ge3A_148, %lt3A_150 : i1
      %convert_element_type3A_151 = arith.extui %and3A : i1 to i32
      %cond3A_152 = arith.constant 0 : i32
      %cond3A_153 = arith.cmpi ne, %convert_element_type3A_151, %cond3A_152 : i32
      scf.if %cond3A_153 {
        %dma_wait3A_211 = arith.constant 0 : i32
        %dma_wait3A_212 = arith.constant 0 : i32
        %dma_wait3A_213 = tpu.memref_slice %arg5[%dma_wait3A_211, %dma_wait3A_212] : memref<1000001x64xf32, #tpu.memory_space<hbm>> -> memref<1000001x64xf32, #tpu.memory_space<hbm>>
        tpu.wait_indirect_dma semaphore(%arg21 : memref<!tpu.dma_semaphore, #tpu.memory_space<semaphore_mem>>) src(%dma_wait3A_213 : memref<1000001x64xf32, #tpu.memory_space<hbm>>) dst(%arg13 : memref<256x64xf32, #tpu.memory_space<vmem>>)
        %add3A_214 = arith.constant 4 : i32
        %add3A_215 = arith.addi %sub3A_147, %add3A_214 : i32
        %lt3A_216 = arith.constant 400 : i32
        %lt3A_217 = arith.cmpi slt, %add3A_215, %lt3A_216 : i32
        %convert_element_type3A_218 = arith.extui %lt3A_217 : i1 to i32
        %cond3A_219 = arith.constant 0 : i32
        %cond3A_220 = arith.cmpi ne, %convert_element_type3A_218, %cond3A_219 : i32
        scf.if %cond3A_220 {
          %add3A_266 = arith.constant 4 : i32
          %add3A_267 = arith.addi %sub3A_147, %add3A_266 : i32
          %rem3A_268 = arith.constant 2 : i32
          %rem3A_269 = arith.remsi %add3A_267, %rem3A_268 : i32
          %div3A_270 = arith.constant 2 : i32
          %div3A_271 = arith.divsi %add3A_267, %div3A_270 : i32
          %mul3A_272 = arith.constant 1 : i32
          %mul3A_273 = arith.muli %div3A_271, %mul3A_272 : i32
          %mul3A_274 = arith.constant 256 : i32
          %mul3A_275 = arith.muli %rem3A_269, %mul3A_274 : i32
          %add3A_276 = arith.addi %mul3A_2, %mul3A_275 : i32
          %add3A_277 = arith.constant 0 : i32
          %add3A_278 = arith.addi %mul3A_273, %add3A_277 : i32
          %dma_start3A_279 = arith.constant 0 : i32
          %dma_start3A_280 = tpu.memref_slice %arg11[%dma_start3A_279] : memref<256xi32, #tpu.memory_space<vmem>> -> memref<256xi32, #tpu.memory_space<vmem>>
          %dma_start3A_281 = tpu.memref_slice %arg3[%add3A_278, %add3A_276] : memref<200x16384xi32, #tpu.memory_space<hbm>> -> memref<1x256xi32, #tpu.memory_space<hbm>>
          %dma_start3A_282 = tpu.memref_squeeze %dma_start3A_281 : memref<1x256xi32, #tpu.memory_space<hbm>> -> memref<256xi32, #tpu.memory_space<hbm>>
          %dma_start3A_283 = arith.constant 0 : i32
          %dma_start3A_284 = tpu.memref_slice %arg11[%dma_start3A_283] : memref<256xi32, #tpu.memory_space<vmem>> -> memref<256xi32, #tpu.memory_space<vmem>>
          %dma_start3A_285 = tpu.memref_slice %arg3[%add3A_278, %add3A_276] : memref<200x16384xi32, #tpu.memory_space<hbm>> -> memref<1x256xi32, #tpu.memory_space<hbm>>
          %dma_start3A_286 = tpu.memref_squeeze %dma_start3A_285 : memref<1x256xi32, #tpu.memory_space<hbm>> -> memref<256xi32, #tpu.memory_space<hbm>>
          tpu.enqueue_dma source(%dma_start3A_286 : memref<256xi32, #tpu.memory_space<hbm>>) target(%dma_start3A_284 : memref<256xi32, #tpu.memory_space<vmem>>) target_semaphore(%arg19 : memref<!tpu.dma_semaphore, #tpu.memory_space<semaphore_mem>>)
        } else {
        }
        %ge3A_221 = arith.constant 2 : i32
        %ge3A_222 = arith.cmpi sge, %sub3A_147, %ge3A_221 : i32
        %convert_element_type3A_223 = arith.extui %ge3A_222 : i1 to i32
        %cond3A_224 = arith.constant 0 : i32
        %cond3A_225 = arith.cmpi ne, %convert_element_type3A_223, %cond3A_224 : i32
        scf.if %cond3A_225 {
          %sub3A_266 = arith.constant 2 : i32
          %sub3A_267 = arith.subi %sub3A_147, %sub3A_266 : i32
          %rem3A_268 = arith.constant 2 : i32
          %rem3A_269 = arith.remsi %sub3A_267, %rem3A_268 : i32
          %div3A_270 = arith.constant 2 : i32
          %div3A_271 = arith.divsi %sub3A_267, %div3A_270 : i32
          %mul3A_272 = arith.constant 1 : i32
          %mul3A_273 = arith.muli %div3A_271, %mul3A_272 : i32
          %mul3A_274 = arith.constant 256 : i32
          %mul3A_275 = arith.muli %rem3A_269, %mul3A_274 : i32
          %add3A_276 = arith.addi %mul3A_2, %mul3A_275 : i32
          %dma_wait3A_277 = arith.constant 0 : i32
          %dma_wait3A_278 = arith.constant 0 : i32
          %dma_wait3A_279 = arith.constant 0 : i32
          %dma_wait3A_280 = tpu.memref_slice %arg15[%dma_wait3A_277, %dma_wait3A_278, %dma_wait3A_279] : memref<1x64x257xf32, #tpu.memory_space<vmem>> -> memref<1x64x256xf32, #tpu.memory_space<vmem>>
          %dma_wait3A_281 = arith.constant 0 : i32
          %dma_wait3A_282 = tpu.memref_slice %arg7[%mul3A_273, %dma_wait3A_281, %add3A_276] : memref<200x64x16384xf32, #tpu.memory_space<hbm>> -> memref<1x64x256xf32, #tpu.memory_space<hbm>>
          %dma_wait3A_283 = arith.constant 0 : i32
          %dma_wait3A_284 = tpu.memref_slice %arg7[%mul3A_273, %dma_wait3A_283, %add3A_276] : memref<200x64x16384xf32, #tpu.memory_space<hbm>> -> memref<1x64x256xf32, #tpu.memory_space<hbm>>
          %dma_wait3A_285 = arith.constant 0 : i32
          %dma_wait3A_286 = arith.constant 0 : i32
          %dma_wait3A_287 = arith.constant 0 : i32
          %dma_wait3A_288 = tpu.memref_slice %arg15[%dma_wait3A_285, %dma_wait3A_286, %dma_wait3A_287] : memref<1x64x257xf32, #tpu.memory_space<vmem>> -> memref<1x64x256xf32, #tpu.memory_space<vmem>>
          tpu.wait_dma2 semaphore(%arg23 : memref<!tpu.dma_semaphore, #tpu.memory_space<semaphore_mem>>) src(%dma_wait3A_288 : memref<1x64x256xf32, #tpu.memory_space<vmem>>) dst(%dma_wait3A_284 : memref<1x64x256xf32, #tpu.memory_space<hbm>>)
        } else {
        }
        %iota3A = tpu.iota {dimensions = array<i32: 0>} : vector<16xi32>
        %broadcast_in_dim3A = arith.constant 0 : i32
        %broadcast_in_dim3A_226 = vector.broadcast %broadcast_in_dim3A : i32 to vector<16xi32>
        %add3A_227 = arith.constant 0 : i32
        %add3A_228 = vector.broadcast %add3A_227 : i32 to vector<16xi32>
        %add3A_229 = arith.addi %add3A_228, %iota3A : vector<16xi32>
        %add3A_230 = arith.constant 16 : i32
        %add3A_231 = vector.broadcast %add3A_230 : i32 to vector<16xi32>
        %add3A_232 = arith.addi %add3A_231, %iota3A : vector<16xi32>
        %add3A_233 = arith.constant 32 : i32
        %add3A_234 = vector.broadcast %add3A_233 : i32 to vector<16xi32>
        %add3A_235 = arith.addi %add3A_234, %iota3A : vector<16xi32>
        %add3A_236 = arith.constant 48 : i32
        %add3A_237 = vector.broadcast %add3A_236 : i32 to vector<16xi32>
        %add3A_238 = arith.addi %add3A_237, %iota3A : vector<16xi32>
        %scan3A_239 = arith.constant 0 : i32
        %scan3A_240 = arith.constant 0 : i32
        %scan3A_241 = arith.constant 256 : i32
        %scan3A_242 = arith.addi %scan3A_240, %scan3A_241 : i32
        %scan3A_243 = arith.constant 8 : i32
        scf.for %scan3A_266 = %scan3A_240 to %scan3A_242 step %scan3A_243  : i32 {
          %broadcast_in_dim3A_267 = vector.broadcast %scan3A_266 : i32 to vector<16xi32>
          %add3A_268 = arith.constant 0 : i32
          %add3A_269 = arith.addi %add3A_268, %scan3A_266 : i32
          %get3A = arith.index_cast %add3A_269 : i32 to index
          %get3A_270 = arith.constant 0 : index
          %get3A_271 = tpu.vector_load %arg13[%get3A, %get3A_270] {strides = array<i32>} : memref<256x64xf32, #tpu.memory_space<vmem>>, vector<16xf32>,
          tpu.vector_store_idx %arg15[%broadcast_in_dim3A_226, %add3A_229, %broadcast_in_dim3A_267], %get3A_271 : memref<1x64x257xf32, #tpu.memory_space<vmem>>[vector<16xi32>, vector<16xi32>, vector<16xi32>], vector<16xf32>,
          %get3A_272 = arith.index_cast %add3A_269 : i32 to index
          %get3A_273 = arith.constant 16 : index
          %get3A_274 = tpu.vector_load %arg13[%get3A_272, %get3A_273] {strides = array<i32>} : memref<256x64xf32, #tpu.memory_space<vmem>>, vector<16xf32>,
          tpu.vector_store_idx %arg15[%broadcast_in_dim3A_226, %add3A_232, %broadcast_in_dim3A_267], %get3A_274 : memref<1x64x257xf32, #tpu.memory_space<vmem>>[vector<16xi32>, vector<16xi32>, vector<16xi32>], vector<16xf32>,
          %get3A_275 = arith.index_cast %add3A_269 : i32 to index
          %get3A_276 = arith.constant 32 : index
          %get3A_277 = tpu.vector_load %arg13[%get3A_275, %get3A_276] {strides = array<i32>} : memref<256x64xf32, #tpu.memory_space<vmem>>, vector<16xf32>,
          tpu.vector_store_idx %arg15[%broadcast_in_dim3A_226, %add3A_235, %broadcast_in_dim3A_267], %get3A_277 : memref<1x64x257xf32, #tpu.memory_space<vmem>>[vector<16xi32>, vector<16xi32>, vector<16xi32>], vector<16xf32>,
          %get3A_278 = arith.index_cast %add3A_269 : i32 to index
          %get3A_279 = arith.constant 48 : index
          %get3A_280 = tpu.vector_load %arg13[%get3A_278, %get3A_279] {strides = array<i32>} : memref<256x64xf32, #tpu.memory_space<vmem>>, vector<16xf32>,
          tpu.vector_store_idx %arg15[%broadcast_in_dim3A_226, %add3A_238, %broadcast_in_dim3A_267], %get3A_280 : memref<1x64x257xf32, #tpu.memory_space<vmem>>[vector<16xi32>, vector<16xi32>, vector<16xi32>], vector<16xf32>,
          %scan3A_281 = arith.constant 1 : i32
          %scan3A_282 = arith.addi %scan3A_266, %scan3A_281 : i32
          %broadcast_in_dim3A_283 = vector.broadcast %scan3A_282 : i32 to vector<16xi32>
          %add3A_284 = arith.constant 0 : i32
          %add3A_285 = arith.addi %add3A_284, %scan3A_282 : i32
          %get3A_286 = arith.index_cast %add3A_285 : i32 to index
          %get3A_287 = arith.constant 0 : index
          %get3A_288 = tpu.vector_load %arg13[%get3A_286, %get3A_287] {strides = array<i32>} : memref<256x64xf32, #tpu.memory_space<vmem>>, vector<16xf32>,
          tpu.vector_store_idx %arg15[%broadcast_in_dim3A_226, %add3A_229, %broadcast_in_dim3A_283], %get3A_288 : memref<1x64x257xf32, #tpu.memory_space<vmem>>[vector<16xi32>, vector<16xi32>, vector<16xi32>], vector<16xf32>,
          %get3A_289 = arith.index_cast %add3A_285 : i32 to index
          %get3A_290 = arith.constant 16 : index
          %get3A_291 = tpu.vector_load %arg13[%get3A_289, %get3A_290] {strides = array<i32>} : memref<256x64xf32, #tpu.memory_space<vmem>>, vector<16xf32>,
          tpu.vector_store_idx %arg15[%broadcast_in_dim3A_226, %add3A_232, %broadcast_in_dim3A_283], %get3A_291 : memref<1x64x257xf32, #tpu.memory_space<vmem>>[vector<16xi32>, vector<16xi32>, vector<16xi32>], vector<16xf32>,
          %get3A_292 = arith.index_cast %add3A_285 : i32 to index
          %get3A_293 = arith.constant 32 : index
          %get3A_294 = tpu.vector_load %arg13[%get3A_292, %get3A_293] {strides = array<i32>} : memref<256x64xf32, #tpu.memory_space<vmem>>, vector<16xf32>,
          tpu.vector_store_idx %arg15[%broadcast_in_dim3A_226, %add3A_235, %broadcast_in_dim3A_283], %get3A_294 : memref<1x64x257xf32, #tpu.memory_space<vmem>>[vector<16xi32>, vector<16xi32>, vector<16xi32>], vector<16xf32>,
          %get3A_295 = arith.index_cast %add3A_285 : i32 to index
          %get3A_296 = arith.constant 48 : index
          %get3A_297 = tpu.vector_load %arg13[%get3A_295, %get3A_296] {strides = array<i32>} : memref<256x64xf32, #tpu.memory_space<vmem>>, vector<16xf32>,
          tpu.vector_store_idx %arg15[%broadcast_in_dim3A_226, %add3A_238, %broadcast_in_dim3A_283], %get3A_297 : memref<1x64x257xf32, #tpu.memory_space<vmem>>[vector<16xi32>, vector<16xi32>, vector<16xi32>], vector<16xf32>,
          %scan3A_298 = arith.constant 2 : i32
          %scan3A_299 = arith.addi %scan3A_266, %scan3A_298 : i32
          %broadcast_in_dim3A_300 = vector.broadcast %scan3A_299 : i32 to vector<16xi32>
          %add3A_301 = arith.constant 0 : i32
          %add3A_302 = arith.addi %add3A_301, %scan3A_299 : i32
          %get3A_303 = arith.index_cast %add3A_302 : i32 to index
          %get3A_304 = arith.constant 0 : index
          %get3A_305 = tpu.vector_load %arg13[%get3A_303, %get3A_304] {strides = array<i32>} : memref<256x64xf32, #tpu.memory_space<vmem>>, vector<16xf32>,
          tpu.vector_store_idx %arg15[%broadcast_in_dim3A_226, %add3A_229, %broadcast_in_dim3A_300], %get3A_305 : memref<1x64x257xf32, #tpu.memory_space<vmem>>[vector<16xi32>, vector<16xi32>, vector<16xi32>], vector<16xf32>,
          %get3A_306 = arith.index_cast %add3A_302 : i32 to index
          %get3A_307 = arith.constant 16 : index
          %get3A_308 = tpu.vector_load %arg13[%get3A_306, %get3A_307] {strides = array<i32>} : memref<256x64xf32, #tpu.memory_space<vmem>>, vector<16xf32>,
          tpu.vector_store_idx %arg15[%broadcast_in_dim3A_226, %add3A_232, %broadcast_in_dim3A_300], %get3A_308 : memref<1x64x257xf32, #tpu.memory_space<vmem>>[vector<16xi32>, vector<16xi32>, vector<16xi32>], vector<16xf32>,
          %get3A_309 = arith.index_cast %add3A_302 : i32 to index
          %get3A_310 = arith.constant 32 : index
          %get3A_311 = tpu.vector_load %arg13[%get3A_309, %get3A_310] {strides = array<i32>} : memref<256x64xf32, #tpu.memory_space<vmem>>, vector<16xf32>,
          tpu.vector_store_idx %arg15[%broadcast_in_dim3A_226, %add3A_235, %broadcast_in_dim3A_300], %get3A_311 : memref<1x64x257xf32, #tpu.memory_space<vmem>>[vector<16xi32>, vector<16xi32>, vector<16xi32>], vector<16xf32>,
          %get3A_312 = arith.index_cast %add3A_302 : i32 to index
          %get3A_313 = arith.constant 48 : index
          %get3A_314 = tpu.vector_load %arg13[%get3A_312, %get3A_313] {strides = array<i32>} : memref<256x64xf32, #tpu.memory_space<vmem>>, vector<16xf32>,
          tpu.vector_store_idx %arg15[%broadcast_in_dim3A_226, %add3A_238, %broadcast_in_dim3A_300], %get3A_314 : memref<1x64x257xf32, #tpu.memory_space<vmem>>[vector<16xi32>, vector<16xi32>, vector<16xi32>], vector<16xf32>,
          %scan3A_315 = arith.constant 3 : i32
          %scan3A_316 = arith.addi %scan3A_266, %scan3A_315 : i32
          %broadcast_in_dim3A_317 = vector.broadcast %scan3A_316 : i32 to vector<16xi32>
          %add3A_318 = arith.constant 0 : i32
          %add3A_319 = arith.addi %add3A_318, %scan3A_316 : i32
          %get3A_320 = arith.index_cast %add3A_319 : i32 to index
          %get3A_321 = arith.constant 0 : index
          %get3A_322 = tpu.vector_load %arg13[%get3A_320, %get3A_321] {strides = array<i32>} : memref<256x64xf32, #tpu.memory_space<vmem>>, vector<16xf32>,
          tpu.vector_store_idx %arg15[%broadcast_in_dim3A_226, %add3A_229, %broadcast_in_dim3A_317], %get3A_322 : memref<1x64x257xf32, #tpu.memory_space<vmem>>[vector<16xi32>, vector<16xi32>, vector<16xi32>], vector<16xf32>,
          %get3A_323 = arith.index_cast %add3A_319 : i32 to index
          %get3A_324 = arith.constant 16 : index
          %get3A_325 = tpu.vector_load %arg13[%get3A_323, %get3A_324] {strides = array<i32>} : memref<256x64xf32, #tpu.memory_space<vmem>>, vector<16xf32>,
          tpu.vector_store_idx %arg15[%broadcast_in_dim3A_226, %add3A_232, %broadcast_in_dim3A_317], %get3A_325 : memref<1x64x257xf32, #tpu.memory_space<vmem>>[vector<16xi32>, vector<16xi32>, vector<16xi32>], vector<16xf32>,
          %get3A_326 = arith.index_cast %add3A_319 : i32 to index
          %get3A_327 = arith.constant 32 : index
          %get3A_328 = tpu.vector_load %arg13[%get3A_326, %get3A_327] {strides = array<i32>} : memref<256x64xf32, #tpu.memory_space<vmem>>, vector<16xf32>,
          tpu.vector_store_idx %arg15[%broadcast_in_dim3A_226, %add3A_235, %broadcast_in_dim3A_317], %get3A_328 : memref<1x64x257xf32, #tpu.memory_space<vmem>>[vector<16xi32>, vector<16xi32>, vector<16xi32>], vector<16xf32>,
          %get3A_329 = arith.index_cast %add3A_319 : i32 to index
          %get3A_330 = arith.constant 48 : index
          %get3A_331 = tpu.vector_load %arg13[%get3A_329, %get3A_330] {strides = array<i32>} : memref<256x64xf32, #tpu.memory_space<vmem>>, vector<16xf32>,
          tpu.vector_store_idx %arg15[%broadcast_in_dim3A_226, %add3A_238, %broadcast_in_dim3A_317], %get3A_331 : memref<1x64x257xf32, #tpu.memory_space<vmem>>[vector<16xi32>, vector<16xi32>, vector<16xi32>], vector<16xf32>,
          %scan3A_332 = arith.constant 4 : i32
          %scan3A_333 = arith.addi %scan3A_266, %scan3A_332 : i32
          %broadcast_in_dim3A_334 = vector.broadcast %scan3A_333 : i32 to vector<16xi32>
          %add3A_335 = arith.constant 0 : i32
          %add3A_336 = arith.addi %add3A_335, %scan3A_333 : i32
          %get3A_337 = arith.index_cast %add3A_336 : i32 to index
          %get3A_338 = arith.constant 0 : index
          %get3A_339 = tpu.vector_load %arg13[%get3A_337, %get3A_338] {strides = array<i32>} : memref<256x64xf32, #tpu.memory_space<vmem>>, vector<16xf32>,
          tpu.vector_store_idx %arg15[%broadcast_in_dim3A_226, %add3A_229, %broadcast_in_dim3A_334], %get3A_339 : memref<1x64x257xf32, #tpu.memory_space<vmem>>[vector<16xi32>, vector<16xi32>, vector<16xi32>], vector<16xf32>,
          %get3A_340 = arith.index_cast %add3A_336 : i32 to index
          %get3A_341 = arith.constant 16 : index
          %get3A_342 = tpu.vector_load %arg13[%get3A_340, %get3A_341] {strides = array<i32>} : memref<256x64xf32, #tpu.memory_space<vmem>>, vector<16xf32>,
          tpu.vector_store_idx %arg15[%broadcast_in_dim3A_226, %add3A_232, %broadcast_in_dim3A_334], %get3A_342 : memref<1x64x257xf32, #tpu.memory_space<vmem>>[vector<16xi32>, vector<16xi32>, vector<16xi32>], vector<16xf32>,
          %get3A_343 = arith.index_cast %add3A_336 : i32 to index
          %get3A_344 = arith.constant 32 : index
          %get3A_345 = tpu.vector_load %arg13[%get3A_343, %get3A_344] {strides = array<i32>} : memref<256x64xf32, #tpu.memory_space<vmem>>, vector<16xf32>,
          tpu.vector_store_idx %arg15[%broadcast_in_dim3A_226, %add3A_235, %broadcast_in_dim3A_334], %get3A_345 : memref<1x64x257xf32, #tpu.memory_space<vmem>>[vector<16xi32>, vector<16xi32>, vector<16xi32>], vector<16xf32>,
          %get3A_346 = arith.index_cast %add3A_336 : i32 to index
          %get3A_347 = arith.constant 48 : index
          %get3A_348 = tpu.vector_load %arg13[%get3A_346, %get3A_347] {strides = array<i32>} : memref<256x64xf32, #tpu.memory_space<vmem>>, vector<16xf32>,
          tpu.vector_store_idx %arg15[%broadcast_in_dim3A_226, %add3A_238, %broadcast_in_dim3A_334], %get3A_348 : memref<1x64x257xf32, #tpu.memory_space<vmem>>[vector<16xi32>, vector<16xi32>, vector<16xi32>], vector<16xf32>,
          %scan3A_349 = arith.constant 5 : i32
          %scan3A_350 = arith.addi %scan3A_266, %scan3A_349 : i32
          %broadcast_in_dim3A_351 = vector.broadcast %scan3A_350 : i32 to vector<16xi32>
          %add3A_352 = arith.constant 0 : i32
          %add3A_353 = arith.addi %add3A_352, %scan3A_350 : i32
          %get3A_354 = arith.index_cast %add3A_353 : i32 to index
          %get3A_355 = arith.constant 0 : index
          %get3A_356 = tpu.vector_load %arg13[%get3A_354, %get3A_355] {strides = array<i32>} : memref<256x64xf32, #tpu.memory_space<vmem>>, vector<16xf32>,
          tpu.vector_store_idx %arg15[%broadcast_in_dim3A_226, %add3A_229, %broadcast_in_dim3A_351], %get3A_356 : memref<1x64x257xf32, #tpu.memory_space<vmem>>[vector<16xi32>, vector<16xi32>, vector<16xi32>], vector<16xf32>,
          %get3A_357 = arith.index_cast %add3A_353 : i32 to index
          %get3A_358 = arith.constant 16 : index
          %get3A_359 = tpu.vector_load %arg13[%get3A_357, %get3A_358] {strides = array<i32>} : memref<256x64xf32, #tpu.memory_space<vmem>>, vector<16xf32>,
          tpu.vector_store_idx %arg15[%broadcast_in_dim3A_226, %add3A_232, %broadcast_in_dim3A_351], %get3A_359 : memref<1x64x257xf32, #tpu.memory_space<vmem>>[vector<16xi32>, vector<16xi32>, vector<16xi32>], vector<16xf32>,
          %get3A_360 = arith.index_cast %add3A_353 : i32 to index
          %get3A_361 = arith.constant 32 : index
          %get3A_362 = tpu.vector_load %arg13[%get3A_360, %get3A_361] {strides = array<i32>} : memref<256x64xf32, #tpu.memory_space<vmem>>, vector<16xf32>,
          tpu.vector_store_idx %arg15[%broadcast_in_dim3A_226, %add3A_235, %broadcast_in_dim3A_351], %get3A_362 : memref<1x64x257xf32, #tpu.memory_space<vmem>>[vector<16xi32>, vector<16xi32>, vector<16xi32>], vector<16xf32>,
          %get3A_363 = arith.index_cast %add3A_353 : i32 to index
          %get3A_364 = arith.constant 48 : index
          %get3A_365 = tpu.vector_load %arg13[%get3A_363, %get3A_364] {strides = array<i32>} : memref<256x64xf32, #tpu.memory_space<vmem>>, vector<16xf32>,
          tpu.vector_store_idx %arg15[%broadcast_in_dim3A_226, %add3A_238, %broadcast_in_dim3A_351], %get3A_365 : memref<1x64x257xf32, #tpu.memory_space<vmem>>[vector<16xi32>, vector<16xi32>, vector<16xi32>], vector<16xf32>,
          %scan3A_366 = arith.constant 6 : i32
          %scan3A_367 = arith.addi %scan3A_266, %scan3A_366 : i32
          %broadcast_in_dim3A_368 = vector.broadcast %scan3A_367 : i32 to vector<16xi32>
          %add3A_369 = arith.constant 0 : i32
          %add3A_370 = arith.addi %add3A_369, %scan3A_367 : i32
          %get3A_371 = arith.index_cast %add3A_370 : i32 to index
          %get3A_372 = arith.constant 0 : index
          %get3A_373 = tpu.vector_load %arg13[%get3A_371, %get3A_372] {strides = array<i32>} : memref<256x64xf32, #tpu.memory_space<vmem>>, vector<16xf32>,
          tpu.vector_store_idx %arg15[%broadcast_in_dim3A_226, %add3A_229, %broadcast_in_dim3A_368], %get3A_373 : memref<1x64x257xf32, #tpu.memory_space<vmem>>[vector<16xi32>, vector<16xi32>, vector<16xi32>], vector<16xf32>,
          %get3A_374 = arith.index_cast %add3A_370 : i32 to index
          %get3A_375 = arith.constant 16 : index
          %get3A_376 = tpu.vector_load %arg13[%get3A_374, %get3A_375] {strides = array<i32>} : memref<256x64xf32, #tpu.memory_space<vmem>>, vector<16xf32>,
          tpu.vector_store_idx %arg15[%broadcast_in_dim3A_226, %add3A_232, %broadcast_in_dim3A_368], %get3A_376 : memref<1x64x257xf32, #tpu.memory_space<vmem>>[vector<16xi32>, vector<16xi32>, vector<16xi32>], vector<16xf32>,
          %get3A_377 = arith.index_cast %add3A_370 : i32 to index
          %get3A_378 = arith.constant 32 : index
          %get3A_379 = tpu.vector_load %arg13[%get3A_377, %get3A_378] {strides = array<i32>} : memref<256x64xf32, #tpu.memory_space<vmem>>, vector<16xf32>,
          tpu.vector_store_idx %arg15[%broadcast_in_dim3A_226, %add3A_235, %broadcast_in_dim3A_368], %get3A_379 : memref<1x64x257xf32, #tpu.memory_space<vmem>>[vector<16xi32>, vector<16xi32>, vector<16xi32>], vector<16xf32>,
          %get3A_380 = arith.index_cast %add3A_370 : i32 to index
          %get3A_381 = arith.constant 48 : index
          %get3A_382 = tpu.vector_load %arg13[%get3A_380, %get3A_381] {strides = array<i32>} : memref<256x64xf32, #tpu.memory_space<vmem>>, vector<16xf32>,
          tpu.vector_store_idx %arg15[%broadcast_in_dim3A_226, %add3A_238, %broadcast_in_dim3A_368], %get3A_382 : memref<1x64x257xf32, #tpu.memory_space<vmem>>[vector<16xi32>, vector<16xi32>, vector<16xi32>], vector<16xf32>,
          %scan3A_383 = arith.constant 7 : i32
          %scan3A_384 = arith.addi %scan3A_266, %scan3A_383 : i32
          %broadcast_in_dim3A_385 = vector.broadcast %scan3A_384 : i32 to vector<16xi32>
          %add3A_386 = arith.constant 0 : i32
          %add3A_387 = arith.addi %add3A_386, %scan3A_384 : i32
          %get3A_388 = arith.index_cast %add3A_387 : i32 to index
          %get3A_389 = arith.constant 0 : index
          %get3A_390 = tpu.vector_load %arg13[%get3A_388, %get3A_389] {strides = array<i32>} : memref<256x64xf32, #tpu.memory_space<vmem>>, vector<16xf32>,
          tpu.vector_store_idx %arg15[%broadcast_in_dim3A_226, %add3A_229, %broadcast_in_dim3A_385], %get3A_390 : memref<1x64x257xf32, #tpu.memory_space<vmem>>[vector<16xi32>, vector<16xi32>, vector<16xi32>], vector<16xf32>,
          %get3A_391 = arith.index_cast %add3A_387 : i32 to index
          %get3A_392 = arith.constant 16 : index
          %get3A_393 = tpu.vector_load %arg13[%get3A_391, %get3A_392] {strides = array<i32>} : memref<256x64xf32, #tpu.memory_space<vmem>>, vector<16xf32>,
          tpu.vector_store_idx %arg15[%broadcast_in_dim3A_226, %add3A_232, %broadcast_in_dim3A_385], %get3A_393 : memref<1x64x257xf32, #tpu.memory_space<vmem>>[vector<16xi32>, vector<16xi32>, vector<16xi32>], vector<16xf32>,
          %get3A_394 = arith.index_cast %add3A_387 : i32 to index
          %get3A_395 = arith.constant 32 : index
          %get3A_396 = tpu.vector_load %arg13[%get3A_394, %get3A_395] {strides = array<i32>} : memref<256x64xf32, #tpu.memory_space<vmem>>, vector<16xf32>,
          tpu.vector_store_idx %arg15[%broadcast_in_dim3A_226, %add3A_235, %broadcast_in_dim3A_385], %get3A_396 : memref<1x64x257xf32, #tpu.memory_space<vmem>>[vector<16xi32>, vector<16xi32>, vector<16xi32>], vector<16xf32>,
          %get3A_397 = arith.index_cast %add3A_387 : i32 to index
          %get3A_398 = arith.constant 48 : index
          %get3A_399 = tpu.vector_load %arg13[%get3A_397, %get3A_398] {strides = array<i32>} : memref<256x64xf32, #tpu.memory_space<vmem>>, vector<16xf32>,
          tpu.vector_store_idx %arg15[%broadcast_in_dim3A_226, %add3A_238, %broadcast_in_dim3A_385], %get3A_399 : memref<1x64x257xf32, #tpu.memory_space<vmem>>[vector<16xi32>, vector<16xi32>, vector<16xi32>], vector<16xf32>,
        }
        %scan3A_244 = arith.constant 256 : i32
        %rem3A_245 = arith.constant 2 : i32
        %rem3A_246 = arith.remsi %sub3A_147, %rem3A_245 : i32
        %div3A_247 = arith.constant 2 : i32
        %div3A_248 = arith.divsi %sub3A_147, %div3A_247 : i32
        %mul3A_249 = arith.constant 1 : i32
        %mul3A_250 = arith.muli %div3A_248, %mul3A_249 : i32
        %mul3A_251 = arith.constant 256 : i32
        %mul3A_252 = arith.muli %rem3A_246, %mul3A_251 : i32
        %add3A_253 = arith.addi %mul3A_2, %mul3A_252 : i32
        %dma_start3A_254 = arith.constant 0 : i32
        %dma_start3A_255 = arith.constant 0 : i32
        %dma_start3A_256 = arith.constant 0 : i32
        %dma_start3A_257 = tpu.memref_slice %arg15[%dma_start3A_254, %dma_start3A_255, %dma_start3A_256] : memref<1x64x257xf32, #tpu.memory_space<vmem>> -> memref<1x64x256xf32, #tpu.memory_space<vmem>>
        %dma_start3A_258 = arith.constant 0 : i32
        %dma_start3A_259 = tpu.memref_slice %arg7[%mul3A_250, %dma_start3A_258, %add3A_253] : memref<200x64x16384xf32, #tpu.memory_space<hbm>> -> memref<1x64x256xf32, #tpu.memory_space<hbm>>
        %dma_start3A_260 = arith.constant 0 : i32
        %dma_start3A_261 = tpu.memref_slice %arg7[%mul3A_250, %dma_start3A_260, %add3A_253] : memref<200x64x16384xf32, #tpu.memory_space<hbm>> -> memref<1x64x256xf32, #tpu.memory_space<hbm>>
        %dma_start3A_262 = arith.constant 0 : i32
        %dma_start3A_263 = arith.constant 0 : i32
        %dma_start3A_264 = arith.constant 0 : i32
        %dma_start3A_265 = tpu.memref_slice %arg15[%dma_start3A_262, %dma_start3A_263, %dma_start3A_264] : memref<1x64x257xf32, #tpu.memory_space<vmem>> -> memref<1x64x256xf32, #tpu.memory_space<vmem>>
        tpu.enqueue_dma source(%dma_start3A_265 : memref<1x64x256xf32, #tpu.memory_space<vmem>>) target(%dma_start3A_261 : memref<1x64x256xf32, #tpu.memory_space<hbm>>) target_semaphore(%arg23 : memref<!tpu.dma_semaphore, #tpu.memory_space<semaphore_mem>>)
      } else {
      }
      %mul3A_154 = arith.constant 4 : i32
      %mul3A_155 = arith.muli %scan3A_140, %mul3A_154 : i32
      %add3A_156 = arith.constant 1 : i32
      %add3A_157 = arith.addi %mul3A_155, %add3A_156 : i32
      %lt3A_158 = arith.constant 400 : i32
      %lt3A_159 = arith.cmpi slt, %add3A_157, %lt3A_158 : i32
      %convert_element_type3A_160 = arith.extui %lt3A_159 : i1 to i32
      %cond3A_161 = arith.constant 0 : i32
      %cond3A_162 = arith.cmpi ne, %convert_element_type3A_160, %cond3A_161 : i32
      scf.if %cond3A_162 {
        %rem3A_211 = arith.constant 2 : i32
        %rem3A_212 = arith.remsi %add3A_157, %rem3A_211 : i32
        %div3A_213 = arith.constant 2 : i32
        %div3A_214 = arith.divsi %add3A_157, %div3A_213 : i32
        %mul3A_215 = arith.constant 1 : i32
        %mul3A_216 = arith.muli %div3A_214, %mul3A_215 : i32
        %mul3A_217 = arith.constant 256 : i32
        %mul3A_218 = arith.muli %rem3A_212, %mul3A_217 : i32
        %add3A_219 = arith.addi %mul3A_2, %mul3A_218 : i32
        %add3A_220 = arith.constant 0 : i32
        %add3A_221 = arith.addi %mul3A_216, %add3A_220 : i32
        %dma_wait3A_222 = arith.constant 0 : i32
        %dma_wait3A_223 = tpu.memref_slice %arg9[%dma_wait3A_222] : memref<256xi32, #tpu.memory_space<vmem>> -> memref<256xi32, #tpu.memory_space<vmem>>
        %dma_wait3A_224 = tpu.memref_slice %arg3[%add3A_221, %add3A_219] : memref<200x16384xi32, #tpu.memory_space<hbm>> -> memref<1x256xi32, #tpu.memory_space<hbm>>
        %dma_wait3A_225 = tpu.memref_squeeze %dma_wait3A_224 : memref<1x256xi32, #tpu.memory_space<hbm>> -> memref<256xi32, #tpu.memory_space<hbm>>
        %dma_wait3A_226 = arith.constant 0 : i32
        %dma_wait3A_227 = tpu.memref_slice %arg9[%dma_wait3A_226] : memref<256xi32, #tpu.memory_space<vmem>> -> memref<256xi32, #tpu.memory_space<vmem>>
        %dma_wait3A_228 = tpu.memref_slice %arg3[%add3A_221, %add3A_219] : memref<200x16384xi32, #tpu.memory_space<hbm>> -> memref<1x256xi32, #tpu.memory_space<hbm>>
        %dma_wait3A_229 = tpu.memref_squeeze %dma_wait3A_228 : memref<1x256xi32, #tpu.memory_space<hbm>> -> memref<256xi32, #tpu.memory_space<hbm>>
        tpu.wait_dma2 semaphore(%arg17 : memref<!tpu.dma_semaphore, #tpu.memory_space<semaphore_mem>>) src(%dma_wait3A_229 : memref<256xi32, #tpu.memory_space<hbm>>) dst(%dma_wait3A_227 : memref<256xi32, #tpu.memory_space<vmem>>)
        %dma_start3A_230 = arith.constant 0 : i32
        %dma_start3A_231 = arith.constant 0 : i32
        %dma_start3A_232 = tpu.memref_slice %arg5[%dma_start3A_230, %dma_start3A_231] : memref<1000001x64xf32, #tpu.memory_space<hbm>> -> memref<1000001x64xf32, #tpu.memory_space<hbm>>
        tpu.enqueue_indirect_dma source(%dma_start3A_232 : memref<1000001x64xf32, #tpu.memory_space<hbm>>) target(%arg13 : memref<256x64xf32, #tpu.memory_space<vmem>>) offsets(%arg9 : memref<256xi32, #tpu.memory_space<vmem>>) semaphore(%arg21 : memref<!tpu.dma_semaphore, #tpu.memory_space<semaphore_mem>>)
      } else {
      }
      %sub3A_163 = arith.constant 1 : i32
      %sub3A_164 = arith.subi %add3A_157, %sub3A_163 : i32
      %ge3A_165 = arith.constant 0 : i32
      %ge3A_166 = arith.cmpi sge, %sub3A_164, %ge3A_165 : i32
      %lt3A_167 = arith.constant 400 : i32
      %lt3A_168 = arith.cmpi slt, %sub3A_164, %lt3A_167 : i32
      %and3A_169 = arith.andi %ge3A_166, %lt3A_168 : i1
      %convert_element_type3A_170 = arith.extui %and3A_169 : i1 to i32
      %cond3A_171 = arith.constant 0 : i32
      %cond3A_172 = arith.cmpi ne, %convert_element_type3A_170, %cond3A_171 : i32
      scf.if %cond3A_172 {
        %dma_wait3A_211 = arith.constant 0 : i32
        %dma_wait3A_212 = arith.constant 0 : i32
        %dma_wait3A_213 = tpu.memref_slice %arg5[%dma_wait3A_211, %dma_wait3A_212] : memref<1000001x64xf32, #tpu.memory_space<hbm>> -> memref<1000001x64xf32, #tpu.memory_space<hbm>>
        tpu.wait_indirect_dma semaphore(%arg20 : memref<!tpu.dma_semaphore, #tpu.memory_space<semaphore_mem>>) src(%dma_wait3A_213 : memref<1000001x64xf32, #tpu.memory_space<hbm>>) dst(%arg12 : memref<256x64xf32, #tpu.memory_space<vmem>>)
        %add3A_214 = arith.constant 4 : i32
        %add3A_215 = arith.addi %sub3A_164, %add3A_214 : i32
        %lt3A_216 = arith.constant 400 : i32
        %lt3A_217 = arith.cmpi slt, %add3A_215, %lt3A_216 : i32
        %convert_element_type3A_218 = arith.extui %lt3A_217 : i1 to i32
        %cond3A_219 = arith.constant 0 : i32
        %cond3A_220 = arith.cmpi ne, %convert_element_type3A_218, %cond3A_219 : i32
        scf.if %cond3A_220 {
          %add3A_266 = arith.constant 4 : i32
          %add3A_267 = arith.addi %sub3A_164, %add3A_266 : i32
          %rem3A_268 = arith.constant 2 : i32
          %rem3A_269 = arith.remsi %add3A_267, %rem3A_268 : i32
          %div3A_270 = arith.constant 2 : i32
          %div3A_271 = arith.divsi %add3A_267, %div3A_270 : i32
          %mul3A_272 = arith.constant 1 : i32
          %mul3A_273 = arith.muli %div3A_271, %mul3A_272 : i32
          %mul3A_274 = arith.constant 256 : i32
          %mul3A_275 = arith.muli %rem3A_269, %mul3A_274 : i32
          %add3A_276 = arith.addi %mul3A_2, %mul3A_275 : i32
          %add3A_277 = arith.constant 0 : i32
          %add3A_278 = arith.addi %mul3A_273, %add3A_277 : i32
          %dma_start3A_279 = arith.constant 0 : i32
          %dma_start3A_280 = tpu.memref_slice %arg8[%dma_start3A_279] : memref<256xi32, #tpu.memory_space<vmem>> -> memref<256xi32, #tpu.memory_space<vmem>>
          %dma_start3A_281 = tpu.memref_slice %arg3[%add3A_278, %add3A_276] : memref<200x16384xi32, #tpu.memory_space<hbm>> -> memref<1x256xi32, #tpu.memory_space<hbm>>
          %dma_start3A_282 = tpu.memref_squeeze %dma_start3A_281 : memref<1x256xi32, #tpu.memory_space<hbm>> -> memref<256xi32, #tpu.memory_space<hbm>>
          %dma_start3A_283 = arith.constant 0 : i32
          %dma_start3A_284 = tpu.memref_slice %arg8[%dma_start3A_283] : memref<256xi32, #tpu.memory_space<vmem>> -> memref<256xi32, #tpu.memory_space<vmem>>
          %dma_start3A_285 = tpu.memref_slice %arg3[%add3A_278, %add3A_276] : memref<200x16384xi32, #tpu.memory_space<hbm>> -> memref<1x256xi32, #tpu.memory_space<hbm>>
          %dma_start3A_286 = tpu.memref_squeeze %dma_start3A_285 : memref<1x256xi32, #tpu.memory_space<hbm>> -> memref<256xi32, #tpu.memory_space<hbm>>
          tpu.enqueue_dma source(%dma_start3A_286 : memref<256xi32, #tpu.memory_space<hbm>>) target(%dma_start3A_284 : memref<256xi32, #tpu.memory_space<vmem>>) target_semaphore(%arg16 : memref<!tpu.dma_semaphore, #tpu.memory_space<semaphore_mem>>)
        } else {
        }
        %ge3A_221 = arith.constant 2 : i32
        %ge3A_222 = arith.cmpi sge, %sub3A_164, %ge3A_221 : i32
        %convert_element_type3A_223 = arith.extui %ge3A_222 : i1 to i32
        %cond3A_224 = arith.constant 0 : i32
        %cond3A_225 = arith.cmpi ne, %convert_element_type3A_223, %cond3A_224 : i32
        scf.if %cond3A_225 {
          %sub3A_266 = arith.constant 2 : i32
          %sub3A_267 = arith.subi %sub3A_164, %sub3A_266 : i32
          %rem3A_268 = arith.constant 2 : i32
          %rem3A_269 = arith.remsi %sub3A_267, %rem3A_268 : i32
          %div3A_270 = arith.constant 2 : i32
          %div3A_271 = arith.divsi %sub3A_267, %div3A_270 : i32
          %mul3A_272 = arith.constant 1 : i32
          %mul3A_273 = arith.muli %div3A_271, %mul3A_272 : i32
          %mul3A_274 = arith.constant 256 : i32
          %mul3A_275 = arith.muli %rem3A_269, %mul3A_274 : i32
          %add3A_276 = arith.addi %mul3A_2, %mul3A_275 : i32
          %dma_wait3A_277 = arith.constant 0 : i32
          %dma_wait3A_278 = arith.constant 0 : i32
          %dma_wait3A_279 = arith.constant 0 : i32
          %dma_wait3A_280 = tpu.memref_slice %arg14[%dma_wait3A_277, %dma_wait3A_278, %dma_wait3A_279] : memref<1x64x257xf32, #tpu.memory_space<vmem>> -> memref<1x64x256xf32, #tpu.memory_space<vmem>>
          %dma_wait3A_281 = arith.constant 0 : i32
          %dma_wait3A_282 = tpu.memref_slice %arg7[%mul3A_273, %dma_wait3A_281, %add3A_276] : memref<200x64x16384xf32, #tpu.memory_space<hbm>> -> memref<1x64x256xf32, #tpu.memory_space<hbm>>
          %dma_wait3A_283 = arith.constant 0 : i32
          %dma_wait3A_284 = tpu.memref_slice %arg7[%mul3A_273, %dma_wait3A_283, %add3A_276] : memref<200x64x16384xf32, #tpu.memory_space<hbm>> -> memref<1x64x256xf32, #tpu.memory_space<hbm>>
          %dma_wait3A_285 = arith.constant 0 : i32
          %dma_wait3A_286 = arith.constant 0 : i32
          %dma_wait3A_287 = arith.constant 0 : i32
          %dma_wait3A_288 = tpu.memref_slice %arg14[%dma_wait3A_285, %dma_wait3A_286, %dma_wait3A_287] : memref<1x64x257xf32, #tpu.memory_space<vmem>> -> memref<1x64x256xf32, #tpu.memory_space<vmem>>
          tpu.wait_dma2 semaphore(%arg22 : memref<!tpu.dma_semaphore, #tpu.memory_space<semaphore_mem>>) src(%dma_wait3A_288 : memref<1x64x256xf32, #tpu.memory_space<vmem>>) dst(%dma_wait3A_284 : memref<1x64x256xf32, #tpu.memory_space<hbm>>)
        } else {
        }
        %iota3A = tpu.iota {dimensions = array<i32: 0>} : vector<16xi32>
        %broadcast_in_dim3A = arith.constant 0 : i32
        %broadcast_in_dim3A_226 = vector.broadcast %broadcast_in_dim3A : i32 to vector<16xi32>
        %add3A_227 = arith.constant 0 : i32
        %add3A_228 = vector.broadcast %add3A_227 : i32 to vector<16xi32>
        %add3A_229 = arith.addi %add3A_228, %iota3A : vector<16xi32>
        %add3A_230 = arith.constant 16 : i32
        %add3A_231 = vector.broadcast %add3A_230 : i32 to vector<16xi32>
        %add3A_232 = arith.addi %add3A_231, %iota3A : vector<16xi32>
        %add3A_233 = arith.constant 32 : i32
        %add3A_234 = vector.broadcast %add3A_233 : i32 to vector<16xi32>
        %add3A_235 = arith.addi %add3A_234, %iota3A : vector<16xi32>
        %add3A_236 = arith.constant 48 : i32
        %add3A_237 = vector.broadcast %add3A_236 : i32 to vector<16xi32>
        %add3A_238 = arith.addi %add3A_237, %iota3A : vector<16xi32>
        %scan3A_239 = arith.constant 0 : i32
        %scan3A_240 = arith.constant 0 : i32
        %scan3A_241 = arith.constant 256 : i32
        %scan3A_242 = arith.addi %scan3A_240, %scan3A_241 : i32
        %scan3A_243 = arith.constant 8 : i32
        scf.for %scan3A_266 = %scan3A_240 to %scan3A_242 step %scan3A_243  : i32 {
          %broadcast_in_dim3A_267 = vector.broadcast %scan3A_266 : i32 to vector<16xi32>
          %add3A_268 = arith.constant 0 : i32
          %add3A_269 = arith.addi %add3A_268, %scan3A_266 : i32
          %get3A = arith.index_cast %add3A_269 : i32 to index
          %get3A_270 = arith.constant 0 : index
          %get3A_271 = tpu.vector_load %arg12[%get3A, %get3A_270] {strides = array<i32>} : memref<256x64xf32, #tpu.memory_space<vmem>>, vector<16xf32>,
          tpu.vector_store_idx %arg14[%broadcast_in_dim3A_226, %add3A_229, %broadcast_in_dim3A_267], %get3A_271 : memref<1x64x257xf32, #tpu.memory_space<vmem>>[vector<16xi32>, vector<16xi32>, vector<16xi32>], vector<16xf32>,
          %get3A_272 = arith.index_cast %add3A_269 : i32 to index
          %get3A_273 = arith.constant 16 : index
          %get3A_274 = tpu.vector_load %arg12[%get3A_272, %get3A_273] {strides = array<i32>} : memref<256x64xf32, #tpu.memory_space<vmem>>, vector<16xf32>,
          tpu.vector_store_idx %arg14[%broadcast_in_dim3A_226, %add3A_232, %broadcast_in_dim3A_267], %get3A_274 : memref<1x64x257xf32, #tpu.memory_space<vmem>>[vector<16xi32>, vector<16xi32>, vector<16xi32>], vector<16xf32>,
          %get3A_275 = arith.index_cast %add3A_269 : i32 to index
          %get3A_276 = arith.constant 32 : index
          %get3A_277 = tpu.vector_load %arg12[%get3A_275, %get3A_276] {strides = array<i32>} : memref<256x64xf32, #tpu.memory_space<vmem>>, vector<16xf32>,
          tpu.vector_store_idx %arg14[%broadcast_in_dim3A_226, %add3A_235, %broadcast_in_dim3A_267], %get3A_277 : memref<1x64x257xf32, #tpu.memory_space<vmem>>[vector<16xi32>, vector<16xi32>, vector<16xi32>], vector<16xf32>,
          %get3A_278 = arith.index_cast %add3A_269 : i32 to index
          %get3A_279 = arith.constant 48 : index
          %get3A_280 = tpu.vector_load %arg12[%get3A_278, %get3A_279] {strides = array<i32>} : memref<256x64xf32, #tpu.memory_space<vmem>>, vector<16xf32>,
          tpu.vector_store_idx %arg14[%broadcast_in_dim3A_226, %add3A_238, %broadcast_in_dim3A_267], %get3A_280 : memref<1x64x257xf32, #tpu.memory_space<vmem>>[vector<16xi32>, vector<16xi32>, vector<16xi32>], vector<16xf32>,
          %scan3A_281 = arith.constant 1 : i32
          %scan3A_282 = arith.addi %scan3A_266, %scan3A_281 : i32
          %broadcast_in_dim3A_283 = vector.broadcast %scan3A_282 : i32 to vector<16xi32>
          %add3A_284 = arith.constant 0 : i32
          %add3A_285 = arith.addi %add3A_284, %scan3A_282 : i32
          %get3A_286 = arith.index_cast %add3A_285 : i32 to index
          %get3A_287 = arith.constant 0 : index
          %get3A_288 = tpu.vector_load %arg12[%get3A_286, %get3A_287] {strides = array<i32>} : memref<256x64xf32, #tpu.memory_space<vmem>>, vector<16xf32>,
          tpu.vector_store_idx %arg14[%broadcast_in_dim3A_226, %add3A_229, %broadcast_in_dim3A_283], %get3A_288 : memref<1x64x257xf32, #tpu.memory_space<vmem>>[vector<16xi32>, vector<16xi32>, vector<16xi32>], vector<16xf32>,
          %get3A_289 = arith.index_cast %add3A_285 : i32 to index
          %get3A_290 = arith.constant 16 : index
          %get3A_291 = tpu.vector_load %arg12[%get3A_289, %get3A_290] {strides = array<i32>} : memref<256x64xf32, #tpu.memory_space<vmem>>, vector<16xf32>,
          tpu.vector_store_idx %arg14[%broadcast_in_dim3A_226, %add3A_232, %broadcast_in_dim3A_283], %get3A_291 : memref<1x64x257xf32, #tpu.memory_space<vmem>>[vector<16xi32>, vector<16xi32>, vector<16xi32>], vector<16xf32>,
          %get3A_292 = arith.index_cast %add3A_285 : i32 to index
          %get3A_293 = arith.constant 32 : index
          %get3A_294 = tpu.vector_load %arg12[%get3A_292, %get3A_293] {strides = array<i32>} : memref<256x64xf32, #tpu.memory_space<vmem>>, vector<16xf32>,
          tpu.vector_store_idx %arg14[%broadcast_in_dim3A_226, %add3A_235, %broadcast_in_dim3A_283], %get3A_294 : memref<1x64x257xf32, #tpu.memory_space<vmem>>[vector<16xi32>, vector<16xi32>, vector<16xi32>], vector<16xf32>,
          %get3A_295 = arith.index_cast %add3A_285 : i32 to index
          %get3A_296 = arith.constant 48 : index
          %get3A_297 = tpu.vector_load %arg12[%get3A_295, %get3A_296] {strides = array<i32>} : memref<256x64xf32, #tpu.memory_space<vmem>>, vector<16xf32>,
          tpu.vector_store_idx %arg14[%broadcast_in_dim3A_226, %add3A_238, %broadcast_in_dim3A_283], %get3A_297 : memref<1x64x257xf32, #tpu.memory_space<vmem>>[vector<16xi32>, vector<16xi32>, vector<16xi32>], vector<16xf32>,
          %scan3A_298 = arith.constant 2 : i32
          %scan3A_299 = arith.addi %scan3A_266, %scan3A_298 : i32
          %broadcast_in_dim3A_300 = vector.broadcast %scan3A_299 : i32 to vector<16xi32>
          %add3A_301 = arith.constant 0 : i32
          %add3A_302 = arith.addi %add3A_301, %scan3A_299 : i32
          %get3A_303 = arith.index_cast %add3A_302 : i32 to index
          %get3A_304 = arith.constant 0 : index
          %get3A_305 = tpu.vector_load %arg12[%get3A_303, %get3A_304] {strides = array<i32>} : memref<256x64xf32, #tpu.memory_space<vmem>>, vector<16xf32>,
          tpu.vector_store_idx %arg14[%broadcast_in_dim3A_226, %add3A_229, %broadcast_in_dim3A_300], %get3A_305 : memref<1x64x257xf32, #tpu.memory_space<vmem>>[vector<16xi32>, vector<16xi32>, vector<16xi32>], vector<16xf32>,
          %get3A_306 = arith.index_cast %add3A_302 : i32 to index
          %get3A_307 = arith.constant 16 : index
          %get3A_308 = tpu.vector_load %arg12[%get3A_306, %get3A_307] {strides = array<i32>} : memref<256x64xf32, #tpu.memory_space<vmem>>, vector<16xf32>,
          tpu.vector_store_idx %arg14[%broadcast_in_dim3A_226, %add3A_232, %broadcast_in_dim3A_300], %get3A_308 : memref<1x64x257xf32, #tpu.memory_space<vmem>>[vector<16xi32>, vector<16xi32>, vector<16xi32>], vector<16xf32>,
          %get3A_309 = arith.index_cast %add3A_302 : i32 to index
          %get3A_310 = arith.constant 32 : index
          %get3A_311 = tpu.vector_load %arg12[%get3A_309, %get3A_310] {strides = array<i32>} : memref<256x64xf32, #tpu.memory_space<vmem>>, vector<16xf32>,
          tpu.vector_store_idx %arg14[%broadcast_in_dim3A_226, %add3A_235, %broadcast_in_dim3A_300], %get3A_311 : memref<1x64x257xf32, #tpu.memory_space<vmem>>[vector<16xi32>, vector<16xi32>, vector<16xi32>], vector<16xf32>,
          %get3A_312 = arith.index_cast %add3A_302 : i32 to index
          %get3A_313 = arith.constant 48 : index
          %get3A_314 = tpu.vector_load %arg12[%get3A_312, %get3A_313] {strides = array<i32>} : memref<256x64xf32, #tpu.memory_space<vmem>>, vector<16xf32>,
          tpu.vector_store_idx %arg14[%broadcast_in_dim3A_226, %add3A_238, %broadcast_in_dim3A_300], %get3A_314 : memref<1x64x257xf32, #tpu.memory_space<vmem>>[vector<16xi32>, vector<16xi32>, vector<16xi32>], vector<16xf32>,
          %scan3A_315 = arith.constant 3 : i32
          %scan3A_316 = arith.addi %scan3A_266, %scan3A_315 : i32
          %broadcast_in_dim3A_317 = vector.broadcast %scan3A_316 : i32 to vector<16xi32>
          %add3A_318 = arith.constant 0 : i32
          %add3A_319 = arith.addi %add3A_318, %scan3A_316 : i32
          %get3A_320 = arith.index_cast %add3A_319 : i32 to index
          %get3A_321 = arith.constant 0 : index
          %get3A_322 = tpu.vector_load %arg12[%get3A_320, %get3A_321] {strides = array<i32>} : memref<256x64xf32, #tpu.memory_space<vmem>>, vector<16xf32>,
          tpu.vector_store_idx %arg14[%broadcast_in_dim3A_226, %add3A_229, %broadcast_in_dim3A_317], %get3A_322 : memref<1x64x257xf32, #tpu.memory_space<vmem>>[vector<16xi32>, vector<16xi32>, vector<16xi32>], vector<16xf32>,
          %get3A_323 = arith.index_cast %add3A_319 : i32 to index
          %get3A_324 = arith.constant 16 : index
          %get3A_325 = tpu.vector_load %arg12[%get3A_323, %get3A_324] {strides = array<i32>} : memref<256x64xf32, #tpu.memory_space<vmem>>, vector<16xf32>,
          tpu.vector_store_idx %arg14[%broadcast_in_dim3A_226, %add3A_232, %broadcast_in_dim3A_317], %get3A_325 : memref<1x64x257xf32, #tpu.memory_space<vmem>>[vector<16xi32>, vector<16xi32>, vector<16xi32>], vector<16xf32>,
          %get3A_326 = arith.index_cast %add3A_319 : i32 to index
          %get3A_327 = arith.constant 32 : index
          %get3A_328 = tpu.vector_load %arg12[%get3A_326, %get3A_327] {strides = array<i32>} : memref<256x64xf32, #tpu.memory_space<vmem>>, vector<16xf32>,
          tpu.vector_store_idx %arg14[%broadcast_in_dim3A_226, %add3A_235, %broadcast_in_dim3A_317], %get3A_328 : memref<1x64x257xf32, #tpu.memory_space<vmem>>[vector<16xi32>, vector<16xi32>, vector<16xi32>], vector<16xf32>,
          %get3A_329 = arith.index_cast %add3A_319 : i32 to index
          %get3A_330 = arith.constant 48 : index
          %get3A_331 = tpu.vector_load %arg12[%get3A_329, %get3A_330] {strides = array<i32>} : memref<256x64xf32, #tpu.memory_space<vmem>>, vector<16xf32>,
          tpu.vector_store_idx %arg14[%broadcast_in_dim3A_226, %add3A_238, %broadcast_in_dim3A_317], %get3A_331 : memref<1x64x257xf32, #tpu.memory_space<vmem>>[vector<16xi32>, vector<16xi32>, vector<16xi32>], vector<16xf32>,
          %scan3A_332 = arith.constant 4 : i32
          %scan3A_333 = arith.addi %scan3A_266, %scan3A_332 : i32
          %broadcast_in_dim3A_334 = vector.broadcast %scan3A_333 : i32 to vector<16xi32>
          %add3A_335 = arith.constant 0 : i32
          %add3A_336 = arith.addi %add3A_335, %scan3A_333 : i32
          %get3A_337 = arith.index_cast %add3A_336 : i32 to index
          %get3A_338 = arith.constant 0 : index
          %get3A_339 = tpu.vector_load %arg12[%get3A_337, %get3A_338] {strides = array<i32>} : memref<256x64xf32, #tpu.memory_space<vmem>>, vector<16xf32>,
          tpu.vector_store_idx %arg14[%broadcast_in_dim3A_226, %add3A_229, %broadcast_in_dim3A_334], %get3A_339 : memref<1x64x257xf32, #tpu.memory_space<vmem>>[vector<16xi32>, vector<16xi32>, vector<16xi32>], vector<16xf32>,
          %get3A_340 = arith.index_cast %add3A_336 : i32 to index
          %get3A_341 = arith.constant 16 : index
          %get3A_342 = tpu.vector_load %arg12[%get3A_340, %get3A_341] {strides = array<i32>} : memref<256x64xf32, #tpu.memory_space<vmem>>, vector<16xf32>,
          tpu.vector_store_idx %arg14[%broadcast_in_dim3A_226, %add3A_232, %broadcast_in_dim3A_334], %get3A_342 : memref<1x64x257xf32, #tpu.memory_space<vmem>>[vector<16xi32>, vector<16xi32>, vector<16xi32>], vector<16xf32>,
          %get3A_343 = arith.index_cast %add3A_336 : i32 to index
          %get3A_344 = arith.constant 32 : index
          %get3A_345 = tpu.vector_load %arg12[%get3A_343, %get3A_344] {strides = array<i32>} : memref<256x64xf32, #tpu.memory_space<vmem>>, vector<16xf32>,
          tpu.vector_store_idx %arg14[%broadcast_in_dim3A_226, %add3A_235, %broadcast_in_dim3A_334], %get3A_345 : memref<1x64x257xf32, #tpu.memory_space<vmem>>[vector<16xi32>, vector<16xi32>, vector<16xi32>], vector<16xf32>,
          %get3A_346 = arith.index_cast %add3A_336 : i32 to index
          %get3A_347 = arith.constant 48 : index
          %get3A_348 = tpu.vector_load %arg12[%get3A_346, %get3A_347] {strides = array<i32>} : memref<256x64xf32, #tpu.memory_space<vmem>>, vector<16xf32>,
          tpu.vector_store_idx %arg14[%broadcast_in_dim3A_226, %add3A_238, %broadcast_in_dim3A_334], %get3A_348 : memref<1x64x257xf32, #tpu.memory_space<vmem>>[vector<16xi32>, vector<16xi32>, vector<16xi32>], vector<16xf32>,
          %scan3A_349 = arith.constant 5 : i32
          %scan3A_350 = arith.addi %scan3A_266, %scan3A_349 : i32
          %broadcast_in_dim3A_351 = vector.broadcast %scan3A_350 : i32 to vector<16xi32>
          %add3A_352 = arith.constant 0 : i32
          %add3A_353 = arith.addi %add3A_352, %scan3A_350 : i32
          %get3A_354 = arith.index_cast %add3A_353 : i32 to index
          %get3A_355 = arith.constant 0 : index
          %get3A_356 = tpu.vector_load %arg12[%get3A_354, %get3A_355] {strides = array<i32>} : memref<256x64xf32, #tpu.memory_space<vmem>>, vector<16xf32>,
          tpu.vector_store_idx %arg14[%broadcast_in_dim3A_226, %add3A_229, %broadcast_in_dim3A_351], %get3A_356 : memref<1x64x257xf32, #tpu.memory_space<vmem>>[vector<16xi32>, vector<16xi32>, vector<16xi32>], vector<16xf32>,
          %get3A_357 = arith.index_cast %add3A_353 : i32 to index
          %get3A_358 = arith.constant 16 : index
          %get3A_359 = tpu.vector_load %arg12[%get3A_357, %get3A_358] {strides = array<i32>} : memref<256x64xf32, #tpu.memory_space<vmem>>, vector<16xf32>,
          tpu.vector_store_idx %arg14[%broadcast_in_dim3A_226, %add3A_232, %broadcast_in_dim3A_351], %get3A_359 : memref<1x64x257xf32, #tpu.memory_space<vmem>>[vector<16xi32>, vector<16xi32>, vector<16xi32>], vector<16xf32>,
          %get3A_360 = arith.index_cast %add3A_353 : i32 to index
          %get3A_361 = arith.constant 32 : index
          %get3A_362 = tpu.vector_load %arg12[%get3A_360, %get3A_361] {strides = array<i32>} : memref<256x64xf32, #tpu.memory_space<vmem>>, vector<16xf32>,
          tpu.vector_store_idx %arg14[%broadcast_in_dim3A_226, %add3A_235, %broadcast_in_dim3A_351], %get3A_362 : memref<1x64x257xf32, #tpu.memory_space<vmem>>[vector<16xi32>, vector<16xi32>, vector<16xi32>], vector<16xf32>,
          %get3A_363 = arith.index_cast %add3A_353 : i32 to index
          %get3A_364 = arith.constant 48 : index
          %get3A_365 = tpu.vector_load %arg12[%get3A_363, %get3A_364] {strides = array<i32>} : memref<256x64xf32, #tpu.memory_space<vmem>>, vector<16xf32>,
          tpu.vector_store_idx %arg14[%broadcast_in_dim3A_226, %add3A_238, %broadcast_in_dim3A_351], %get3A_365 : memref<1x64x257xf32, #tpu.memory_space<vmem>>[vector<16xi32>, vector<16xi32>, vector<16xi32>], vector<16xf32>,
          %scan3A_366 = arith.constant 6 : i32
          %scan3A_367 = arith.addi %scan3A_266, %scan3A_366 : i32
          %broadcast_in_dim3A_368 = vector.broadcast %scan3A_367 : i32 to vector<16xi32>
          %add3A_369 = arith.constant 0 : i32
          %add3A_370 = arith.addi %add3A_369, %scan3A_367 : i32
          %get3A_371 = arith.index_cast %add3A_370 : i32 to index
          %get3A_372 = arith.constant 0 : index
          %get3A_373 = tpu.vector_load %arg12[%get3A_371, %get3A_372] {strides = array<i32>} : memref<256x64xf32, #tpu.memory_space<vmem>>, vector<16xf32>,
          tpu.vector_store_idx %arg14[%broadcast_in_dim3A_226, %add3A_229, %broadcast_in_dim3A_368], %get3A_373 : memref<1x64x257xf32, #tpu.memory_space<vmem>>[vector<16xi32>, vector<16xi32>, vector<16xi32>], vector<16xf32>,
          %get3A_374 = arith.index_cast %add3A_370 : i32 to index
          %get3A_375 = arith.constant 16 : index
          %get3A_376 = tpu.vector_load %arg12[%get3A_374, %get3A_375] {strides = array<i32>} : memref<256x64xf32, #tpu.memory_space<vmem>>, vector<16xf32>,
          tpu.vector_store_idx %arg14[%broadcast_in_dim3A_226, %add3A_232, %broadcast_in_dim3A_368], %get3A_376 : memref<1x64x257xf32, #tpu.memory_space<vmem>>[vector<16xi32>, vector<16xi32>, vector<16xi32>], vector<16xf32>,
          %get3A_377 = arith.index_cast %add3A_370 : i32 to index
          %get3A_378 = arith.constant 32 : index
          %get3A_379 = tpu.vector_load %arg12[%get3A_377, %get3A_378] {strides = array<i32>} : memref<256x64xf32, #tpu.memory_space<vmem>>, vector<16xf32>,
          tpu.vector_store_idx %arg14[%broadcast_in_dim3A_226, %add3A_235, %broadcast_in_dim3A_368], %get3A_379 : memref<1x64x257xf32, #tpu.memory_space<vmem>>[vector<16xi32>, vector<16xi32>, vector<16xi32>], vector<16xf32>,
          %get3A_380 = arith.index_cast %add3A_370 : i32 to index
          %get3A_381 = arith.constant 48 : index
          %get3A_382 = tpu.vector_load %arg12[%get3A_380, %get3A_381] {strides = array<i32>} : memref<256x64xf32, #tpu.memory_space<vmem>>, vector<16xf32>,
          tpu.vector_store_idx %arg14[%broadcast_in_dim3A_226, %add3A_238, %broadcast_in_dim3A_368], %get3A_382 : memref<1x64x257xf32, #tpu.memory_space<vmem>>[vector<16xi32>, vector<16xi32>, vector<16xi32>], vector<16xf32>,
          %scan3A_383 = arith.constant 7 : i32
          %scan3A_384 = arith.addi %scan3A_266, %scan3A_383 : i32
          %broadcast_in_dim3A_385 = vector.broadcast %scan3A_384 : i32 to vector<16xi32>
          %add3A_386 = arith.constant 0 : i32
          %add3A_387 = arith.addi %add3A_386, %scan3A_384 : i32
          %get3A_388 = arith.index_cast %add3A_387 : i32 to index
          %get3A_389 = arith.constant 0 : index
          %get3A_390 = tpu.vector_load %arg12[%get3A_388, %get3A_389] {strides = array<i32>} : memref<256x64xf32, #tpu.memory_space<vmem>>, vector<16xf32>,
          tpu.vector_store_idx %arg14[%broadcast_in_dim3A_226, %add3A_229, %broadcast_in_dim3A_385], %get3A_390 : memref<1x64x257xf32, #tpu.memory_space<vmem>>[vector<16xi32>, vector<16xi32>, vector<16xi32>], vector<16xf32>,
          %get3A_391 = arith.index_cast %add3A_387 : i32 to index
          %get3A_392 = arith.constant 16 : index
          %get3A_393 = tpu.vector_load %arg12[%get3A_391, %get3A_392] {strides = array<i32>} : memref<256x64xf32, #tpu.memory_space<vmem>>, vector<16xf32>,
          tpu.vector_store_idx %arg14[%broadcast_in_dim3A_226, %add3A_232, %broadcast_in_dim3A_385], %get3A_393 : memref<1x64x257xf32, #tpu.memory_space<vmem>>[vector<16xi32>, vector<16xi32>, vector<16xi32>], vector<16xf32>,
          %get3A_394 = arith.index_cast %add3A_387 : i32 to index
          %get3A_395 = arith.constant 32 : index
          %get3A_396 = tpu.vector_load %arg12[%get3A_394, %get3A_395] {strides = array<i32>} : memref<256x64xf32, #tpu.memory_space<vmem>>, vector<16xf32>,
          tpu.vector_store_idx %arg14[%broadcast_in_dim3A_226, %add3A_235, %broadcast_in_dim3A_385], %get3A_396 : memref<1x64x257xf32, #tpu.memory_space<vmem>>[vector<16xi32>, vector<16xi32>, vector<16xi32>], vector<16xf32>,
          %get3A_397 = arith.index_cast %add3A_387 : i32 to index
          %get3A_398 = arith.constant 48 : index
          %get3A_399 = tpu.vector_load %arg12[%get3A_397, %get3A_398] {strides = array<i32>} : memref<256x64xf32, #tpu.memory_space<vmem>>, vector<16xf32>,
          tpu.vector_store_idx %arg14[%broadcast_in_dim3A_226, %add3A_238, %broadcast_in_dim3A_385], %get3A_399 : memref<1x64x257xf32, #tpu.memory_space<vmem>>[vector<16xi32>, vector<16xi32>, vector<16xi32>], vector<16xf32>,
        }
        %scan3A_244 = arith.constant 256 : i32
        %rem3A_245 = arith.constant 2 : i32
        %rem3A_246 = arith.remsi %sub3A_164, %rem3A_245 : i32
        %div3A_247 = arith.constant 2 : i32
        %div3A_248 = arith.divsi %sub3A_164, %div3A_247 : i32
        %mul3A_249 = arith.constant 1 : i32
        %mul3A_250 = arith.muli %div3A_248, %mul3A_249 : i32
        %mul3A_251 = arith.constant 256 : i32
        %mul3A_252 = arith.muli %rem3A_246, %mul3A_251 : i32
        %add3A_253 = arith.addi %mul3A_2, %mul3A_252 : i32
        %dma_start3A_254 = arith.constant 0 : i32
        %dma_start3A_255 = arith.constant 0 : i32
        %dma_start3A_256 = arith.constant 0 : i32
        %dma_start3A_257 = tpu.memref_slice %arg14[%dma_start3A_254, %dma_start3A_255, %dma_start3A_256] : memref<1x64x257xf32, #tpu.memory_space<vmem>> -> memref<1x64x256xf32, #tpu.memory_space<vmem>>
        %dma_start3A_258 = arith.constant 0 : i32
        %dma_start3A_259 = tpu.memref_slice %arg7[%mul3A_250, %dma_start3A_258, %add3A_253] : memref<200x64x16384xf32, #tpu.memory_space<hbm>> -> memref<1x64x256xf32, #tpu.memory_space<hbm>>
        %dma_start3A_260 = arith.constant 0 : i32
        %dma_start3A_261 = tpu.memref_slice %arg7[%mul3A_250, %dma_start3A_260, %add3A_253] : memref<200x64x16384xf32, #tpu.memory_space<hbm>> -> memref<1x64x256xf32, #tpu.memory_space<hbm>>
        %dma_start3A_262 = arith.constant 0 : i32
        %dma_start3A_263 = arith.constant 0 : i32
        %dma_start3A_264 = arith.constant 0 : i32
        %dma_start3A_265 = tpu.memref_slice %arg14[%dma_start3A_262, %dma_start3A_263, %dma_start3A_264] : memref<1x64x257xf32, #tpu.memory_space<vmem>> -> memref<1x64x256xf32, #tpu.memory_space<vmem>>
        tpu.enqueue_dma source(%dma_start3A_265 : memref<1x64x256xf32, #tpu.memory_space<vmem>>) target(%dma_start3A_261 : memref<1x64x256xf32, #tpu.memory_space<hbm>>) target_semaphore(%arg22 : memref<!tpu.dma_semaphore, #tpu.memory_space<semaphore_mem>>)
      } else {
      }
      %mul3A_173 = arith.constant 4 : i32
      %mul3A_174 = arith.muli %scan3A_140, %mul3A_173 : i32
      %add3A_175 = arith.constant 2 : i32
      %add3A_176 = arith.addi %mul3A_174, %add3A_175 : i32
      %lt3A_177 = arith.constant 400 : i32
      %lt3A_178 = arith.cmpi slt, %add3A_176, %lt3A_177 : i32
      %convert_element_type3A_179 = arith.extui %lt3A_178 : i1 to i32
      %cond3A_180 = arith.constant 0 : i32
      %cond3A_181 = arith.cmpi ne, %convert_element_type3A_179, %cond3A_180 : i32
      scf.if %cond3A_181 {
        %rem3A_211 = arith.constant 2 : i32
        %rem3A_212 = arith.remsi %add3A_176, %rem3A_211 : i32
        %div3A_213 = arith.constant 2 : i32
        %div3A_214 = arith.divsi %add3A_176, %div3A_213 : i32
        %mul3A_215 = arith.constant 1 : i32
        %mul3A_216 = arith.muli %div3A_214, %mul3A_215 : i32
        %mul3A_217 = arith.constant 256 : i32
        %mul3A_218 = arith.muli %rem3A_212, %mul3A_217 : i32
        %add3A_219 = arith.addi %mul3A_2, %mul3A_218 : i32
        %add3A_220 = arith.constant 0 : i32
        %add3A_221 = arith.addi %mul3A_216, %add3A_220 : i32
        %dma_wait3A_222 = arith.constant 0 : i32
        %dma_wait3A_223 = tpu.memref_slice %arg10[%dma_wait3A_222] : memref<256xi32, #tpu.memory_space<vmem>> -> memref<256xi32, #tpu.memory_space<vmem>>
        %dma_wait3A_224 = tpu.memref_slice %arg3[%add3A_221, %add3A_219] : memref<200x16384xi32, #tpu.memory_space<hbm>> -> memref<1x256xi32, #tpu.memory_space<hbm>>
        %dma_wait3A_225 = tpu.memref_squeeze %dma_wait3A_224 : memref<1x256xi32, #tpu.memory_space<hbm>> -> memref<256xi32, #tpu.memory_space<hbm>>
        %dma_wait3A_226 = arith.constant 0 : i32
        %dma_wait3A_227 = tpu.memref_slice %arg10[%dma_wait3A_226] : memref<256xi32, #tpu.memory_space<vmem>> -> memref<256xi32, #tpu.memory_space<vmem>>
        %dma_wait3A_228 = tpu.memref_slice %arg3[%add3A_221, %add3A_219] : memref<200x16384xi32, #tpu.memory_space<hbm>> -> memref<1x256xi32, #tpu.memory_space<hbm>>
        %dma_wait3A_229 = tpu.memref_squeeze %dma_wait3A_228 : memref<1x256xi32, #tpu.memory_space<hbm>> -> memref<256xi32, #tpu.memory_space<hbm>>
        tpu.wait_dma2 semaphore(%arg18 : memref<!tpu.dma_semaphore, #tpu.memory_space<semaphore_mem>>) src(%dma_wait3A_229 : memref<256xi32, #tpu.memory_space<hbm>>) dst(%dma_wait3A_227 : memref<256xi32, #tpu.memory_space<vmem>>)
        %dma_start3A_230 = arith.constant 0 : i32
        %dma_start3A_231 = arith.constant 0 : i32
        %dma_start3A_232 = tpu.memref_slice %arg5[%dma_start3A_230, %dma_start3A_231] : memref<1000001x64xf32, #tpu.memory_space<hbm>> -> memref<1000001x64xf32, #tpu.memory_space<hbm>>
        tpu.enqueue_indirect_dma source(%dma_start3A_232 : memref<1000001x64xf32, #tpu.memory_space<hbm>>) target(%arg12 : memref<256x64xf32, #tpu.memory_space<vmem>>) offsets(%arg10 : memref<256xi32, #tpu.memory_space<vmem>>) semaphore(%arg20 : memref<!tpu.dma_semaphore, #tpu.memory_space<semaphore_mem>>)
      } else {
      }
      %sub3A_182 = arith.constant 1 : i32
      %sub3A_183 = arith.subi %add3A_176, %sub3A_182 : i32
      %ge3A_184 = arith.constant 0 : i32
      %ge3A_185 = arith.cmpi sge, %sub3A_183, %ge3A_184 : i32
      %lt3A_186 = arith.constant 400 : i32
      %lt3A_187 = arith.cmpi slt, %sub3A_183, %lt3A_186 : i32
      %and3A_188 = arith.andi %ge3A_185, %lt3A_187 : i1
      %convert_element_type3A_189 = arith.extui %and3A_188 : i1 to i32
      %cond3A_190 = arith.constant 0 : i32
      %cond3A_191 = arith.cmpi ne, %convert_element_type3A_189, %cond3A_190 : i32
      scf.if %cond3A_191 {
        %dma_wait3A_211 = arith.constant 0 : i32
        %dma_wait3A_212 = arith.constant 0 : i32
        %dma_wait3A_213 = tpu.memref_slice %arg5[%dma_wait3A_211, %dma_wait3A_212] : memref<1000001x64xf32, #tpu.memory_space<hbm>> -> memref<1000001x64xf32, #tpu.memory_space<hbm>>
        tpu.wait_indirect_dma semaphore(%arg21 : memref<!tpu.dma_semaphore, #tpu.memory_space<semaphore_mem>>) src(%dma_wait3A_213 : memref<1000001x64xf32, #tpu.memory_space<hbm>>) dst(%arg13 : memref<256x64xf32, #tpu.memory_space<vmem>>)
        %add3A_214 = arith.constant 4 : i32
        %add3A_215 = arith.addi %sub3A_183, %add3A_214 : i32
        %lt3A_216 = arith.constant 400 : i32
        %lt3A_217 = arith.cmpi slt, %add3A_215, %lt3A_216 : i32
        %convert_element_type3A_218 = arith.extui %lt3A_217 : i1 to i32
        %cond3A_219 = arith.constant 0 : i32
        %cond3A_220 = arith.cmpi ne, %convert_element_type3A_218, %cond3A_219 : i32
        scf.if %cond3A_220 {
          %add3A_266 = arith.constant 4 : i32
          %add3A_267 = arith.addi %sub3A_183, %add3A_266 : i32
          %rem3A_268 = arith.constant 2 : i32
          %rem3A_269 = arith.remsi %add3A_267, %rem3A_268 : i32
          %div3A_270 = arith.constant 2 : i32
          %div3A_271 = arith.divsi %add3A_267, %div3A_270 : i32
          %mul3A_272 = arith.constant 1 : i32
          %mul3A_273 = arith.muli %div3A_271, %mul3A_272 : i32
          %mul3A_274 = arith.constant 256 : i32
          %mul3A_275 = arith.muli %rem3A_269, %mul3A_274 : i32
          %add3A_276 = arith.addi %mul3A_2, %mul3A_275 : i32
          %add3A_277 = arith.constant 0 : i32
          %add3A_278 = arith.addi %mul3A_273, %add3A_277 : i32
          %dma_start3A_279 = arith.constant 0 : i32
          %dma_start3A_280 = tpu.memref_slice %arg9[%dma_start3A_279] : memref<256xi32, #tpu.memory_space<vmem>> -> memref<256xi32, #tpu.memory_space<vmem>>
          %dma_start3A_281 = tpu.memref_slice %arg3[%add3A_278, %add3A_276] : memref<200x16384xi32, #tpu.memory_space<hbm>> -> memref<1x256xi32, #tpu.memory_space<hbm>>
          %dma_start3A_282 = tpu.memref_squeeze %dma_start3A_281 : memref<1x256xi32, #tpu.memory_space<hbm>> -> memref<256xi32, #tpu.memory_space<hbm>>
          %dma_start3A_283 = arith.constant 0 : i32
          %dma_start3A_284 = tpu.memref_slice %arg9[%dma_start3A_283] : memref<256xi32, #tpu.memory_space<vmem>> -> memref<256xi32, #tpu.memory_space<vmem>>
          %dma_start3A_285 = tpu.memref_slice %arg3[%add3A_278, %add3A_276] : memref<200x16384xi32, #tpu.memory_space<hbm>> -> memref<1x256xi32, #tpu.memory_space<hbm>>
          %dma_start3A_286 = tpu.memref_squeeze %dma_start3A_285 : memref<1x256xi32, #tpu.memory_space<hbm>> -> memref<256xi32, #tpu.memory_space<hbm>>
          tpu.enqueue_dma source(%dma_start3A_286 : memref<256xi32, #tpu.memory_space<hbm>>) target(%dma_start3A_284 : memref<256xi32, #tpu.memory_space<vmem>>) target_semaphore(%arg17 : memref<!tpu.dma_semaphore, #tpu.memory_space<semaphore_mem>>)
        } else {
        }
        %ge3A_221 = arith.constant 2 : i32
        %ge3A_222 = arith.cmpi sge, %sub3A_183, %ge3A_221 : i32
        %convert_element_type3A_223 = arith.extui %ge3A_222 : i1 to i32
        %cond3A_224 = arith.constant 0 : i32
        %cond3A_225 = arith.cmpi ne, %convert_element_type3A_223, %cond3A_224 : i32
        scf.if %cond3A_225 {
          %sub3A_266 = arith.constant 2 : i32
          %sub3A_267 = arith.subi %sub3A_183, %sub3A_266 : i32
          %rem3A_268 = arith.constant 2 : i32
          %rem3A_269 = arith.remsi %sub3A_267, %rem3A_268 : i32
          %div3A_270 = arith.constant 2 : i32
          %div3A_271 = arith.divsi %sub3A_267, %div3A_270 : i32
          %mul3A_272 = arith.constant 1 : i32
          %mul3A_273 = arith.muli %div3A_271, %mul3A_272 : i32
          %mul3A_274 = arith.constant 256 : i32
          %mul3A_275 = arith.muli %rem3A_269, %mul3A_274 : i32
          %add3A_276 = arith.addi %mul3A_2, %mul3A_275 : i32
          %dma_wait3A_277 = arith.constant 0 : i32
          %dma_wait3A_278 = arith.constant 0 : i32
          %dma_wait3A_279 = arith.constant 0 : i32
          %dma_wait3A_280 = tpu.memref_slice %arg15[%dma_wait3A_277, %dma_wait3A_278, %dma_wait3A_279] : memref<1x64x257xf32, #tpu.memory_space<vmem>> -> memref<1x64x256xf32, #tpu.memory_space<vmem>>
          %dma_wait3A_281 = arith.constant 0 : i32
          %dma_wait3A_282 = tpu.memref_slice %arg7[%mul3A_273, %dma_wait3A_281, %add3A_276] : memref<200x64x16384xf32, #tpu.memory_space<hbm>> -> memref<1x64x256xf32, #tpu.memory_space<hbm>>
          %dma_wait3A_283 = arith.constant 0 : i32
          %dma_wait3A_284 = tpu.memref_slice %arg7[%mul3A_273, %dma_wait3A_283, %add3A_276] : memref<200x64x16384xf32, #tpu.memory_space<hbm>> -> memref<1x64x256xf32, #tpu.memory_space<hbm>>
          %dma_wait3A_285 = arith.constant 0 : i32
          %dma_wait3A_286 = arith.constant 0 : i32
          %dma_wait3A_287 = arith.constant 0 : i32
          %dma_wait3A_288 = tpu.memref_slice %arg15[%dma_wait3A_285, %dma_wait3A_286, %dma_wait3A_287] : memref<1x64x257xf32, #tpu.memory_space<vmem>> -> memref<1x64x256xf32, #tpu.memory_space<vmem>>
          tpu.wait_dma2 semaphore(%arg23 : memref<!tpu.dma_semaphore, #tpu.memory_space<semaphore_mem>>) src(%dma_wait3A_288 : memref<1x64x256xf32, #tpu.memory_space<vmem>>) dst(%dma_wait3A_284 : memref<1x64x256xf32, #tpu.memory_space<hbm>>)
        } else {
        }
        %iota3A = tpu.iota {dimensions = array<i32: 0>} : vector<16xi32>
        %broadcast_in_dim3A = arith.constant 0 : i32
        %broadcast_in_dim3A_226 = vector.broadcast %broadcast_in_dim3A : i32 to vector<16xi32>
        %add3A_227 = arith.constant 0 : i32
        %add3A_228 = vector.broadcast %add3A_227 : i32 to vector<16xi32>
        %add3A_229 = arith.addi %add3A_228, %iota3A : vector<16xi32>
        %add3A_230 = arith.constant 16 : i32
        %add3A_231 = vector.broadcast %add3A_230 : i32 to vector<16xi32>
        %add3A_232 = arith.addi %add3A_231, %iota3A : vector<16xi32>
        %add3A_233 = arith.constant 32 : i32
        %add3A_234 = vector.broadcast %add3A_233 : i32 to vector<16xi32>
        %add3A_235 = arith.addi %add3A_234, %iota3A : vector<16xi32>
        %add3A_236 = arith.constant 48 : i32
        %add3A_237 = vector.broadcast %add3A_236 : i32 to vector<16xi32>
        %add3A_238 = arith.addi %add3A_237, %iota3A : vector<16xi32>
        %scan3A_239 = arith.constant 0 : i32
        %scan3A_240 = arith.constant 0 : i32
        %scan3A_241 = arith.constant 256 : i32
        %scan3A_242 = arith.addi %scan3A_240, %scan3A_241 : i32
        %scan3A_243 = arith.constant 8 : i32
        scf.for %scan3A_266 = %scan3A_240 to %scan3A_242 step %scan3A_243  : i32 {
          %broadcast_in_dim3A_267 = vector.broadcast %scan3A_266 : i32 to vector<16xi32>
          %add3A_268 = arith.constant 0 : i32
          %add3A_269 = arith.addi %add3A_268, %scan3A_266 : i32
          %get3A = arith.index_cast %add3A_269 : i32 to index
          %get3A_270 = arith.constant 0 : index
          %get3A_271 = tpu.vector_load %arg13[%get3A, %get3A_270] {strides = array<i32>} : memref<256x64xf32, #tpu.memory_space<vmem>>, vector<16xf32>,
          tpu.vector_store_idx %arg15[%broadcast_in_dim3A_226, %add3A_229, %broadcast_in_dim3A_267], %get3A_271 : memref<1x64x257xf32, #tpu.memory_space<vmem>>[vector<16xi32>, vector<16xi32>, vector<16xi32>], vector<16xf32>,
          %get3A_272 = arith.index_cast %add3A_269 : i32 to index
          %get3A_273 = arith.constant 16 : index
          %get3A_274 = tpu.vector_load %arg13[%get3A_272, %get3A_273] {strides = array<i32>} : memref<256x64xf32, #tpu.memory_space<vmem>>, vector<16xf32>,
          tpu.vector_store_idx %arg15[%broadcast_in_dim3A_226, %add3A_232, %broadcast_in_dim3A_267], %get3A_274 : memref<1x64x257xf32, #tpu.memory_space<vmem>>[vector<16xi32>, vector<16xi32>, vector<16xi32>], vector<16xf32>,
          %get3A_275 = arith.index_cast %add3A_269 : i32 to index
          %get3A_276 = arith.constant 32 : index
          %get3A_277 = tpu.vector_load %arg13[%get3A_275, %get3A_276] {strides = array<i32>} : memref<256x64xf32, #tpu.memory_space<vmem>>, vector<16xf32>,
          tpu.vector_store_idx %arg15[%broadcast_in_dim3A_226, %add3A_235, %broadcast_in_dim3A_267], %get3A_277 : memref<1x64x257xf32, #tpu.memory_space<vmem>>[vector<16xi32>, vector<16xi32>, vector<16xi32>], vector<16xf32>,
          %get3A_278 = arith.index_cast %add3A_269 : i32 to index
          %get3A_279 = arith.constant 48 : index
          %get3A_280 = tpu.vector_load %arg13[%get3A_278, %get3A_279] {strides = array<i32>} : memref<256x64xf32, #tpu.memory_space<vmem>>, vector<16xf32>,
          tpu.vector_store_idx %arg15[%broadcast_in_dim3A_226, %add3A_238, %broadcast_in_dim3A_267], %get3A_280 : memref<1x64x257xf32, #tpu.memory_space<vmem>>[vector<16xi32>, vector<16xi32>, vector<16xi32>], vector<16xf32>,
          %scan3A_281 = arith.constant 1 : i32
          %scan3A_282 = arith.addi %scan3A_266, %scan3A_281 : i32
          %broadcast_in_dim3A_283 = vector.broadcast %scan3A_282 : i32 to vector<16xi32>
          %add3A_284 = arith.constant 0 : i32
          %add3A_285 = arith.addi %add3A_284, %scan3A_282 : i32
          %get3A_286 = arith.index_cast %add3A_285 : i32 to index
          %get3A_287 = arith.constant 0 : index
          %get3A_288 = tpu.vector_load %arg13[%get3A_286, %get3A_287] {strides = array<i32>} : memref<256x64xf32, #tpu.memory_space<vmem>>, vector<16xf32>,
          tpu.vector_store_idx %arg15[%broadcast_in_dim3A_226, %add3A_229, %broadcast_in_dim3A_283], %get3A_288 : memref<1x64x257xf32, #tpu.memory_space<vmem>>[vector<16xi32>, vector<16xi32>, vector<16xi32>], vector<16xf32>,
          %get3A_289 = arith.index_cast %add3A_285 : i32 to index
          %get3A_290 = arith.constant 16 : index
          %get3A_291 = tpu.vector_load %arg13[%get3A_289, %get3A_290] {strides = array<i32>} : memref<256x64xf32, #tpu.memory_space<vmem>>, vector<16xf32>,
          tpu.vector_store_idx %arg15[%broadcast_in_dim3A_226, %add3A_232, %broadcast_in_dim3A_283], %get3A_291 : memref<1x64x257xf32, #tpu.memory_space<vmem>>[vector<16xi32>, vector<16xi32>, vector<16xi32>], vector<16xf32>,
          %get3A_292 = arith.index_cast %add3A_285 : i32 to index
          %get3A_293 = arith.constant 32 : index
          %get3A_294 = tpu.vector_load %arg13[%get3A_292, %get3A_293] {strides = array<i32>} : memref<256x64xf32, #tpu.memory_space<vmem>>, vector<16xf32>,
          tpu.vector_store_idx %arg15[%broadcast_in_dim3A_226, %add3A_235, %broadcast_in_dim3A_283], %get3A_294 : memref<1x64x257xf32, #tpu.memory_space<vmem>>[vector<16xi32>, vector<16xi32>, vector<16xi32>], vector<16xf32>,
          %get3A_295 = arith.index_cast %add3A_285 : i32 to index
          %get3A_296 = arith.constant 48 : index
          %get3A_297 = tpu.vector_load %arg13[%get3A_295, %get3A_296] {strides = array<i32>} : memref<256x64xf32, #tpu.memory_space<vmem>>, vector<16xf32>,
          tpu.vector_store_idx %arg15[%broadcast_in_dim3A_226, %add3A_238, %broadcast_in_dim3A_283], %get3A_297 : memref<1x64x257xf32, #tpu.memory_space<vmem>>[vector<16xi32>, vector<16xi32>, vector<16xi32>], vector<16xf32>,
          %scan3A_298 = arith.constant 2 : i32
          %scan3A_299 = arith.addi %scan3A_266, %scan3A_298 : i32
          %broadcast_in_dim3A_300 = vector.broadcast %scan3A_299 : i32 to vector<16xi32>
          %add3A_301 = arith.constant 0 : i32
          %add3A_302 = arith.addi %add3A_301, %scan3A_299 : i32
          %get3A_303 = arith.index_cast %add3A_302 : i32 to index
          %get3A_304 = arith.constant 0 : index
          %get3A_305 = tpu.vector_load %arg13[%get3A_303, %get3A_304] {strides = array<i32>} : memref<256x64xf32, #tpu.memory_space<vmem>>, vector<16xf32>,
          tpu.vector_store_idx %arg15[%broadcast_in_dim3A_226, %add3A_229, %broadcast_in_dim3A_300], %get3A_305 : memref<1x64x257xf32, #tpu.memory_space<vmem>>[vector<16xi32>, vector<16xi32>, vector<16xi32>], vector<16xf32>,
          %get3A_306 = arith.index_cast %add3A_302 : i32 to index
          %get3A_307 = arith.constant 16 : index
          %get3A_308 = tpu.vector_load %arg13[%get3A_306, %get3A_307] {strides = array<i32>} : memref<256x64xf32, #tpu.memory_space<vmem>>, vector<16xf32>,
          tpu.vector_store_idx %arg15[%broadcast_in_dim3A_226, %add3A_232, %broadcast_in_dim3A_300], %get3A_308 : memref<1x64x257xf32, #tpu.memory_space<vmem>>[vector<16xi32>, vector<16xi32>, vector<16xi32>], vector<16xf32>,
          %get3A_309 = arith.index_cast %add3A_302 : i32 to index
          %get3A_310 = arith.constant 32 : index
          %get3A_311 = tpu.vector_load %arg13[%get3A_309, %get3A_310] {strides = array<i32>} : memref<256x64xf32, #tpu.memory_space<vmem>>, vector<16xf32>,
          tpu.vector_store_idx %arg15[%broadcast_in_dim3A_226, %add3A_235, %broadcast_in_dim3A_300], %get3A_311 : memref<1x64x257xf32, #tpu.memory_space<vmem>>[vector<16xi32>, vector<16xi32>, vector<16xi32>], vector<16xf32>,
          %get3A_312 = arith.index_cast %add3A_302 : i32 to index
          %get3A_313 = arith.constant 48 : index
          %get3A_314 = tpu.vector_load %arg13[%get3A_312, %get3A_313] {strides = array<i32>} : memref<256x64xf32, #tpu.memory_space<vmem>>, vector<16xf32>,
          tpu.vector_store_idx %arg15[%broadcast_in_dim3A_226, %add3A_238, %broadcast_in_dim3A_300], %get3A_314 : memref<1x64x257xf32, #tpu.memory_space<vmem>>[vector<16xi32>, vector<16xi32>, vector<16xi32>], vector<16xf32>,
          %scan3A_315 = arith.constant 3 : i32
          %scan3A_316 = arith.addi %scan3A_266, %scan3A_315 : i32
          %broadcast_in_dim3A_317 = vector.broadcast %scan3A_316 : i32 to vector<16xi32>
          %add3A_318 = arith.constant 0 : i32
          %add3A_319 = arith.addi %add3A_318, %scan3A_316 : i32
          %get3A_320 = arith.index_cast %add3A_319 : i32 to index
          %get3A_321 = arith.constant 0 : index
          %get3A_322 = tpu.vector_load %arg13[%get3A_320, %get3A_321] {strides = array<i32>} : memref<256x64xf32, #tpu.memory_space<vmem>>, vector<16xf32>,
          tpu.vector_store_idx %arg15[%broadcast_in_dim3A_226, %add3A_229, %broadcast_in_dim3A_317], %get3A_322 : memref<1x64x257xf32, #tpu.memory_space<vmem>>[vector<16xi32>, vector<16xi32>, vector<16xi32>], vector<16xf32>,
          %get3A_323 = arith.index_cast %add3A_319 : i32 to index
          %get3A_324 = arith.constant 16 : index
          %get3A_325 = tpu.vector_load %arg13[%get3A_323, %get3A_324] {strides = array<i32>} : memref<256x64xf32, #tpu.memory_space<vmem>>, vector<16xf32>,
          tpu.vector_store_idx %arg15[%broadcast_in_dim3A_226, %add3A_232, %broadcast_in_dim3A_317], %get3A_325 : memref<1x64x257xf32, #tpu.memory_space<vmem>>[vector<16xi32>, vector<16xi32>, vector<16xi32>], vector<16xf32>,
          %get3A_326 = arith.index_cast %add3A_319 : i32 to index
          %get3A_327 = arith.constant 32 : index
          %get3A_328 = tpu.vector_load %arg13[%get3A_326, %get3A_327] {strides = array<i32>} : memref<256x64xf32, #tpu.memory_space<vmem>>, vector<16xf32>,
          tpu.vector_store_idx %arg15[%broadcast_in_dim3A_226, %add3A_235, %broadcast_in_dim3A_317], %get3A_328 : memref<1x64x257xf32, #tpu.memory_space<vmem>>[vector<16xi32>, vector<16xi32>, vector<16xi32>], vector<16xf32>,
          %get3A_329 = arith.index_cast %add3A_319 : i32 to index
          %get3A_330 = arith.constant 48 : index
          %get3A_331 = tpu.vector_load %arg13[%get3A_329, %get3A_330] {strides = array<i32>} : memref<256x64xf32, #tpu.memory_space<vmem>>, vector<16xf32>,
          tpu.vector_store_idx %arg15[%broadcast_in_dim3A_226, %add3A_238, %broadcast_in_dim3A_317], %get3A_331 : memref<1x64x257xf32, #tpu.memory_space<vmem>>[vector<16xi32>, vector<16xi32>, vector<16xi32>], vector<16xf32>,
          %scan3A_332 = arith.constant 4 : i32
          %scan3A_333 = arith.addi %scan3A_266, %scan3A_332 : i32
          %broadcast_in_dim3A_334 = vector.broadcast %scan3A_333 : i32 to vector<16xi32>
          %add3A_335 = arith.constant 0 : i32
          %add3A_336 = arith.addi %add3A_335, %scan3A_333 : i32
          %get3A_337 = arith.index_cast %add3A_336 : i32 to index
          %get3A_338 = arith.constant 0 : index
          %get3A_339 = tpu.vector_load %arg13[%get3A_337, %get3A_338] {strides = array<i32>} : memref<256x64xf32, #tpu.memory_space<vmem>>, vector<16xf32>,
          tpu.vector_store_idx %arg15[%broadcast_in_dim3A_226, %add3A_229, %broadcast_in_dim3A_334], %get3A_339 : memref<1x64x257xf32, #tpu.memory_space<vmem>>[vector<16xi32>, vector<16xi32>, vector<16xi32>], vector<16xf32>,
          %get3A_340 = arith.index_cast %add3A_336 : i32 to index
          %get3A_341 = arith.constant 16 : index
          %get3A_342 = tpu.vector_load %arg13[%get3A_340, %get3A_341] {strides = array<i32>} : memref<256x64xf32, #tpu.memory_space<vmem>>, vector<16xf32>,
          tpu.vector_store_idx %arg15[%broadcast_in_dim3A_226, %add3A_232, %broadcast_in_dim3A_334], %get3A_342 : memref<1x64x257xf32, #tpu.memory_space<vmem>>[vector<16xi32>, vector<16xi32>, vector<16xi32>], vector<16xf32>,
          %get3A_343 = arith.index_cast %add3A_336 : i32 to index
          %get3A_344 = arith.constant 32 : index
          %get3A_345 = tpu.vector_load %arg13[%get3A_343, %get3A_344] {strides = array<i32>} : memref<256x64xf32, #tpu.memory_space<vmem>>, vector<16xf32>,
          tpu.vector_store_idx %arg15[%broadcast_in_dim3A_226, %add3A_235, %broadcast_in_dim3A_334], %get3A_345 : memref<1x64x257xf32, #tpu.memory_space<vmem>>[vector<16xi32>, vector<16xi32>, vector<16xi32>], vector<16xf32>,
          %get3A_346 = arith.index_cast %add3A_336 : i32 to index
          %get3A_347 = arith.constant 48 : index
          %get3A_348 = tpu.vector_load %arg13[%get3A_346, %get3A_347] {strides = array<i32>} : memref<256x64xf32, #tpu.memory_space<vmem>>, vector<16xf32>,
          tpu.vector_store_idx %arg15[%broadcast_in_dim3A_226, %add3A_238, %broadcast_in_dim3A_334], %get3A_348 : memref<1x64x257xf32, #tpu.memory_space<vmem>>[vector<16xi32>, vector<16xi32>, vector<16xi32>], vector<16xf32>,
          %scan3A_349 = arith.constant 5 : i32
          %scan3A_350 = arith.addi %scan3A_266, %scan3A_349 : i32
          %broadcast_in_dim3A_351 = vector.broadcast %scan3A_350 : i32 to vector<16xi32>
          %add3A_352 = arith.constant 0 : i32
          %add3A_353 = arith.addi %add3A_352, %scan3A_350 : i32
          %get3A_354 = arith.index_cast %add3A_353 : i32 to index
          %get3A_355 = arith.constant 0 : index
          %get3A_356 = tpu.vector_load %arg13[%get3A_354, %get3A_355] {strides = array<i32>} : memref<256x64xf32, #tpu.memory_space<vmem>>, vector<16xf32>,
          tpu.vector_store_idx %arg15[%broadcast_in_dim3A_226, %add3A_229, %broadcast_in_dim3A_351], %get3A_356 : memref<1x64x257xf32, #tpu.memory_space<vmem>>[vector<16xi32>, vector<16xi32>, vector<16xi32>], vector<16xf32>,
          %get3A_357 = arith.index_cast %add3A_353 : i32 to index
          %get3A_358 = arith.constant 16 : index
          %get3A_359 = tpu.vector_load %arg13[%get3A_357, %get3A_358] {strides = array<i32>} : memref<256x64xf32, #tpu.memory_space<vmem>>, vector<16xf32>,
          tpu.vector_store_idx %arg15[%broadcast_in_dim3A_226, %add3A_232, %broadcast_in_dim3A_351], %get3A_359 : memref<1x64x257xf32, #tpu.memory_space<vmem>>[vector<16xi32>, vector<16xi32>, vector<16xi32>], vector<16xf32>,
          %get3A_360 = arith.index_cast %add3A_353 : i32 to index
          %get3A_361 = arith.constant 32 : index
          %get3A_362 = tpu.vector_load %arg13[%get3A_360, %get3A_361] {strides = array<i32>} : memref<256x64xf32, #tpu.memory_space<vmem>>, vector<16xf32>,
          tpu.vector_store_idx %arg15[%broadcast_in_dim3A_226, %add3A_235, %broadcast_in_dim3A_351], %get3A_362 : memref<1x64x257xf32, #tpu.memory_space<vmem>>[vector<16xi32>, vector<16xi32>, vector<16xi32>], vector<16xf32>,
          %get3A_363 = arith.index_cast %add3A_353 : i32 to index
          %get3A_364 = arith.constant 48 : index
          %get3A_365 = tpu.vector_load %arg13[%get3A_363, %get3A_364] {strides = array<i32>} : memref<256x64xf32, #tpu.memory_space<vmem>>, vector<16xf32>,
          tpu.vector_store_idx %arg15[%broadcast_in_dim3A_226, %add3A_238, %broadcast_in_dim3A_351], %get3A_365 : memref<1x64x257xf32, #tpu.memory_space<vmem>>[vector<16xi32>, vector<16xi32>, vector<16xi32>], vector<16xf32>,
          %scan3A_366 = arith.constant 6 : i32
          %scan3A_367 = arith.addi %scan3A_266, %scan3A_366 : i32
          %broadcast_in_dim3A_368 = vector.broadcast %scan3A_367 : i32 to vector<16xi32>
          %add3A_369 = arith.constant 0 : i32
          %add3A_370 = arith.addi %add3A_369, %scan3A_367 : i32
          %get3A_371 = arith.index_cast %add3A_370 : i32 to index
          %get3A_372 = arith.constant 0 : index
          %get3A_373 = tpu.vector_load %arg13[%get3A_371, %get3A_372] {strides = array<i32>} : memref<256x64xf32, #tpu.memory_space<vmem>>, vector<16xf32>,
          tpu.vector_store_idx %arg15[%broadcast_in_dim3A_226, %add3A_229, %broadcast_in_dim3A_368], %get3A_373 : memref<1x64x257xf32, #tpu.memory_space<vmem>>[vector<16xi32>, vector<16xi32>, vector<16xi32>], vector<16xf32>,
          %get3A_374 = arith.index_cast %add3A_370 : i32 to index
          %get3A_375 = arith.constant 16 : index
          %get3A_376 = tpu.vector_load %arg13[%get3A_374, %get3A_375] {strides = array<i32>} : memref<256x64xf32, #tpu.memory_space<vmem>>, vector<16xf32>,
          tpu.vector_store_idx %arg15[%broadcast_in_dim3A_226, %add3A_232, %broadcast_in_dim3A_368], %get3A_376 : memref<1x64x257xf32, #tpu.memory_space<vmem>>[vector<16xi32>, vector<16xi32>, vector<16xi32>], vector<16xf32>,
          %get3A_377 = arith.index_cast %add3A_370 : i32 to index
          %get3A_378 = arith.constant 32 : index
          %get3A_379 = tpu.vector_load %arg13[%get3A_377, %get3A_378] {strides = array<i32>} : memref<256x64xf32, #tpu.memory_space<vmem>>, vector<16xf32>,
          tpu.vector_store_idx %arg15[%broadcast_in_dim3A_226, %add3A_235, %broadcast_in_dim3A_368], %get3A_379 : memref<1x64x257xf32, #tpu.memory_space<vmem>>[vector<16xi32>, vector<16xi32>, vector<16xi32>], vector<16xf32>,
          %get3A_380 = arith.index_cast %add3A_370 : i32 to index
          %get3A_381 = arith.constant 48 : index
          %get3A_382 = tpu.vector_load %arg13[%get3A_380, %get3A_381] {strides = array<i32>} : memref<256x64xf32, #tpu.memory_space<vmem>>, vector<16xf32>,
          tpu.vector_store_idx %arg15[%broadcast_in_dim3A_226, %add3A_238, %broadcast_in_dim3A_368], %get3A_382 : memref<1x64x257xf32, #tpu.memory_space<vmem>>[vector<16xi32>, vector<16xi32>, vector<16xi32>], vector<16xf32>,
          %scan3A_383 = arith.constant 7 : i32
          %scan3A_384 = arith.addi %scan3A_266, %scan3A_383 : i32
          %broadcast_in_dim3A_385 = vector.broadcast %scan3A_384 : i32 to vector<16xi32>
          %add3A_386 = arith.constant 0 : i32
          %add3A_387 = arith.addi %add3A_386, %scan3A_384 : i32
          %get3A_388 = arith.index_cast %add3A_387 : i32 to index
          %get3A_389 = arith.constant 0 : index
          %get3A_390 = tpu.vector_load %arg13[%get3A_388, %get3A_389] {strides = array<i32>} : memref<256x64xf32, #tpu.memory_space<vmem>>, vector<16xf32>,
          tpu.vector_store_idx %arg15[%broadcast_in_dim3A_226, %add3A_229, %broadcast_in_dim3A_385], %get3A_390 : memref<1x64x257xf32, #tpu.memory_space<vmem>>[vector<16xi32>, vector<16xi32>, vector<16xi32>], vector<16xf32>,
          %get3A_391 = arith.index_cast %add3A_387 : i32 to index
          %get3A_392 = arith.constant 16 : index
          %get3A_393 = tpu.vector_load %arg13[%get3A_391, %get3A_392] {strides = array<i32>} : memref<256x64xf32, #tpu.memory_space<vmem>>, vector<16xf32>,
          tpu.vector_store_idx %arg15[%broadcast_in_dim3A_226, %add3A_232, %broadcast_in_dim3A_385], %get3A_393 : memref<1x64x257xf32, #tpu.memory_space<vmem>>[vector<16xi32>, vector<16xi32>, vector<16xi32>], vector<16xf32>,
          %get3A_394 = arith.index_cast %add3A_387 : i32 to index
          %get3A_395 = arith.constant 32 : index
          %get3A_396 = tpu.vector_load %arg13[%get3A_394, %get3A_395] {strides = array<i32>} : memref<256x64xf32, #tpu.memory_space<vmem>>, vector<16xf32>,
          tpu.vector_store_idx %arg15[%broadcast_in_dim3A_226, %add3A_235, %broadcast_in_dim3A_385], %get3A_396 : memref<1x64x257xf32, #tpu.memory_space<vmem>>[vector<16xi32>, vector<16xi32>, vector<16xi32>], vector<16xf32>,
          %get3A_397 = arith.index_cast %add3A_387 : i32 to index
          %get3A_398 = arith.constant 48 : index
          %get3A_399 = tpu.vector_load %arg13[%get3A_397, %get3A_398] {strides = array<i32>} : memref<256x64xf32, #tpu.memory_space<vmem>>, vector<16xf32>,
          tpu.vector_store_idx %arg15[%broadcast_in_dim3A_226, %add3A_238, %broadcast_in_dim3A_385], %get3A_399 : memref<1x64x257xf32, #tpu.memory_space<vmem>>[vector<16xi32>, vector<16xi32>, vector<16xi32>], vector<16xf32>,
        }
        %scan3A_244 = arith.constant 256 : i32
        %rem3A_245 = arith.constant 2 : i32
        %rem3A_246 = arith.remsi %sub3A_183, %rem3A_245 : i32
        %div3A_247 = arith.constant 2 : i32
        %div3A_248 = arith.divsi %sub3A_183, %div3A_247 : i32
        %mul3A_249 = arith.constant 1 : i32
        %mul3A_250 = arith.muli %div3A_248, %mul3A_249 : i32
        %mul3A_251 = arith.constant 256 : i32
        %mul3A_252 = arith.muli %rem3A_246, %mul3A_251 : i32
        %add3A_253 = arith.addi %mul3A_2, %mul3A_252 : i32
        %dma_start3A_254 = arith.constant 0 : i32
        %dma_start3A_255 = arith.constant 0 : i32
        %dma_start3A_256 = arith.constant 0 : i32
        %dma_start3A_257 = tpu.memref_slice %arg15[%dma_start3A_254, %dma_start3A_255, %dma_start3A_256] : memref<1x64x257xf32, #tpu.memory_space<vmem>> -> memref<1x64x256xf32, #tpu.memory_space<vmem>>
        %dma_start3A_258 = arith.constant 0 : i32
        %dma_start3A_259 = tpu.memref_slice %arg7[%mul3A_250, %dma_start3A_258, %add3A_253] : memref<200x64x16384xf32, #tpu.memory_space<hbm>> -> memref<1x64x256xf32, #tpu.memory_space<hbm>>
        %dma_start3A_260 = arith.constant 0 : i32
        %dma_start3A_261 = tpu.memref_slice %arg7[%mul3A_250, %dma_start3A_260, %add3A_253] : memref<200x64x16384xf32, #tpu.memory_space<hbm>> -> memref<1x64x256xf32, #tpu.memory_space<hbm>>
        %dma_start3A_262 = arith.constant 0 : i32
        %dma_start3A_263 = arith.constant 0 : i32
        %dma_start3A_264 = arith.constant 0 : i32
        %dma_start3A_265 = tpu.memref_slice %arg15[%dma_start3A_262, %dma_start3A_263, %dma_start3A_264] : memref<1x64x257xf32, #tpu.memory_space<vmem>> -> memref<1x64x256xf32, #tpu.memory_space<vmem>>
        tpu.enqueue_dma source(%dma_start3A_265 : memref<1x64x256xf32, #tpu.memory_space<vmem>>) target(%dma_start3A_261 : memref<1x64x256xf32, #tpu.memory_space<hbm>>) target_semaphore(%arg23 : memref<!tpu.dma_semaphore, #tpu.memory_space<semaphore_mem>>)
      } else {
      }
      %mul3A_192 = arith.constant 4 : i32
      %mul3A_193 = arith.muli %scan3A_140, %mul3A_192 : i32
      %add3A_194 = arith.constant 3 : i32
      %add3A_195 = arith.addi %mul3A_193, %add3A_194 : i32
      %lt3A_196 = arith.constant 400 : i32
      %lt3A_197 = arith.cmpi slt, %add3A_195, %lt3A_196 : i32
      %convert_element_type3A_198 = arith.extui %lt3A_197 : i1 to i32
      %cond3A_199 = arith.constant 0 : i32
      %cond3A_200 = arith.cmpi ne, %convert_element_type3A_198, %cond3A_199 : i32
      scf.if %cond3A_200 {
        %rem3A_211 = arith.constant 2 : i32
        %rem3A_212 = arith.remsi %add3A_195, %rem3A_211 : i32
        %div3A_213 = arith.constant 2 : i32
        %div3A_214 = arith.divsi %add3A_195, %div3A_213 : i32
        %mul3A_215 = arith.constant 1 : i32
        %mul3A_216 = arith.muli %div3A_214, %mul3A_215 : i32
        %mul3A_217 = arith.constant 256 : i32
        %mul3A_218 = arith.muli %rem3A_212, %mul3A_217 : i32
        %add3A_219 = arith.addi %mul3A_2, %mul3A_218 : i32
        %add3A_220 = arith.constant 0 : i32
        %add3A_221 = arith.addi %mul3A_216, %add3A_220 : i32
        %dma_wait3A_222 = arith.constant 0 : i32
        %dma_wait3A_223 = tpu.memref_slice %arg11[%dma_wait3A_222] : memref<256xi32, #tpu.memory_space<vmem>> -> memref<256xi32, #tpu.memory_space<vmem>>
        %dma_wait3A_224 = tpu.memref_slice %arg3[%add3A_221, %add3A_219] : memref<200x16384xi32, #tpu.memory_space<hbm>> -> memref<1x256xi32, #tpu.memory_space<hbm>>
        %dma_wait3A_225 = tpu.memref_squeeze %dma_wait3A_224 : memref<1x256xi32, #tpu.memory_space<hbm>> -> memref<256xi32, #tpu.memory_space<hbm>>
        %dma_wait3A_226 = arith.constant 0 : i32
        %dma_wait3A_227 = tpu.memref_slice %arg11[%dma_wait3A_226] : memref<256xi32, #tpu.memory_space<vmem>> -> memref<256xi32, #tpu.memory_space<vmem>>
        %dma_wait3A_228 = tpu.memref_slice %arg3[%add3A_221, %add3A_219] : memref<200x16384xi32, #tpu.memory_space<hbm>> -> memref<1x256xi32, #tpu.memory_space<hbm>>
        %dma_wait3A_229 = tpu.memref_squeeze %dma_wait3A_228 : memref<1x256xi32, #tpu.memory_space<hbm>> -> memref<256xi32, #tpu.memory_space<hbm>>
        tpu.wait_dma2 semaphore(%arg19 : memref<!tpu.dma_semaphore, #tpu.memory_space<semaphore_mem>>) src(%dma_wait3A_229 : memref<256xi32, #tpu.memory_space<hbm>>) dst(%dma_wait3A_227 : memref<256xi32, #tpu.memory_space<vmem>>)
        %dma_start3A_230 = arith.constant 0 : i32
        %dma_start3A_231 = arith.constant 0 : i32
        %dma_start3A_232 = tpu.memref_slice %arg5[%dma_start3A_230, %dma_start3A_231] : memref<1000001x64xf32, #tpu.memory_space<hbm>> -> memref<1000001x64xf32, #tpu.memory_space<hbm>>
        tpu.enqueue_indirect_dma source(%dma_start3A_232 : memref<1000001x64xf32, #tpu.memory_space<hbm>>) target(%arg13 : memref<256x64xf32, #tpu.memory_space<vmem>>) offsets(%arg11 : memref<256xi32, #tpu.memory_space<vmem>>) semaphore(%arg21 : memref<!tpu.dma_semaphore, #tpu.memory_space<semaphore_mem>>)
      } else {
      }
      %sub3A_201 = arith.constant 1 : i32
      %sub3A_202 = arith.subi %add3A_195, %sub3A_201 : i32
      %ge3A_203 = arith.constant 0 : i32
      %ge3A_204 = arith.cmpi sge, %sub3A_202, %ge3A_203 : i32
      %lt3A_205 = arith.constant 400 : i32
      %lt3A_206 = arith.cmpi slt, %sub3A_202, %lt3A_205 : i32
      %and3A_207 = arith.andi %ge3A_204, %lt3A_206 : i1
      %convert_element_type3A_208 = arith.extui %and3A_207 : i1 to i32
      %cond3A_209 = arith.constant 0 : i32
      %cond3A_210 = arith.cmpi ne, %convert_element_type3A_208, %cond3A_209 : i32
      scf.if %cond3A_210 {
        %dma_wait3A_211 = arith.constant 0 : i32
        %dma_wait3A_212 = arith.constant 0 : i32
        %dma_wait3A_213 = tpu.memref_slice %arg5[%dma_wait3A_211, %dma_wait3A_212] : memref<1000001x64xf32, #tpu.memory_space<hbm>> -> memref<1000001x64xf32, #tpu.memory_space<hbm>>
        tpu.wait_indirect_dma semaphore(%arg20 : memref<!tpu.dma_semaphore, #tpu.memory_space<semaphore_mem>>) src(%dma_wait3A_213 : memref<1000001x64xf32, #tpu.memory_space<hbm>>) dst(%arg12 : memref<256x64xf32, #tpu.memory_space<vmem>>)
        %add3A_214 = arith.constant 4 : i32
        %add3A_215 = arith.addi %sub3A_202, %add3A_214 : i32
        %lt3A_216 = arith.constant 400 : i32
        %lt3A_217 = arith.cmpi slt, %add3A_215, %lt3A_216 : i32
        %convert_element_type3A_218 = arith.extui %lt3A_217 : i1 to i32
        %cond3A_219 = arith.constant 0 : i32
        %cond3A_220 = arith.cmpi ne, %convert_element_type3A_218, %cond3A_219 : i32
        scf.if %cond3A_220 {
          %add3A_266 = arith.constant 4 : i32
          %add3A_267 = arith.addi %sub3A_202, %add3A_266 : i32
          %rem3A_268 = arith.constant 2 : i32
          %rem3A_269 = arith.remsi %add3A_267, %rem3A_268 : i32
          %div3A_270 = arith.constant 2 : i32
          %div3A_271 = arith.divsi %add3A_267, %div3A_270 : i32
          %mul3A_272 = arith.constant 1 : i32
          %mul3A_273 = arith.muli %div3A_271, %mul3A_272 : i32
          %mul3A_274 = arith.constant 256 : i32
          %mul3A_275 = arith.muli %rem3A_269, %mul3A_274 : i32
          %add3A_276 = arith.addi %mul3A_2, %mul3A_275 : i32
          %add3A_277 = arith.constant 0 : i32
          %add3A_278 = arith.addi %mul3A_273, %add3A_277 : i32
          %dma_start3A_279 = arith.constant 0 : i32
          %dma_start3A_280 = tpu.memref_slice %arg10[%dma_start3A_279] : memref<256xi32, #tpu.memory_space<vmem>> -> memref<256xi32, #tpu.memory_space<vmem>>
          %dma_start3A_281 = tpu.memref_slice %arg3[%add3A_278, %add3A_276] : memref<200x16384xi32, #tpu.memory_space<hbm>> -> memref<1x256xi32, #tpu.memory_space<hbm>>
          %dma_start3A_282 = tpu.memref_squeeze %dma_start3A_281 : memref<1x256xi32, #tpu.memory_space<hbm>> -> memref<256xi32, #tpu.memory_space<hbm>>
          %dma_start3A_283 = arith.constant 0 : i32
          %dma_start3A_284 = tpu.memref_slice %arg10[%dma_start3A_283] : memref<256xi32, #tpu.memory_space<vmem>> -> memref<256xi32, #tpu.memory_space<vmem>>
          %dma_start3A_285 = tpu.memref_slice %arg3[%add3A_278, %add3A_276] : memref<200x16384xi32, #tpu.memory_space<hbm>> -> memref<1x256xi32, #tpu.memory_space<hbm>>
          %dma_start3A_286 = tpu.memref_squeeze %dma_start3A_285 : memref<1x256xi32, #tpu.memory_space<hbm>> -> memref<256xi32, #tpu.memory_space<hbm>>
          tpu.enqueue_dma source(%dma_start3A_286 : memref<256xi32, #tpu.memory_space<hbm>>) target(%dma_start3A_284 : memref<256xi32, #tpu.memory_space<vmem>>) target_semaphore(%arg18 : memref<!tpu.dma_semaphore, #tpu.memory_space<semaphore_mem>>)
        } else {
        }
        %ge3A_221 = arith.constant 2 : i32
        %ge3A_222 = arith.cmpi sge, %sub3A_202, %ge3A_221 : i32
        %convert_element_type3A_223 = arith.extui %ge3A_222 : i1 to i32
        %cond3A_224 = arith.constant 0 : i32
        %cond3A_225 = arith.cmpi ne, %convert_element_type3A_223, %cond3A_224 : i32
        scf.if %cond3A_225 {
          %sub3A_266 = arith.constant 2 : i32
          %sub3A_267 = arith.subi %sub3A_202, %sub3A_266 : i32
          %rem3A_268 = arith.constant 2 : i32
          %rem3A_269 = arith.remsi %sub3A_267, %rem3A_268 : i32
          %div3A_270 = arith.constant 2 : i32
          %div3A_271 = arith.divsi %sub3A_267, %div3A_270 : i32
          %mul3A_272 = arith.constant 1 : i32
          %mul3A_273 = arith.muli %div3A_271, %mul3A_272 : i32
          %mul3A_274 = arith.constant 256 : i32
          %mul3A_275 = arith.muli %rem3A_269, %mul3A_274 : i32
          %add3A_276 = arith.addi %mul3A_2, %mul3A_275 : i32
          %dma_wait3A_277 = arith.constant 0 : i32
          %dma_wait3A_278 = arith.constant 0 : i32
          %dma_wait3A_279 = arith.constant 0 : i32
          %dma_wait3A_280 = tpu.memref_slice %arg14[%dma_wait3A_277, %dma_wait3A_278, %dma_wait3A_279] : memref<1x64x257xf32, #tpu.memory_space<vmem>> -> memref<1x64x256xf32, #tpu.memory_space<vmem>>
          %dma_wait3A_281 = arith.constant 0 : i32
          %dma_wait3A_282 = tpu.memref_slice %arg7[%mul3A_273, %dma_wait3A_281, %add3A_276] : memref<200x64x16384xf32, #tpu.memory_space<hbm>> -> memref<1x64x256xf32, #tpu.memory_space<hbm>>
          %dma_wait3A_283 = arith.constant 0 : i32
          %dma_wait3A_284 = tpu.memref_slice %arg7[%mul3A_273, %dma_wait3A_283, %add3A_276] : memref<200x64x16384xf32, #tpu.memory_space<hbm>> -> memref<1x64x256xf32, #tpu.memory_space<hbm>>
          %dma_wait3A_285 = arith.constant 0 : i32
          %dma_wait3A_286 = arith.constant 0 : i32
          %dma_wait3A_287 = arith.constant 0 : i32
          %dma_wait3A_288 = tpu.memref_slice %arg14[%dma_wait3A_285, %dma_wait3A_286, %dma_wait3A_287] : memref<1x64x257xf32, #tpu.memory_space<vmem>> -> memref<1x64x256xf32, #tpu.memory_space<vmem>>
          tpu.wait_dma2 semaphore(%arg22 : memref<!tpu.dma_semaphore, #tpu.memory_space<semaphore_mem>>) src(%dma_wait3A_288 : memref<1x64x256xf32, #tpu.memory_space<vmem>>) dst(%dma_wait3A_284 : memref<1x64x256xf32, #tpu.memory_space<hbm>>)
        } else {
        }
        %iota3A = tpu.iota {dimensions = array<i32: 0>} : vector<16xi32>
        %broadcast_in_dim3A = arith.constant 0 : i32
        %broadcast_in_dim3A_226 = vector.broadcast %broadcast_in_dim3A : i32 to vector<16xi32>
        %add3A_227 = arith.constant 0 : i32
        %add3A_228 = vector.broadcast %add3A_227 : i32 to vector<16xi32>
        %add3A_229 = arith.addi %add3A_228, %iota3A : vector<16xi32>
        %add3A_230 = arith.constant 16 : i32
        %add3A_231 = vector.broadcast %add3A_230 : i32 to vector<16xi32>
        %add3A_232 = arith.addi %add3A_231, %iota3A : vector<16xi32>
        %add3A_233 = arith.constant 32 : i32
        %add3A_234 = vector.broadcast %add3A_233 : i32 to vector<16xi32>
        %add3A_235 = arith.addi %add3A_234, %iota3A : vector<16xi32>
        %add3A_236 = arith.constant 48 : i32
        %add3A_237 = vector.broadcast %add3A_236 : i32 to vector<16xi32>
        %add3A_238 = arith.addi %add3A_237, %iota3A : vector<16xi32>
        %scan3A_239 = arith.constant 0 : i32
        %scan3A_240 = arith.constant 0 : i32
        %scan3A_241 = arith.constant 256 : i32
        %scan3A_242 = arith.addi %scan3A_240, %scan3A_241 : i32
        %scan3A_243 = arith.constant 8 : i32
        scf.for %scan3A_266 = %scan3A_240 to %scan3A_242 step %scan3A_243  : i32 {
          %broadcast_in_dim3A_267 = vector.broadcast %scan3A_266 : i32 to vector<16xi32>
          %add3A_268 = arith.constant 0 : i32
          %add3A_269 = arith.addi %add3A_268, %scan3A_266 : i32
          %get3A = arith.index_cast %add3A_269 : i32 to index
          %get3A_270 = arith.constant 0 : index
          %get3A_271 = tpu.vector_load %arg12[%get3A, %get3A_270] {strides = array<i32>} : memref<256x64xf32, #tpu.memory_space<vmem>>, vector<16xf32>,
          tpu.vector_store_idx %arg14[%broadcast_in_dim3A_226, %add3A_229, %broadcast_in_dim3A_267], %get3A_271 : memref<1x64x257xf32, #tpu.memory_space<vmem>>[vector<16xi32>, vector<16xi32>, vector<16xi32>], vector<16xf32>,
          %get3A_272 = arith.index_cast %add3A_269 : i32 to index
          %get3A_273 = arith.constant 16 : index
          %get3A_274 = tpu.vector_load %arg12[%get3A_272, %get3A_273] {strides = array<i32>} : memref<256x64xf32, #tpu.memory_space<vmem>>, vector<16xf32>,
          tpu.vector_store_idx %arg14[%broadcast_in_dim3A_226, %add3A_232, %broadcast_in_dim3A_267], %get3A_274 : memref<1x64x257xf32, #tpu.memory_space<vmem>>[vector<16xi32>, vector<16xi32>, vector<16xi32>], vector<16xf32>,
          %get3A_275 = arith.index_cast %add3A_269 : i32 to index
          %get3A_276 = arith.constant 32 : index
          %get3A_277 = tpu.vector_load %arg12[%get3A_275, %get3A_276] {strides = array<i32>} : memref<256x64xf32, #tpu.memory_space<vmem>>, vector<16xf32>,
          tpu.vector_store_idx %arg14[%broadcast_in_dim3A_226, %add3A_235, %broadcast_in_dim3A_267], %get3A_277 : memref<1x64x257xf32, #tpu.memory_space<vmem>>[vector<16xi32>, vector<16xi32>, vector<16xi32>], vector<16xf32>,
          %get3A_278 = arith.index_cast %add3A_269 : i32 to index
          %get3A_279 = arith.constant 48 : index
          %get3A_280 = tpu.vector_load %arg12[%get3A_278, %get3A_279] {strides = array<i32>} : memref<256x64xf32, #tpu.memory_space<vmem>>, vector<16xf32>,
          tpu.vector_store_idx %arg14[%broadcast_in_dim3A_226, %add3A_238, %broadcast_in_dim3A_267], %get3A_280 : memref<1x64x257xf32, #tpu.memory_space<vmem>>[vector<16xi32>, vector<16xi32>, vector<16xi32>], vector<16xf32>,
          %scan3A_281 = arith.constant 1 : i32
          %scan3A_282 = arith.addi %scan3A_266, %scan3A_281 : i32
          %broadcast_in_dim3A_283 = vector.broadcast %scan3A_282 : i32 to vector<16xi32>
          %add3A_284 = arith.constant 0 : i32
          %add3A_285 = arith.addi %add3A_284, %scan3A_282 : i32
          %get3A_286 = arith.index_cast %add3A_285 : i32 to index
          %get3A_287 = arith.constant 0 : index
          %get3A_288 = tpu.vector_load %arg12[%get3A_286, %get3A_287] {strides = array<i32>} : memref<256x64xf32, #tpu.memory_space<vmem>>, vector<16xf32>,
          tpu.vector_store_idx %arg14[%broadcast_in_dim3A_226, %add3A_229, %broadcast_in_dim3A_283], %get3A_288 : memref<1x64x257xf32, #tpu.memory_space<vmem>>[vector<16xi32>, vector<16xi32>, vector<16xi32>], vector<16xf32>,
          %get3A_289 = arith.index_cast %add3A_285 : i32 to index
          %get3A_290 = arith.constant 16 : index
          %get3A_291 = tpu.vector_load %arg12[%get3A_289, %get3A_290] {strides = array<i32>} : memref<256x64xf32, #tpu.memory_space<vmem>>, vector<16xf32>,
          tpu.vector_store_idx %arg14[%broadcast_in_dim3A_226, %add3A_232, %broadcast_in_dim3A_283], %get3A_291 : memref<1x64x257xf32, #tpu.memory_space<vmem>>[vector<16xi32>, vector<16xi32>, vector<16xi32>], vector<16xf32>,
          %get3A_292 = arith.index_cast %add3A_285 : i32 to index
          %get3A_293 = arith.constant 32 : index
          %get3A_294 = tpu.vector_load %arg12[%get3A_292, %get3A_293] {strides = array<i32>} : memref<256x64xf32, #tpu.memory_space<vmem>>, vector<16xf32>,
          tpu.vector_store_idx %arg14[%broadcast_in_dim3A_226, %add3A_235, %broadcast_in_dim3A_283], %get3A_294 : memref<1x64x257xf32, #tpu.memory_space<vmem>>[vector<16xi32>, vector<16xi32>, vector<16xi32>], vector<16xf32>,
          %get3A_295 = arith.index_cast %add3A_285 : i32 to index
          %get3A_296 = arith.constant 48 : index
          %get3A_297 = tpu.vector_load %arg12[%get3A_295, %get3A_296] {strides = array<i32>} : memref<256x64xf32, #tpu.memory_space<vmem>>, vector<16xf32>,
          tpu.vector_store_idx %arg14[%broadcast_in_dim3A_226, %add3A_238, %broadcast_in_dim3A_283], %get3A_297 : memref<1x64x257xf32, #tpu.memory_space<vmem>>[vector<16xi32>, vector<16xi32>, vector<16xi32>], vector<16xf32>,
          %scan3A_298 = arith.constant 2 : i32
          %scan3A_299 = arith.addi %scan3A_266, %scan3A_298 : i32
          %broadcast_in_dim3A_300 = vector.broadcast %scan3A_299 : i32 to vector<16xi32>
          %add3A_301 = arith.constant 0 : i32
          %add3A_302 = arith.addi %add3A_301, %scan3A_299 : i32
          %get3A_303 = arith.index_cast %add3A_302 : i32 to index
          %get3A_304 = arith.constant 0 : index
          %get3A_305 = tpu.vector_load %arg12[%get3A_303, %get3A_304] {strides = array<i32>} : memref<256x64xf32, #tpu.memory_space<vmem>>, vector<16xf32>,
          tpu.vector_store_idx %arg14[%broadcast_in_dim3A_226, %add3A_229, %broadcast_in_dim3A_300], %get3A_305 : memref<1x64x257xf32, #tpu.memory_space<vmem>>[vector<16xi32>, vector<16xi32>, vector<16xi32>], vector<16xf32>,
          %get3A_306 = arith.index_cast %add3A_302 : i32 to index
          %get3A_307 = arith.constant 16 : index
          %get3A_308 = tpu.vector_load %arg12[%get3A_306, %get3A_307] {strides = array<i32>} : memref<256x64xf32, #tpu.memory_space<vmem>>, vector<16xf32>,
          tpu.vector_store_idx %arg14[%broadcast_in_dim3A_226, %add3A_232, %broadcast_in_dim3A_300], %get3A_308 : memref<1x64x257xf32, #tpu.memory_space<vmem>>[vector<16xi32>, vector<16xi32>, vector<16xi32>], vector<16xf32>,
          %get3A_309 = arith.index_cast %add3A_302 : i32 to index
          %get3A_310 = arith.constant 32 : index
          %get3A_311 = tpu.vector_load %arg12[%get3A_309, %get3A_310] {strides = array<i32>} : memref<256x64xf32, #tpu.memory_space<vmem>>, vector<16xf32>,
          tpu.vector_store_idx %arg14[%broadcast_in_dim3A_226, %add3A_235, %broadcast_in_dim3A_300], %get3A_311 : memref<1x64x257xf32, #tpu.memory_space<vmem>>[vector<16xi32>, vector<16xi32>, vector<16xi32>], vector<16xf32>,
          %get3A_312 = arith.index_cast %add3A_302 : i32 to index
          %get3A_313 = arith.constant 48 : index
          %get3A_314 = tpu.vector_load %arg12[%get3A_312, %get3A_313] {strides = array<i32>} : memref<256x64xf32, #tpu.memory_space<vmem>>, vector<16xf32>,
          tpu.vector_store_idx %arg14[%broadcast_in_dim3A_226, %add3A_238, %broadcast_in_dim3A_300], %get3A_314 : memref<1x64x257xf32, #tpu.memory_space<vmem>>[vector<16xi32>, vector<16xi32>, vector<16xi32>], vector<16xf32>,
          %scan3A_315 = arith.constant 3 : i32
          %scan3A_316 = arith.addi %scan3A_266, %scan3A_315 : i32
          %broadcast_in_dim3A_317 = vector.broadcast %scan3A_316 : i32 to vector<16xi32>
          %add3A_318 = arith.constant 0 : i32
          %add3A_319 = arith.addi %add3A_318, %scan3A_316 : i32
          %get3A_320 = arith.index_cast %add3A_319 : i32 to index
          %get3A_321 = arith.constant 0 : index
          %get3A_322 = tpu.vector_load %arg12[%get3A_320, %get3A_321] {strides = array<i32>} : memref<256x64xf32, #tpu.memory_space<vmem>>, vector<16xf32>,
          tpu.vector_store_idx %arg14[%broadcast_in_dim3A_226, %add3A_229, %broadcast_in_dim3A_317], %get3A_322 : memref<1x64x257xf32, #tpu.memory_space<vmem>>[vector<16xi32>, vector<16xi32>, vector<16xi32>], vector<16xf32>,
          %get3A_323 = arith.index_cast %add3A_319 : i32 to index
          %get3A_324 = arith.constant 16 : index
          %get3A_325 = tpu.vector_load %arg12[%get3A_323, %get3A_324] {strides = array<i32>} : memref<256x64xf32, #tpu.memory_space<vmem>>, vector<16xf32>,
          tpu.vector_store_idx %arg14[%broadcast_in_dim3A_226, %add3A_232, %broadcast_in_dim3A_317], %get3A_325 : memref<1x64x257xf32, #tpu.memory_space<vmem>>[vector<16xi32>, vector<16xi32>, vector<16xi32>], vector<16xf32>,
          %get3A_326 = arith.index_cast %add3A_319 : i32 to index
          %get3A_327 = arith.constant 32 : index
          %get3A_328 = tpu.vector_load %arg12[%get3A_326, %get3A_327] {strides = array<i32>} : memref<256x64xf32, #tpu.memory_space<vmem>>, vector<16xf32>,
          tpu.vector_store_idx %arg14[%broadcast_in_dim3A_226, %add3A_235, %broadcast_in_dim3A_317], %get3A_328 : memref<1x64x257xf32, #tpu.memory_space<vmem>>[vector<16xi32>, vector<16xi32>, vector<16xi32>], vector<16xf32>,
          %get3A_329 = arith.index_cast %add3A_319 : i32 to index
          %get3A_330 = arith.constant 48 : index
          %get3A_331 = tpu.vector_load %arg12[%get3A_329, %get3A_330] {strides = array<i32>} : memref<256x64xf32, #tpu.memory_space<vmem>>, vector<16xf32>,
          tpu.vector_store_idx %arg14[%broadcast_in_dim3A_226, %add3A_238, %broadcast_in_dim3A_317], %get3A_331 : memref<1x64x257xf32, #tpu.memory_space<vmem>>[vector<16xi32>, vector<16xi32>, vector<16xi32>], vector<16xf32>,
          %scan3A_332 = arith.constant 4 : i32
          %scan3A_333 = arith.addi %scan3A_266, %scan3A_332 : i32
          %broadcast_in_dim3A_334 = vector.broadcast %scan3A_333 : i32 to vector<16xi32>
          %add3A_335 = arith.constant 0 : i32
          %add3A_336 = arith.addi %add3A_335, %scan3A_333 : i32
          %get3A_337 = arith.index_cast %add3A_336 : i32 to index
          %get3A_338 = arith.constant 0 : index
          %get3A_339 = tpu.vector_load %arg12[%get3A_337, %get3A_338] {strides = array<i32>} : memref<256x64xf32, #tpu.memory_space<vmem>>, vector<16xf32>,
          tpu.vector_store_idx %arg14[%broadcast_in_dim3A_226, %add3A_229, %broadcast_in_dim3A_334], %get3A_339 : memref<1x64x257xf32, #tpu.memory_space<vmem>>[vector<16xi32>, vector<16xi32>, vector<16xi32>], vector<16xf32>,
          %get3A_340 = arith.index_cast %add3A_336 : i32 to index
          %get3A_341 = arith.constant 16 : index
          %get3A_342 = tpu.vector_load %arg12[%get3A_340, %get3A_341] {strides = array<i32>} : memref<256x64xf32, #tpu.memory_space<vmem>>, vector<16xf32>,
          tpu.vector_store_idx %arg14[%broadcast_in_dim3A_226, %add3A_232, %broadcast_in_dim3A_334], %get3A_342 : memref<1x64x257xf32, #tpu.memory_space<vmem>>[vector<16xi32>, vector<16xi32>, vector<16xi32>], vector<16xf32>,
          %get3A_343 = arith.index_cast %add3A_336 : i32 to index
          %get3A_344 = arith.constant 32 : index
          %get3A_345 = tpu.vector_load %arg12[%get3A_343, %get3A_344] {strides = array<i32>} : memref<256x64xf32, #tpu.memory_space<vmem>>, vector<16xf32>,
          tpu.vector_store_idx %arg14[%broadcast_in_dim3A_226, %add3A_235, %broadcast_in_dim3A_334], %get3A_345 : memref<1x64x257xf32, #tpu.memory_space<vmem>>[vector<16xi32>, vector<16xi32>, vector<16xi32>], vector<16xf32>,
          %get3A_346 = arith.index_cast %add3A_336 : i32 to index
          %get3A_347 = arith.constant 48 : index
          %get3A_348 = tpu.vector_load %arg12[%get3A_346, %get3A_347] {strides = array<i32>} : memref<256x64xf32, #tpu.memory_space<vmem>>, vector<16xf32>,
          tpu.vector_store_idx %arg14[%broadcast_in_dim3A_226, %add3A_238, %broadcast_in_dim3A_334], %get3A_348 : memref<1x64x257xf32, #tpu.memory_space<vmem>>[vector<16xi32>, vector<16xi32>, vector<16xi32>], vector<16xf32>,
          %scan3A_349 = arith.constant 5 : i32
          %scan3A_350 = arith.addi %scan3A_266, %scan3A_349 : i32
          %broadcast_in_dim3A_351 = vector.broadcast %scan3A_350 : i32 to vector<16xi32>
          %add3A_352 = arith.constant 0 : i32
          %add3A_353 = arith.addi %add3A_352, %scan3A_350 : i32
          %get3A_354 = arith.index_cast %add3A_353 : i32 to index
          %get3A_355 = arith.constant 0 : index
          %get3A_356 = tpu.vector_load %arg12[%get3A_354, %get3A_355] {strides = array<i32>} : memref<256x64xf32, #tpu.memory_space<vmem>>, vector<16xf32>,
          tpu.vector_store_idx %arg14[%broadcast_in_dim3A_226, %add3A_229, %broadcast_in_dim3A_351], %get3A_356 : memref<1x64x257xf32, #tpu.memory_space<vmem>>[vector<16xi32>, vector<16xi32>, vector<16xi32>], vector<16xf32>,
          %get3A_357 = arith.index_cast %add3A_353 : i32 to index
          %get3A_358 = arith.constant 16 : index
          %get3A_359 = tpu.vector_load %arg12[%get3A_357, %get3A_358] {strides = array<i32>} : memref<256x64xf32, #tpu.memory_space<vmem>>, vector<16xf32>,
          tpu.vector_store_idx %arg14[%broadcast_in_dim3A_226, %add3A_232, %broadcast_in_dim3A_351], %get3A_359 : memref<1x64x257xf32, #tpu.memory_space<vmem>>[vector<16xi32>, vector<16xi32>, vector<16xi32>], vector<16xf32>,
          %get3A_360 = arith.index_cast %add3A_353 : i32 to index
          %get3A_361 = arith.constant 32 : index
          %get3A_362 = tpu.vector_load %arg12[%get3A_360, %get3A_361] {strides = array<i32>} : memref<256x64xf32, #tpu.memory_space<vmem>>, vector<16xf32>,
          tpu.vector_store_idx %arg14[%broadcast_in_dim3A_226, %add3A_235, %broadcast_in_dim3A_351], %get3A_362 : memref<1x64x257xf32, #tpu.memory_space<vmem>>[vector<16xi32>, vector<16xi32>, vector<16xi32>], vector<16xf32>,
          %get3A_363 = arith.index_cast %add3A_353 : i32 to index
          %get3A_364 = arith.constant 48 : index
          %get3A_365 = tpu.vector_load %arg12[%get3A_363, %get3A_364] {strides = array<i32>} : memref<256x64xf32, #tpu.memory_space<vmem>>, vector<16xf32>,
          tpu.vector_store_idx %arg14[%broadcast_in_dim3A_226, %add3A_238, %broadcast_in_dim3A_351], %get3A_365 : memref<1x64x257xf32, #tpu.memory_space<vmem>>[vector<16xi32>, vector<16xi32>, vector<16xi32>], vector<16xf32>,
          %scan3A_366 = arith.constant 6 : i32
          %scan3A_367 = arith.addi %scan3A_266, %scan3A_366 : i32
          %broadcast_in_dim3A_368 = vector.broadcast %scan3A_367 : i32 to vector<16xi32>
          %add3A_369 = arith.constant 0 : i32
          %add3A_370 = arith.addi %add3A_369, %scan3A_367 : i32
          %get3A_371 = arith.index_cast %add3A_370 : i32 to index
          %get3A_372 = arith.constant 0 : index
          %get3A_373 = tpu.vector_load %arg12[%get3A_371, %get3A_372] {strides = array<i32>} : memref<256x64xf32, #tpu.memory_space<vmem>>, vector<16xf32>,
          tpu.vector_store_idx %arg14[%broadcast_in_dim3A_226, %add3A_229, %broadcast_in_dim3A_368], %get3A_373 : memref<1x64x257xf32, #tpu.memory_space<vmem>>[vector<16xi32>, vector<16xi32>, vector<16xi32>], vector<16xf32>,
          %get3A_374 = arith.index_cast %add3A_370 : i32 to index
          %get3A_375 = arith.constant 16 : index
          %get3A_376 = tpu.vector_load %arg12[%get3A_374, %get3A_375] {strides = array<i32>} : memref<256x64xf32, #tpu.memory_space<vmem>>, vector<16xf32>,
          tpu.vector_store_idx %arg14[%broadcast_in_dim3A_226, %add3A_232, %broadcast_in_dim3A_368], %get3A_376 : memref<1x64x257xf32, #tpu.memory_space<vmem>>[vector<16xi32>, vector<16xi32>, vector<16xi32>], vector<16xf32>,
          %get3A_377 = arith.index_cast %add3A_370 : i32 to index
          %get3A_378 = arith.constant 32 : index
          %get3A_379 = tpu.vector_load %arg12[%get3A_377, %get3A_378] {strides = array<i32>} : memref<256x64xf32, #tpu.memory_space<vmem>>, vector<16xf32>,
          tpu.vector_store_idx %arg14[%broadcast_in_dim3A_226, %add3A_235, %broadcast_in_dim3A_368], %get3A_379 : memref<1x64x257xf32, #tpu.memory_space<vmem>>[vector<16xi32>, vector<16xi32>, vector<16xi32>], vector<16xf32>,
          %get3A_380 = arith.index_cast %add3A_370 : i32 to index
          %get3A_381 = arith.constant 48 : index
          %get3A_382 = tpu.vector_load %arg12[%get3A_380, %get3A_381] {strides = array<i32>} : memref<256x64xf32, #tpu.memory_space<vmem>>, vector<16xf32>,
          tpu.vector_store_idx %arg14[%broadcast_in_dim3A_226, %add3A_238, %broadcast_in_dim3A_368], %get3A_382 : memref<1x64x257xf32, #tpu.memory_space<vmem>>[vector<16xi32>, vector<16xi32>, vector<16xi32>], vector<16xf32>,
          %scan3A_383 = arith.constant 7 : i32
          %scan3A_384 = arith.addi %scan3A_266, %scan3A_383 : i32
          %broadcast_in_dim3A_385 = vector.broadcast %scan3A_384 : i32 to vector<16xi32>
          %add3A_386 = arith.constant 0 : i32
          %add3A_387 = arith.addi %add3A_386, %scan3A_384 : i32
          %get3A_388 = arith.index_cast %add3A_387 : i32 to index
          %get3A_389 = arith.constant 0 : index
          %get3A_390 = tpu.vector_load %arg12[%get3A_388, %get3A_389] {strides = array<i32>} : memref<256x64xf32, #tpu.memory_space<vmem>>, vector<16xf32>,
          tpu.vector_store_idx %arg14[%broadcast_in_dim3A_226, %add3A_229, %broadcast_in_dim3A_385], %get3A_390 : memref<1x64x257xf32, #tpu.memory_space<vmem>>[vector<16xi32>, vector<16xi32>, vector<16xi32>], vector<16xf32>,
          %get3A_391 = arith.index_cast %add3A_387 : i32 to index
          %get3A_392 = arith.constant 16 : index
          %get3A_393 = tpu.vector_load %arg12[%get3A_391, %get3A_392] {strides = array<i32>} : memref<256x64xf32, #tpu.memory_space<vmem>>, vector<16xf32>,
          tpu.vector_store_idx %arg14[%broadcast_in_dim3A_226, %add3A_232, %broadcast_in_dim3A_385], %get3A_393 : memref<1x64x257xf32, #tpu.memory_space<vmem>>[vector<16xi32>, vector<16xi32>, vector<16xi32>], vector<16xf32>,
          %get3A_394 = arith.index_cast %add3A_387 : i32 to index
          %get3A_395 = arith.constant 32 : index
          %get3A_396 = tpu.vector_load %arg12[%get3A_394, %get3A_395] {strides = array<i32>} : memref<256x64xf32, #tpu.memory_space<vmem>>, vector<16xf32>,
          tpu.vector_store_idx %arg14[%broadcast_in_dim3A_226, %add3A_235, %broadcast_in_dim3A_385], %get3A_396 : memref<1x64x257xf32, #tpu.memory_space<vmem>>[vector<16xi32>, vector<16xi32>, vector<16xi32>], vector<16xf32>,
          %get3A_397 = arith.index_cast %add3A_387 : i32 to index
          %get3A_398 = arith.constant 48 : index
          %get3A_399 = tpu.vector_load %arg12[%get3A_397, %get3A_398] {strides = array<i32>} : memref<256x64xf32, #tpu.memory_space<vmem>>, vector<16xf32>,
          tpu.vector_store_idx %arg14[%broadcast_in_dim3A_226, %add3A_238, %broadcast_in_dim3A_385], %get3A_399 : memref<1x64x257xf32, #tpu.memory_space<vmem>>[vector<16xi32>, vector<16xi32>, vector<16xi32>], vector<16xf32>,
        }
        %scan3A_244 = arith.constant 256 : i32
        %rem3A_245 = arith.constant 2 : i32
        %rem3A_246 = arith.remsi %sub3A_202, %rem3A_245 : i32
        %div3A_247 = arith.constant 2 : i32
        %div3A_248 = arith.divsi %sub3A_202, %div3A_247 : i32
        %mul3A_249 = arith.constant 1 : i32
        %mul3A_250 = arith.muli %div3A_248, %mul3A_249 : i32
        %mul3A_251 = arith.constant 256 : i32
        %mul3A_252 = arith.muli %rem3A_246, %mul3A_251 : i32
        %add3A_253 = arith.addi %mul3A_2, %mul3A_252 : i32
        %dma_start3A_254 = arith.constant 0 : i32
        %dma_start3A_255 = arith.constant 0 : i32
        %dma_start3A_256 = arith.constant 0 : i32
        %dma_start3A_257 = tpu.memref_slice %arg14[%dma_start3A_254, %dma_start3A_255, %dma_start3A_256] : memref<1x64x257xf32, #tpu.memory_space<vmem>> -> memref<1x64x256xf32, #tpu.memory_space<vmem>>
        %dma_start3A_258 = arith.constant 0 : i32
        %dma_start3A_259 = tpu.memref_slice %arg7[%mul3A_250, %dma_start3A_258, %add3A_253] : memref<200x64x16384xf32, #tpu.memory_space<hbm>> -> memref<1x64x256xf32, #tpu.memory_space<hbm>>
        %dma_start3A_260 = arith.constant 0 : i32
        %dma_start3A_261 = tpu.memref_slice %arg7[%mul3A_250, %dma_start3A_260, %add3A_253] : memref<200x64x16384xf32, #tpu.memory_space<hbm>> -> memref<1x64x256xf32, #tpu.memory_space<hbm>>
        %dma_start3A_262 = arith.constant 0 : i32
        %dma_start3A_263 = arith.constant 0 : i32
        %dma_start3A_264 = arith.constant 0 : i32
        %dma_start3A_265 = tpu.memref_slice %arg14[%dma_start3A_262, %dma_start3A_263, %dma_start3A_264] : memref<1x64x257xf32, #tpu.memory_space<vmem>> -> memref<1x64x256xf32, #tpu.memory_space<vmem>>
        tpu.enqueue_dma source(%dma_start3A_265 : memref<1x64x256xf32, #tpu.memory_space<vmem>>) target(%dma_start3A_261 : memref<1x64x256xf32, #tpu.memory_space<hbm>>) target_semaphore(%arg22 : memref<!tpu.dma_semaphore, #tpu.memory_space<semaphore_mem>>)
      } else {
      }
    }
    %scan3A_94 = arith.constant 101 : i32
    %rem3A_95 = arith.constant 398 : i32
    %rem3A_96 = arith.constant 2 : i32
    %rem3A_97 = arith.remsi %rem3A_95, %rem3A_96 : i32
    %div3A_98 = arith.constant 398 : i32
    %div3A_99 = arith.constant 2 : i32
    %div3A_100 = arith.divsi %div3A_98, %div3A_99 : i32
    %mul3A_101 = arith.constant 1 : i32
    %mul3A_102 = arith.muli %div3A_100, %mul3A_101 : i32
    %mul3A_103 = arith.constant 256 : i32
    %mul3A_104 = arith.muli %rem3A_97, %mul3A_103 : i32
    %add3A_105 = arith.addi %mul3A_2, %mul3A_104 : i32
    %dma_wait3A = arith.constant 0 : i32
    %dma_wait3A_106 = arith.constant 0 : i32
    %dma_wait3A_107 = arith.constant 0 : i32
    %dma_wait3A_108 = tpu.memref_slice %arg14[%dma_wait3A, %dma_wait3A_106, %dma_wait3A_107] : memref<1x64x257xf32, #tpu.memory_space<vmem>> -> memref<1x64x256xf32, #tpu.memory_space<vmem>>
    %dma_wait3A_109 = arith.constant 0 : i32
    %dma_wait3A_110 = tpu.memref_slice %arg7[%mul3A_102, %dma_wait3A_109, %add3A_105] : memref<200x64x16384xf32, #tpu.memory_space<hbm>> -> memref<1x64x256xf32, #tpu.memory_space<hbm>>
    %dma_wait3A_111 = arith.constant 0 : i32
    %dma_wait3A_112 = tpu.memref_slice %arg7[%mul3A_102, %dma_wait3A_111, %add3A_105] : memref<200x64x16384xf32, #tpu.memory_space<hbm>> -> memref<1x64x256xf32, #tpu.memory_space<hbm>>
    %dma_wait3A_113 = arith.constant 0 : i32
    %dma_wait3A_114 = arith.constant 0 : i32
    %dma_wait3A_115 = arith.constant 0 : i32
    %dma_wait3A_116 = tpu.memref_slice %arg14[%dma_wait3A_113, %dma_wait3A_114, %dma_wait3A_115] : memref<1x64x257xf32, #tpu.memory_space<vmem>> -> memref<1x64x256xf32, #tpu.memory_space<vmem>>
    tpu.wait_dma2 semaphore(%arg22 : memref<!tpu.dma_semaphore, #tpu.memory_space<semaphore_mem>>) src(%dma_wait3A_116 : memref<1x64x256xf32, #tpu.memory_space<vmem>>) dst(%dma_wait3A_112 : memref<1x64x256xf32, #tpu.memory_space<hbm>>)
    %rem3A_117 = arith.constant 399 : i32
    %rem3A_118 = arith.constant 2 : i32
    %rem3A_119 = arith.remsi %rem3A_117, %rem3A_118 : i32
    %div3A_120 = arith.constant 399 : i32
    %div3A_121 = arith.constant 2 : i32
    %div3A_122 = arith.divsi %div3A_120, %div3A_121 : i32
    %mul3A_123 = arith.constant 1 : i32
    %mul3A_124 = arith.muli %div3A_122, %mul3A_123 : i32
    %mul3A_125 = arith.constant 256 : i32
    %mul3A_126 = arith.muli %rem3A_119, %mul3A_125 : i32
    %add3A_127 = arith.addi %mul3A_2, %mul3A_126 : i32
    %dma_wait3A_128 = arith.constant 0 : i32
    %dma_wait3A_129 = arith.constant 0 : i32
    %dma_wait3A_130 = arith.constant 0 : i32
    %dma_wait3A_131 = tpu.memref_slice %arg15[%dma_wait3A_128, %dma_wait3A_129, %dma_wait3A_130] : memref<1x64x257xf32, #tpu.memory_space<vmem>> -> memref<1x64x256xf32, #tpu.memory_space<vmem>>
    %dma_wait3A_132 = arith.constant 0 : i32
    %dma_wait3A_133 = tpu.memref_slice %arg7[%mul3A_124, %dma_wait3A_132, %add3A_127] : memref<200x64x16384xf32, #tpu.memory_space<hbm>> -> memref<1x64x256xf32, #tpu.memory_space<hbm>>
    %dma_wait3A_134 = arith.constant 0 : i32
    %dma_wait3A_135 = tpu.memref_slice %arg7[%mul3A_124, %dma_wait3A_134, %add3A_127] : memref<200x64x16384xf32, #tpu.memory_space<hbm>> -> memref<1x64x256xf32, #tpu.memory_space<hbm>>
    %dma_wait3A_136 = arith.constant 0 : i32
    %dma_wait3A_137 = arith.constant 0 : i32
    %dma_wait3A_138 = arith.constant 0 : i32
    %dma_wait3A_139 = tpu.memref_slice %arg15[%dma_wait3A_136, %dma_wait3A_137, %dma_wait3A_138] : memref<1x64x257xf32, #tpu.memory_space<vmem>> -> memref<1x64x256xf32, #tpu.memory_space<vmem>>
    tpu.wait_dma2 semaphore(%arg23 : memref<!tpu.dma_semaphore, #tpu.memory_space<semaphore_mem>>) src(%dma_wait3A_139 : memref<1x64x256xf32, #tpu.memory_space<vmem>>) dst(%dma_wait3A_135 : memref<1x64x256xf32, #tpu.memory_space<hbm>>)
    return
  }
}

</mosaic_0001>

<sc_bundles>
// kernel: kernel.3.cloned.1.call-start
scs
__scs_entry_jumppad:
0x0: {  	(pc) =	sbr.rel $0x88, $3  }
0x1: {  	(tag) =	ssettag $0x0;
	lr =	simm.s32 $0x1  }
0x2: {  	[smem:$0x3F9D] =	sst lr;
	_ =	strace $0xD0000000  }
0x3: {  	_ = 	snop  }
0x4: {  	_ = 	snop  }
0x5: {  	_ = 	snop  }
0x6: {  	_ = 	snop  }
0x7: {  	_ = 	snop  }
__scs_overlays_trampoline_lowered:
0x8: {  	[smem:$0x3FAC] =	sst s0  }
0x9: {  	[smem:$0x3FAD] =	sst s1  }
0xa: {  	[smem:$0x3FAE] =	sst s2  }
0xb: {  	[smem:$0x3FAF] =	sst s3  }
0xc: {  	[smem:$0x3FB0] =	sst s4  }
0xd: {  	[smem:$0x3FB1] =	sst s5  }
0xe: {  	[smem:$0x3FB2] =	sst s6  }
0xf: {  	[smem:$0x3FB3] =	sst s7  }
0x10: {  	[smem:$0x3FB4] =	sst s8  }
0x11: {  	[smem:$0x3FB5] =	sst s9;
	s0 =	simm.s32 @!p0 $0x0  }
0x12: {  	s1 =	sld [smem:$0x3F9B];
	s0 =	simm.s32 @p0 $0x1  }
0x13: {  	[smem:$0x3FB6] =	sst s0;
	s0 =	simm.s32 @!p1 $0x0  }
0x14: {  	s2 =	sld [smem:$0x3F9A];
	s0 =	simm.s32 @p1 $0x1  }
0x15: {  	[smem:$0x3FB7] =	sst s0;
	s0 =	simm.s32 @!p2 $0x0  }
0x16: {  	s3 =	sld [smem:$0x3FDB];
	s0 =	simm.s32 @p2 $0x1  }
0x17: {  	s4 =	simm.s32 $0x1BF5;
	[smem:$0x3FB9] =	sst s0  }
0x18: {  	s0 =	sld [smem:$0x3F9C];
	_ =	swait.ge [sflag:s4], $0x0  }
0x19: {  	s7 =	sld [smem:$0x3F9D]  }
0x1a: {  	s8 =	sadd.s32 $0xFFFFE003, lr  }
0x1b: {  	s9 =	sadd.s32 $0xFFFFFEF7, lr;
	s5 =	simm.s32 $0xFFFFFFFF;
	p2 =	slt.u32 s8, $0xFFFFF086  }
0x1c: {  	p1 =	slt.u32 s9, $0xF7A;
	s5 =	simm.s32 @!p2 $0x0  }
0x1d: {  	s5 =	simm.s32 @p1 $0x1;
	p0 =	seq.s32 s7, s2  }
0x1e: {  	s7 =	smul.u32 @!p0 $0xF7A, s2;
	p2 =	seq.s32 @!p0 s5, $0x0  }
0x1f: {  	s9 =	smul.u32 $0xF7A, s1;
	s8 =	simm.s32 @!p0 $0x1BF5;
	p2 =	por !p2, p0  }
0x20: {  	[sflag:s8] =	ssyncset.s32 @!p0 $0xFFFFF086;
	s6 =	sadd.s32 @!p0 s3, s7;
	s7 =	simm.s32 @!p0 $0x108  }
0x21: {  	s3 =	sadd.s32 s3, s9;
	s6 =	sadd.s32 @!p0 $0x88, s6;
	s7 =	simm.s32 @p2 $0x1082  }
0x22: {  	[simem:s7], [sflag:s8] =	dma.local @!p0 [hbm:s6], $0xF7A  }
0x23: {  	s9 =	sor.u32 $0xD0000000, s2;
	s6 =	simm.s32 $0x108;
	_ =	swait.ge @!p0 [sflag:s8], $0x0  }
0x24: {  	s3 =	sadd.s32 $0x88, s3;
	s6 =	simm.s32 @!p1 $0x1082;
	[sflag:s4] =	ssyncset.s32 $0xFFFFF086  }
0x25: {  	[simem:s6], [sflag:s4] =	dma.local [hbm:s3], $0xF7A  }
0x26: {  	[smem:$0x3F9D] =	sst s1;
	(tag) =	ssettag s2;
	_ =	strace s9  }
0x27: {  	s1 =	sld [smem:$0x3FAD]  }
0x28: {  	s2 =	sld [smem:$0x3FAE]  }
0x29: {  	s4 =	sld [smem:$0x3FB0]  }
0x2a: {  	p0 =	seq.s32 s5, $0x0;
	s5 =	sld [smem:$0x3FB1]  }
0x2b: {  	s6 =	sld [smem:$0x3FB2]  }
0x2c: {  	s7 =	sld [smem:$0x3FB3]  }
0x2d: {  	s3 =	simm.s32 $0x108;
	s8 =	sld [smem:$0x3FB4]  }
0x2e: {  	s3 =	simm.s32 @!p0 $0x1082;
	s9 =	sld [smem:$0x3FB5]  }
0x2f: {  	lr =	sadd.s32 s0, s3;
	s0 =	sld [smem:$0x3FAC]  }
0x30: {  	s3 =	sld [smem:$0x3FAF]  }
0x31: {  	[smem:$0x3FB8] =	sst s10  }
0x32: {  	s10 =	sld [smem:$0x3FB6];
	_ =	sdelay $0x3  }
0x33: {  	p0 =	seq.s32 s10, $0x1;
	s10 =	sld [smem:$0x3FB8];
	_ =	sdelay $0x3  }
0x34: {  	[smem:$0x3FB8] =	sst s10  }
0x35: {  	s10 =	sld [smem:$0x3FB7];
	_ =	sdelay $0x3  }
0x36: {  	p1 =	seq.s32 s10, $0x1;
	s10 =	sld [smem:$0x3FB8];
	_ =	sdelay $0x3  }
0x37: {  	[smem:$0x3FB8] =	sst s10  }
0x38: {  	s10 =	sld [smem:$0x3FB9]  }
0x39: {  	_ = 	snop;
	(pc) =	sbr.ind lr, $3  }
0x3a: {  	_ = 	snop  }
0x3b: {  	_ = 	snop  }
0x3c: {  	p2 =	seq.s32 s10, $0x1;
	s10 =	sld [smem:$0x3FB8]  }
0x3d: {  	_ =	shalt  }
0x3e: {  	_ =	shalt  }
0x3f: {  	_ =	shalt  }
0x40: {  	_ =	shalt  }
0x41: {  	_ =	shalt  }
0x42: {  	_ =	shalt  }
0x43: {  	_ =	shalt  }
0x44: {  	_ =	shalt  }
0x45: {  	_ =	shalt  }
0x46: {  	_ =	shalt  }
0x47: {  	_ =	shalt  }
0x48: {  	_ =	shalt  }
0x49: {  	_ =	shalt  }
0x4a: {  	_ =	shalt  }
0x4b: {  	_ =	shalt  }
0x4c: {  	_ =	shalt  }
0x4d: {  	_ =	shalt  }
0x4e: {  	_ =	shalt  }
0x4f: {  	_ =	shalt  }
0x50: {  	_ =	shalt  }
0x51: {  	_ =	shalt  }
0x52: {  	_ =	shalt  }
0x53: {  	_ =	shalt  }
0x54: {  	_ =	shalt  }
0x55: {  	_ =	shalt  }
0x56: {  	_ =	shalt  }
0x57: {  	_ =	shalt  }
0x58: {  	_ =	shalt  }
0x59: {  	_ =	shalt  }
0x5a: {  	_ =	shalt  }
0x5b: {  	_ =	shalt  }
0x5c: {  	_ =	shalt  }
0x5d: {  	_ =	shalt  }
0x5e: {  	_ =	shalt  }
0x5f: {  	_ =	shalt  }
0x60: {  	_ =	shalt  }
0x61: {  	_ =	shalt  }
0x62: {  	_ =	shalt  }
0x63: {  	_ =	shalt  }
0x64: {  	_ =	shalt  }
0x65: {  	_ =	shalt  }
0x66: {  	_ =	shalt  }
0x67: {  	_ =	shalt  }
0x68: {  	_ =	shalt  }
0x69: {  	_ =	shalt  }
0x6a: {  	_ =	shalt  }
0x6b: {  	_ =	shalt  }
0x6c: {  	_ =	shalt  }
0x6d: {  	_ =	shalt  }
0x6e: {  	_ =	shalt  }
0x6f: {  	_ =	shalt  }
0x70: {  	_ =	shalt  }
0x71: {  	_ =	shalt  }
0x72: {  	_ =	shalt  }
0x73: {  	_ =	shalt  }
0x74: {  	_ =	shalt  }
0x75: {  	_ =	shalt  }
0x76: {  	_ =	shalt  }
0x77: {  	_ =	shalt  }
0x78: {  	_ =	shalt  }
0x79: {  	_ =	shalt  }
0x7a: {  	_ =	shalt  }
0x7b: {  	_ =	shalt  }
0x7c: {  	_ =	shalt  }
0x7d: {  	_ =	shalt  }
0x7e: {  	_ =	shalt  }
0x7f: {  	_ =	shalt  }
0x80: {  	_ =	shalt  }
0x81: {  	_ =	shalt  }
0x82: {  	_ =	shalt  }
0x83: {  	_ =	shalt  }
0x84: {  	_ =	shalt  }
0x85: {  	_ =	shalt  }
0x86: {  	_ =	shalt  }
0x87: {  	_ =	shalt  }
.Lfunc_end0:
.L_simem_size_0:
called_computation_lowered:
.L_overlay_start_0:
0x88: {  	s2 =	sld [smem:$0x3FD9]  }
0x89: {  	s3 =	sld [smem:$0x3FFE];
	_ =	sdelay $0x1  }
0x8a: {  	s1 =	srdreg.scid  }
0x8b: {  	s0 =	sand.u32 $0x1, s1  }
0x8c: {  	s14 =	sshll.u32 s0, $0xA;
	s2 =	sadd.s32 s3, s2  }
0x8d: {  	s2 =	sadd.s32 s2, s14  }
0x8e: {  	[smem:$0x3FC4] =	sst s2  }
0x8f: {  	_ = 	snop  }
0x90: {  	s2 =	sld [smem:$0x3FD0];
	_ =	sdelay $0x2  }
0x91: {  	s4 =	simm.s32 $0xA;
	s5 =	simm.s32 $0x10;
	s15 =	sld [smem:$0x3FC9]  }
0x92: {  	[smem:s5], [sflag:s4] =	dma.local [hbm:s2], $0x1  }
0x93: {  	_ =	swait.eq [sflag:s4], $0x1  }
0x94: {  	[sflag:s4] =	ssyncset.done $0x0  }
0x95: {  	[sflag:s4] =	ssyncadd.s32 $0xFFFFFFFF  }
0x96: {  	s16 =	sld [smem:$0x11];
	(tm) =	ssettm $0x1  }
0x97: {  	s17 =	sld [smem:$0x3FFB];
	_ =	sdelay $0x3  }
0x98: {  	_ =	strace s17  }
0x99: {  	s4 =	sld [smem:$0x3FFC];
	_ =	sdelay $0x3  }
0x9a: {  	_ =	strace s4  }
0x9b: {  	s4 =	sld [smem:$0x3FFD];
	_ =	sdelay $0x3  }
0x9c: {  	_ =	strace s4  }
0x9d: {  	_ =	strace $0x8FFFFFFF  }
0x9e: {  	s18 =	sld [smem:$0x3FDB];
	_ =	sdelay $0x1  }
0x9f: {  	s19 =	simm.s32 $_scs_section_size  }
0xa0: {  	s6 =	simm.s32 $_size__tile_overlayer_lowered;
	s7 =	simm.s32 $_tile_overlayer_lowered  }
0xa1: {  	s22 =	simm.s32 $0x1BFF;
	s21 =	sshll.u32 s7, $0x1;
	s4 =	sadd.s32 s19, s18  }
0xa2: {  	s8 =	simm.s32 $0x0;
	s20 =	sshll.u32 s6, $0x1;
	s6 =	sadd.s32 s21, s4  }
0xa3: {  	[timem:s8], [sflag:s22] =	dma.local [hbm:s6], s20  }
0xa4: {  	_ =	swait.ge [sflag:s22], s20  }
0xa5: {  	s5 =	ssub.s32 $0x0, s20;
	[sflag:s22] =	ssyncset.done $0x0  }
0xa6: {  	[sflag:s22] =	ssyncadd.s32 s5;
	_ =	sdelay $0x1  }
0xa7: {  	s23 =	simm.s32 $0x1B8B  }
0xa8: {  	_ =	swait.ge [sflag:s23], $0x1  }
0xa9: {  	[sflag:s23] =	ssyncset.done $0x0  }
0xaa: {  	s25 =	simm.s32 $0x1B8E;
	s24 =	sld [smem:$0x3FFE];
	[sflag:s23] =	ssyncadd.s32 $0xFFFFFFFF  }
0xab: {  	s26 =	simm.s32 $execute0_lowered;
	[smem:$0x3FD2] =	sst s25  }
0xac: {  	s6 =	sshll.u32 s26, $0x1;
	_ =	strace $0x80000046;
	[dreg:$0x1] =	wrdreg $0xFFFFFFFF  }
0xad: {  	s28 =	simm.s32 $_size_execute0_lowered;
	s4 =	sadd.s32 s4, s6;
	[dreg:$0x0] =	wrdreg $0x0  }
0xae: {  	s6 =	sshll.u32 s28, $0x1;
	[dreg:$0x2] =	wrdreg s4  }
0xaf: {  	[dreg:$0x3] =	wrdreg s6  }
0xb0: {  	[dreg:$0x4] =	wrdreg $0xC0  }
0xb1: {  	_ =	task [dreg:s8], $0x5FFFF  }
0xb2: {  	[dreg:$0x1] =	wrdreg $0xFFFFFFFF  }
0xb3: {  	[dreg:$0x0] =	wrdreg $0x60  }
0xb4: {  	[dreg:$0x2] =	wrdreg s15  }
0xb5: {  	[dreg:$0x3] =	wrdreg s24  }
0xb6: {  	[dreg:$0x4] =	wrdreg s16  }
0xb7: {  	[dreg:$0x5] =	wrdreg $0x9  }
0xb8: {  	_ =	task.clear_ibuf [dreg:s8], $0x6FFFF;
	_ =	strace $0x90000046  }
0xb9: {  	s29 =	simm.s32 $0x9;
	_ =	strace $0x80000048  }
0xba: {  	_ =	swait.ge [sflag:s29], $0x1  }
0xbb: {  	[sflag:s29] =	ssyncadd.s32 $0xFFFFFFFF  }
0xbc: {  	_ =	strace $0x90000048  }
0xbd: {  	_ =	sfence  }
0xbe: {  	s30 =	sld [smem:$0x0];
	_ =	sdelay $0x2  }
0xbf: {  	s31 =	sshll.u32 s1, $0xD;
	s1 =	sshrl.u32 s1, $0x2  }
0xc0: {  	s3 =	sand.u32 $0x4000, s31;
	s1 =	sadd.s32 s1, s30  }
0xc1: {  	s0 =	sor.u32 s3, s0;
	s1 =	sshll.u32 s1, $0x11  }
0xc2: {  	s0 =	sor.u32 s1, s0  }
0xc3: {  	s0 =	sadd.s32 $0x8F2B, s0  }
0xc4: {  	[sflag:s0] =	ssyncadd.remote.s32 $0x1  }
0xc5: {  	_ =	sfence.sel $0xFFFF  }
0xc6: {  	[dreg:$0x0] =	wrdreg $0xFFFFFFFF;
	(pc) =	sbr.abs _section_cstart, $3  }
0xc7: {  	[dreg:$0x1] =	wrdreg $0xFFFFFFFF  }
0xc8: {  	_ =	task.clear_ibuf [dreg:s8], $0x2FFFF;
	_ =	strace $0x9FFFFFFF  }
0xc9: {  	(tm) =	ssettm $0x7FFFFFFF  }
tec
execute0_lowered:
.L_overlay_start_1:
0x0: {  	(tag) =	ssettag $0x1  }
0x1: {  	s0 =	rddreg [dreg:$0x1];
	s4 =	simm.s32 $0x0;
	s1 =	srdreg.scid  }
0x2: {  	s2 =	stileid.u32;
	s21 =	simm.s32 $0x9;
	s22 =	simm.s32 $0x100  }
0x3: {  	s29 =	simm.s32 $0x6;
	s30 =	simm.s32 $0x8;
	s31 =	simm.s32 $0xC600  }
0x4: {  	v0 =	vlaneseq.u32;
	s11 =	simm.s32 $0x4400;
	s12 =	simm.s32 $0x3;
	s14 =	simm.s32 $0x4  }
0x5: {  	[smem:$0x7FF] =	sst s4;
	s1 =	sand.u32 $0x1, s1;
	s5 =	sadd.s32 $0x800, s0;
	v0 =	vmul.u32 $0x108, v0  }
0x6: {  	v1 =	vimm.s32 $0x0;
	vm0 =	vcmask $0x300;
	s2 =	sshll.u32 s2, $0xA;
	s6 =	sadd.s32 $0x64800, s0;
	s8 =	sadd.s32 $0x805C00, s0  }
0x7: {  	v1 =	vsel vm0, $0x3, v1;
	s9 =	sadd.s32 $0xFA7000, s0;
	s25 =	sadd.s32 $0x1020, s0;
	s19 =	sadd.s32 $0xFC7000, s0;
	v2 =	vadd.s32 $0x1080, v0  }
0x8: {  	s0 =	simm.s32 $0x7;
	s3 =	sshll.u32 s1, $0x9;
	s1 =	ssub.s32 $0x2, s1;
	v3 =	vadd.s32 $0x2100, v0;
	v4 =	vadd.s32 $0x3180, v0;
	v5 =	vor.u32 $0x1, v0  }
0x9: {  	_ =	strace $0x80000047;
	s7 =	sor.u32 s3, s2;
	s23 =	sshrl.u32 s1, $0x1;
	v6 =	vadd.s32 $0x1081, v0;
	v7 =	vadd.s32 $0x2101, v0;
	v8 =	vadd.s32 $0x3181, v0  }
0xa: {  	[dreg:$0x7] =	wrdreg s25;
	v9 =	vor.u32 $0x2, v0;
	v10 =	vadd.s32 $0x1082, v0;
	v11 =	vadd.s32 $0x2102, v0;
	s3 =	sshrl.u32 s7, $0x3;
	s1 =	ssub.s32 s1, s23  }
0xb: {  	v12 =	vadd.s32 $0x3182, v0;
	v13 =	vor.u32 $0x3, v0;
	v14 =	vadd.s32 $0x1083, v0;
	s26 =	sor.u32 $0x8000, s7;
	s16 =	sor.u32 $0xC000, s7;
	s17 =	sor.u32 $0x8100, s7  }
0xc: {  	v15 =	vadd.s32 $0x2103, v0;
	v16 =	vadd.s32 $0x3183, v0;
	v17 =	vor.u32 $0x4, v0;
	s18 =	sor.u32 $0x100, s7;
	s24 =	sadd.s32 s5, s3;
	[dreg:$0x9] =	wrdreg s26  }
.Ltmp0:
0xd: {  	v18 =	vadd.s32 $0x1084, v0;
	v19 =	vadd.s32 $0x2104, v0;
	v20 =	vadd.s32 $0x3184, v0;
	s28 =	smax.u32 s1, $0x1;
	[dreg:$0x4] =	wrdreg s24;
	(pc) =	sbr.rel .LBB2_1-.Ltmp0, $4  }
0xe: {  	v21 =	vor.u32 $0x5, v0;
	v22 =	vadd.s32 $0x1085, v0;
	v23 =	vadd.s32 $0x2105, v0;
	s23 =	simm.s32 $0x400;
	s10 =	sadd.s32 $0x20, s24;
	[dreg:$0xa] =	wrdreg s28  }
0xf: {  	v24 =	vadd.s32 $0x3185, v0;
	v25 =	vor.u32 $0x6, v0;
	v26 =	vadd.s32 $0x1086, v0;
	s2 =	sadd.s32 $0x800, s24;
	s24 =	simm.s32 $0x5;
	[dreg:$0x5] =	wrdreg s10  }
0x10: {  	v27 =	vadd.s32 $0x2106, v0;
	v28 =	vadd.s32 $0x3186, v0;
	v29 =	vor.u32 $0x7, v0;
	[dreg:$0x6] =	wrdreg s2;
	s2 =	sadd.s32 s3, s25;
	s25 =	simm.s32 $0x8400  }
0x11: {  	v30 =	vadd.s32 $0x1087, v0;
	v31 =	vadd.s32 $0x2107, v0;
	v32 =	vadd.s32 $0x3187, v0;
	s3 =	simm.s32 $0x2;
	[dreg:$0x8] =	wrdreg s2;
	s2 =	simm.s32 $0x0  }
.LBB2_31:
0x12: {  	_ =	swait.ge [sflag:s0], $0x4000  }
0x13: {  	[sflag:s0] =	ssyncset.done $0x0  }
0x14: {  	[sflag:s0] =	ssyncadd.s32 $0xFFFFC000  }
0x15: {  	_ =	swait.ge [sflag:s30], $0x4000  }
0x16: {  	s2 =	rddreg [dreg:$0xb]  }
0x17: {  	s1 =	rddreg [dreg:$0xa];
	s2 =	sadd.s32 $0x1, s2  }
0x18: {  	p0 =	sne.s32 s2, s1  }
.Ltmp1:
0x19: {  	_ = 	snop;
	(pc) =	sbr.rel @!p0 .LBB2_32-.Ltmp1, $3  }
0x1a: {  	_ =	sdelay $0x1  }
0x1b: {  	[sflag:s30] =	ssyncset.done $0x0  }
0x1c: {  	[sflag:s30] =	ssyncadd.s32 $0xFFFFC000  }
.LBB2_1:
0x1d: {  	[dreg:$0xb] =	wrdreg s2;
	p1 =	por $0x1, $0x1;
	s1 =	simm.s32 $0x0  }
.LBB2_2:
0x1e: {  	s1 =	sor.u32 s7, s1  }
0x1f: {  	s20 =	rddreg [dreg:$0x0];
	s10 =	sshrl.u32 s1, $0x3  }
0x20: {  	s2 =	simm.s32 $0x0;
	s1 =	sadd.s32 s20, s10  }
0x21: {  	[tilespmem:s2], [sflag:$0x9] =	stream.linear.gather [hbm4b:s1+s2], $0x100, $0x38;
	[tilespmem:$0x10800] =	vst v63  }
0x22: {  	_ =	swait.ge [sflag:s21], $0x100  }
0x23: {  	[sflag:s21] =	ssyncset.done $0x0  }
0x24: {  	v33 =	vmov s2;
	[sflag:s21] =	ssyncadd.s32 $0xFFFFFF00  }
0x25: {  	v33 =	vshrl.u32 v33, $0x3;
	[tilespmem:s23], [sflag:$0x5] =	stream.indirect.gather [hbm4b:s6+s22], $0x40, s2, s22, $0xb8;
	[tilespmem:$0x10800] =	vst v63  }
0x26: {  	v33 =	vshll.u32 v33, v1;
	_ =	swait.ge [sflag:s24], $0x4000  }
0x27: {  	v33 =	vbroadcast v33, $0x0;
	[sflag:s24] =	ssyncset.done $0x0  }
0x28: {  	s13 =	simm.s32 $0x500;
	[sflag:s24] =	ssyncadd.s32 $0xFFFFC000  }
0x29: {  	v35 =	vadd.s32 v0, v33;
	v34 =	vld [tilespmem:s13+$0xFFFFFF00];
	_ =	sdelay $0x4  }
0x2a: {  	[tilespmem:v35+s25+$0x0] =	vst.idx.msk $0xffff, v34  }
0x2b: {  	v56 =	vadd.s32 v2, v33;
	v34 =	vld [tilespmem:s13+$0xFFFFFF10];
	_ =	sdelay $0x4  }
0x2c: {  	[tilespmem:v56+s25+$0x0] =	vst.idx.msk $0xffff, v34  }
0x2d: {  	v57 =	vadd.s32 v3, v33;
	v34 =	vld [tilespmem:s13+$0xFFFFFF20];
	_ =	sdelay $0x4  }
0x2e: {  	[tilespmem:v57+s25+$0x0] =	vst.idx.msk $0xffff, v34  }
0x2f: {  	s26 =	simm.s32 $0x1;
	v33 =	vadd.s32 v4, v33;
	v34 =	vld [tilespmem:s13+$0xFFFFFF30]  }
0x30: {  	v58 =	vmov s26  }
0x31: {  	v35 =	vshrl.u32 v58, $0x3  }
0x32: {  	v35 =	vshll.u32 v35, v1  }
0x33: {  	v35 =	vbroadcast v35, $0x0  }
0x34: {  	[tilespmem:v33+s25+$0x0] =	vst.idx.msk $0xffff, v34  }
0x35: {  	v59 =	vadd.s32 v5, v35;
	v33 =	vld [tilespmem:s13+$0xFFFFFF40];
	_ =	sdelay $0x4  }
0x36: {  	[tilespmem:v59+s25+$0x0] =	vst.idx.msk $0xffff, v33  }
0x37: {  	v60 =	vadd.s32 v6, v35;
	v33 =	vld [tilespmem:s13+$0xFFFFFF50];
	_ =	sdelay $0x4  }
0x38: {  	[tilespmem:v60+s25+$0x0] =	vst.idx.msk $0xffff, v33  }
0x39: {  	v61 =	vadd.s32 v7, v35;
	v33 =	vld [tilespmem:s13+$0xFFFFFF60];
	_ =	sdelay $0x4  }
0x3a: {  	[tilespmem:v61+s25+$0x0] =	vst.idx.msk $0xffff, v33  }
0x3b: {  	s28 =	simm.s32 $0x2;
	v62 =	vadd.s32 v8, v35;
	v33 =	vld [tilespmem:s13+$0xFFFFFF70]  }
0x3c: {  	v63 =	vmov s28  }
0x3d: {  	v35 =	vshrl.u32 v63, $0x3  }
0x3e: {  	v35 =	vshll.u32 v35, v1  }
0x3f: {  	v35 =	vbroadcast v35, $0x0  }
0x40: {  	[tilespmem:v62+s25+$0x0] =	vst.idx.msk $0xffff, v33  }
0x41: {  	v36 =	vadd.s32 v9, v35;
	v33 =	vld [tilespmem:s13+$0xFFFFFF80];
	_ =	sdelay $0x4  }
0x42: {  	[tilespmem:v36+s25+$0x0] =	vst.idx.msk $0xffff, v33  }
0x43: {  	v37 =	vadd.s32 v10, v35;
	v33 =	vld [tilespmem:s13+$0xFFFFFF90];
	_ =	sdelay $0x4  }
0x44: {  	[tilespmem:v37+s25+$0x0] =	vst.idx.msk $0xffff, v33  }
0x45: {  	v38 =	vadd.s32 v11, v35;
	v33 =	vld [tilespmem:s13+$0xFFFFFFA0];
	_ =	sdelay $0x4  }
0x46: {  	[tilespmem:v38+s25+$0x0] =	vst.idx.msk $0xffff, v33  }
0x47: {  	s2 =	simm.s32 $0x3;
	v39 =	vadd.s32 v12, v35;
	v33 =	vld [tilespmem:s13+$0xFFFFFFB0]  }
0x48: {  	v40 =	vmov s2  }
0x49: {  	v35 =	vshrl.u32 v40, $0x3  }
0x4a: {  	v35 =	vshll.u32 v35, v1  }
0x4b: {  	v35 =	vbroadcast v35, $0x0  }
0x4c: {  	[tilespmem:v39+s25+$0x0] =	vst.idx.msk $0xffff, v33  }
0x4d: {  	v41 =	vadd.s32 v13, v35;
	v33 =	vld [tilespmem:s13+$0xFFFFFFC0];
	_ =	sdelay $0x4  }
0x4e: {  	[tilespmem:v41+s25+$0x0] =	vst.idx.msk $0xffff, v33  }
0x4f: {  	v42 =	vadd.s32 v14, v35;
	v33 =	vld [tilespmem:s13+$0xFFFFFFD0];
	_ =	sdelay $0x4  }
0x50: {  	[tilespmem:v42+s25+$0x0] =	vst.idx.msk $0xffff, v33  }
0x51: {  	v43 =	vadd.s32 v15, v35;
	v33 =	vld [tilespmem:s13+$0xFFFFFFE0];
	_ =	sdelay $0x4  }
0x52: {  	[tilespmem:v43+s25+$0x0] =	vst.idx.msk $0xffff, v33  }
0x53: {  	s15 =	simm.s32 $0x4;
	v44 =	vadd.s32 v16, v35;
	v33 =	vld [tilespmem:s13+$0xFFFFFFF0]  }
0x54: {  	v45 =	vmov s15  }
0x55: {  	v35 =	vshrl.u32 v45, $0x3  }
0x56: {  	v35 =	vshll.u32 v35, v1  }
0x57: {  	v35 =	vbroadcast v35, $0x0  }
0x58: {  	[tilespmem:v44+s25+$0x0] =	vst.idx.msk $0xffff, v33  }
0x59: {  	v46 =	vadd.s32 v17, v35;
	v33 =	vld [tilespmem:s13+$0x0];
	_ =	sdelay $0x4  }
0x5a: {  	[tilespmem:v46+s25+$0x0] =	vst.idx.msk $0xffff, v33  }
0x5b: {  	v47 =	vadd.s32 v18, v35;
	v33 =	vld [tilespmem:s13+$0x10];
	_ =	sdelay $0x4  }
0x5c: {  	[tilespmem:v47+s25+$0x0] =	vst.idx.msk $0xffff, v33  }
0x5d: {  	v48 =	vadd.s32 v19, v35;
	v33 =	vld [tilespmem:s13+$0x20];
	_ =	sdelay $0x4  }
0x5e: {  	[tilespmem:v48+s25+$0x0] =	vst.idx.msk $0xffff, v33  }
0x5f: {  	s20 =	simm.s32 $0x5;
	v49 =	vadd.s32 v20, v35;
	v33 =	vld [tilespmem:s13+$0x30]  }
0x60: {  	v50 =	vmov s20  }
0x61: {  	v35 =	vshrl.u32 v50, $0x3  }
0x62: {  	v35 =	vshll.u32 v35, v1  }
0x63: {  	v35 =	vbroadcast v35, $0x0  }
0x64: {  	[tilespmem:v49+s25+$0x0] =	vst.idx.msk $0xffff, v33  }
0x65: {  	v51 =	vadd.s32 v21, v35;
	v33 =	vld [tilespmem:s13+$0x40];
	_ =	sdelay $0x4  }
0x66: {  	[tilespmem:v51+s25+$0x0] =	vst.idx.msk $0xffff, v33  }
0x67: {  	v52 =	vadd.s32 v22, v35;
	v33 =	vld [tilespmem:s13+$0x50];
	_ =	sdelay $0x4  }
0x68: {  	[tilespmem:v52+s25+$0x0] =	vst.idx.msk $0xffff, v33  }
0x69: {  	v53 =	vadd.s32 v23, v35;
	v33 =	vld [tilespmem:s13+$0x60];
	_ =	sdelay $0x4  }
0x6a: {  	[tilespmem:v53+s25+$0x0] =	vst.idx.msk $0xffff, v33  }
0x6b: {  	s26 =	simm.s32 $0x6;
	v54 =	vadd.s32 v24, v35;
	v33 =	vld [tilespmem:s13+$0x70]  }
0x6c: {  	v55 =	vmov s26  }
0x6d: {  	v35 =	vshrl.u32 v55, $0x3  }
0x6e: {  	v35 =	vshll.u32 v35, v1  }
0x6f: {  	v35 =	vbroadcast v35, $0x0  }
0x70: {  	[tilespmem:v54+s25+$0x0] =	vst.idx.msk $0xffff, v33  }
0x71: {  	v56 =	vadd.s32 v25, v35;
	v33 =	vld [tilespmem:s13+$0x80];
	_ =	sdelay $0x4  }
0x72: {  	[tilespmem:v56+s25+$0x0] =	vst.idx.msk $0xffff, v33  }
0x73: {  	v57 =	vadd.s32 v26, v35;
	v33 =	vld [tilespmem:s13+$0x90];
	_ =	sdelay $0x4  }
0x74: {  	[tilespmem:v57+s25+$0x0] =	vst.idx.msk $0xffff, v33  }
0x75: {  	v58 =	vadd.s32 v27, v35;
	v33 =	vld [tilespmem:s13+$0xA0];
	_ =	sdelay $0x4  }
0x76: {  	[tilespmem:v58+s25+$0x0] =	vst.idx.msk $0xffff, v33  }
0x77: {  	s28 =	simm.s32 $0x7;
	v59 =	vadd.s32 v28, v35;
	v33 =	vld [tilespmem:s13+$0xB0]  }
0x78: {  	v60 =	vmov s28  }
0x79: {  	v35 =	vshrl.u32 v60, $0x3  }
0x7a: {  	v35 =	vshll.u32 v35, v1  }
0x7b: {  	v35 =	vbroadcast v35, $0x0  }
0x7c: {  	[tilespmem:v59+s25+$0x0] =	vst.idx.msk $0xffff, v33  }
0x7d: {  	v61 =	vadd.s32 v29, v35;
	v33 =	vld [tilespmem:s13+$0xC0];
	_ =	sdelay $0x4  }
0x7e: {  	[tilespmem:v61+s25+$0x0] =	vst.idx.msk $0xffff, v33  }
0x7f: {  	v62 =	vadd.s32 v30, v35;
	v33 =	vld [tilespmem:s13+$0xD0];
	_ =	sdelay $0x4  }
0x80: {  	[tilespmem:v62+s25+$0x0] =	vst.idx.msk $0xffff, v33  }
0x81: {  	v63 =	vadd.s32 v31, v35;
	v33 =	vld [tilespmem:s13+$0xE0];
	_ =	sdelay $0x4  }
0x82: {  	[tilespmem:v63+s25+$0x0] =	vst.idx.msk $0xffff, v33  }
0x83: {  	s20 =	simm.s32 $0x8;
	v34 =	vadd.s32 v32, v35;
	v33 =	vld [tilespmem:s13+$0xF0]  }
0x84: {  	p0 =	por p1, p1;
	s1 =	simm.s32 $0x10;
	v35 =	vmov s20  }
.LBB2_3:
0x85: {  	p1 =	slt.u32 s1, $0xF8;
	v35 =	vshrl.u32 v35, $0x3  }
0x86: {  	v35 =	vshll.u32 v35, v1  }
0x87: {  	v35 =	vbroadcast v35, $0x0  }
0x88: {  	s13 =	sadd.s32 $0x200, s13;
	[tilespmem:v34+s25+$0x0] =	vst.idx.msk $0xffff, v33  }
0x89: {  	v33 =	vld [tilespmem:s13+$0xFFFFFF00];
	v34 =	vadd.s32 v0, v35;
	_ =	sdelay $0x4  }
0x8a: {  	[tilespmem:v34+s25+$0x0] =	vst.idx.msk $0xffff, v33  }
0x8b: {  	v34 =	vadd.s32 v2, v35;
	v33 =	vld [tilespmem:s13+$0xFFFFFF10];
	_ =	sdelay $0x4  }
0x8c: {  	[tilespmem:v34+s25+$0x0] =	vst.idx.msk $0xffff, v33  }
0x8d: {  	v34 =	vadd.s32 v3, v35;
	v33 =	vld [tilespmem:s13+$0xFFFFFF20];
	_ =	sdelay $0x4  }
0x8e: {  	[tilespmem:v34+s25+$0x0] =	vst.idx.msk $0xffff, v33  }
0x8f: {  	s2 =	sadd.s32 $0x1, s20;
	v34 =	vadd.s32 v4, v35;
	v33 =	vld [tilespmem:s13+$0xFFFFFF30]  }
0x90: {  	v35 =	vmov s2  }
0x91: {  	v35 =	vshrl.u32 v35, $0x3  }
0x92: {  	v35 =	vshll.u32 v35, v1  }
0x93: {  	v35 =	vbroadcast v35, $0x0  }
0x94: {  	[tilespmem:v34+s25+$0x0] =	vst.idx.msk $0xffff, v33  }
0x95: {  	v34 =	vadd.s32 v5, v35;
	v33 =	vld [tilespmem:s13+$0xFFFFFF40];
	_ =	sdelay $0x4  }
0x96: {  	[tilespmem:v34+s25+$0x0] =	vst.idx.msk $0xffff, v33  }
0x97: {  	v34 =	vadd.s32 v6, v35;
	v33 =	vld [tilespmem:s13+$0xFFFFFF50];
	_ =	sdelay $0x4  }
0x98: {  	[tilespmem:v34+s25+$0x0] =	vst.idx.msk $0xffff, v33  }
0x99: {  	v34 =	vadd.s32 v7, v35;
	v33 =	vld [tilespmem:s13+$0xFFFFFF60];
	_ =	sdelay $0x4  }
0x9a: {  	[tilespmem:v34+s25+$0x0] =	vst.idx.msk $0xffff, v33  }
0x9b: {  	s2 =	sadd.s32 $0x2, s20;
	v34 =	vadd.s32 v8, v35;
	v33 =	vld [tilespmem:s13+$0xFFFFFF70]  }
0x9c: {  	v35 =	vmov s2  }
0x9d: {  	v35 =	vshrl.u32 v35, $0x3  }
0x9e: {  	v35 =	vshll.u32 v35, v1  }
0x9f: {  	v35 =	vbroadcast v35, $0x0  }
0xa0: {  	[tilespmem:v34+s25+$0x0] =	vst.idx.msk $0xffff, v33  }
0xa1: {  	v34 =	vadd.s32 v9, v35;
	v33 =	vld [tilespmem:s13+$0xFFFFFF80];
	_ =	sdelay $0x4  }
0xa2: {  	[tilespmem:v34+s25+$0x0] =	vst.idx.msk $0xffff, v33  }
0xa3: {  	v34 =	vadd.s32 v10, v35;
	v33 =	vld [tilespmem:s13+$0xFFFFFF90];
	_ =	sdelay $0x4  }
0xa4: {  	[tilespmem:v34+s25+$0x0] =	vst.idx.msk $0xffff, v33  }
0xa5: {  	v34 =	vadd.s32 v11, v35;
	v33 =	vld [tilespmem:s13+$0xFFFFFFA0];
	_ =	sdelay $0x4  }
0xa6: {  	[tilespmem:v34+s25+$0x0] =	vst.idx.msk $0xffff, v33  }
0xa7: {  	s2 =	sadd.s32 $0x3, s20;
	v34 =	vadd.s32 v12, v35;
	v33 =	vld [tilespmem:s13+$0xFFFFFFB0]  }
0xa8: {  	v35 =	vmov s2  }
0xa9: {  	v35 =	vshrl.u32 v35, $0x3  }
0xaa: {  	v35 =	vshll.u32 v35, v1  }
0xab: {  	v35 =	vbroadcast v35, $0x0  }
0xac: {  	[tilespmem:v34+s25+$0x0] =	vst.idx.msk $0xffff, v33  }
0xad: {  	v34 =	vadd.s32 v13, v35;
	v33 =	vld [tilespmem:s13+$0xFFFFFFC0];
	_ =	sdelay $0x4  }
0xae: {  	[tilespmem:v34+s25+$0x0] =	vst.idx.msk $0xffff, v33  }
0xaf: {  	v34 =	vadd.s32 v14, v35;
	v33 =	vld [tilespmem:s13+$0xFFFFFFD0];
	_ =	sdelay $0x4  }
0xb0: {  	[tilespmem:v34+s25+$0x0] =	vst.idx.msk $0xffff, v33  }
0xb1: {  	v34 =	vadd.s32 v15, v35;
	v33 =	vld [tilespmem:s13+$0xFFFFFFE0];
	_ =	sdelay $0x4  }
0xb2: {  	[tilespmem:v34+s25+$0x0] =	vst.idx.msk $0xffff, v33  }
0xb3: {  	s2 =	sadd.s32 $0x4, s20;
	v34 =	vadd.s32 v16, v35;
	v33 =	vld [tilespmem:s13+$0xFFFFFFF0]  }
0xb4: {  	v35 =	vmov s2  }
0xb5: {  	v35 =	vshrl.u32 v35, $0x3  }
0xb6: {  	v35 =	vshll.u32 v35, v1  }
0xb7: {  	v35 =	vbroadcast v35, $0x0  }
0xb8: {  	[tilespmem:v34+s25+$0x0] =	vst.idx.msk $0xffff, v33  }
0xb9: {  	v34 =	vadd.s32 v17, v35;
	v33 =	vld [tilespmem:s13+$0x0];
	_ =	sdelay $0x4  }
0xba: {  	[tilespmem:v34+s25+$0x0] =	vst.idx.msk $0xffff, v33  }
0xbb: {  	v34 =	vadd.s32 v18, v35;
	v33 =	vld [tilespmem:s13+$0x10];
	_ =	sdelay $0x4  }
0xbc: {  	[tilespmem:v34+s25+$0x0] =	vst.idx.msk $0xffff, v33  }
0xbd: {  	v34 =	vadd.s32 v19, v35;
	v33 =	vld [tilespmem:s13+$0x20];
	_ =	sdelay $0x4  }
0xbe: {  	[tilespmem:v34+s25+$0x0] =	vst.idx.msk $0xffff, v33  }
0xbf: {  	s2 =	sadd.s32 $0x5, s20;
	v34 =	vadd.s32 v20, v35;
	v33 =	vld [tilespmem:s13+$0x30]  }
0xc0: {  	v35 =	vmov s2  }
0xc1: {  	v35 =	vshrl.u32 v35, $0x3  }
0xc2: {  	v35 =	vshll.u32 v35, v1  }
0xc3: {  	v35 =	vbroadcast v35, $0x0  }
0xc4: {  	[tilespmem:v34+s25+$0x0] =	vst.idx.msk $0xffff, v33  }
0xc5: {  	v34 =	vadd.s32 v21, v35;
	v33 =	vld [tilespmem:s13+$0x40];
	_ =	sdelay $0x4  }
0xc6: {  	[tilespmem:v34+s25+$0x0] =	vst.idx.msk $0xffff, v33  }
0xc7: {  	v34 =	vadd.s32 v22, v35;
	v33 =	vld [tilespmem:s13+$0x50];
	_ =	sdelay $0x4  }
0xc8: {  	[tilespmem:v34+s25+$0x0] =	vst.idx.msk $0xffff, v33  }
0xc9: {  	v34 =	vadd.s32 v23, v35;
	v33 =	vld [tilespmem:s13+$0x60];
	_ =	sdelay $0x4  }
0xca: {  	[tilespmem:v34+s25+$0x0] =	vst.idx.msk $0xffff, v33  }
0xcb: {  	s2 =	sadd.s32 $0x6, s20;
	v34 =	vadd.s32 v24, v35;
	v33 =	vld [tilespmem:s13+$0x70]  }
0xcc: {  	v35 =	vmov s2  }
0xcd: {  	v35 =	vshrl.u32 v35, $0x3  }
0xce: {  	v35 =	vshll.u32 v35, v1  }
0xcf: {  	v35 =	vbroadcast v35, $0x0  }
0xd0: {  	[tilespmem:v34+s25+$0x0] =	vst.idx.msk $0xffff, v33  }
0xd1: {  	v34 =	vadd.s32 v25, v35;
	v33 =	vld [tilespmem:s13+$0x80];
	_ =	sdelay $0x4  }
0xd2: {  	[tilespmem:v34+s25+$0x0] =	vst.idx.msk $0xffff, v33  }
0xd3: {  	v34 =	vadd.s32 v26, v35;
	v33 =	vld [tilespmem:s13+$0x90];
	_ =	sdelay $0x4  }
0xd4: {  	[tilespmem:v34+s25+$0x0] =	vst.idx.msk $0xffff, v33  }
0xd5: {  	v34 =	vadd.s32 v27, v35;
	v33 =	vld [tilespmem:s13+$0xA0];
	_ =	sdelay $0x4  }
0xd6: {  	[tilespmem:v34+s25+$0x0] =	vst.idx.msk $0xffff, v33  }
0xd7: {  	s2 =	sadd.s32 $0x7, s20;
	s20 =	smov.u32 s1;
	v34 =	vadd.s32 v28, v35;
	v33 =	vld [tilespmem:s13+$0xB0]  }
0xd8: {  	v35 =	vmov s2  }
0xd9: {  	v35 =	vshrl.u32 v35, $0x3  }
0xda: {  	v35 =	vshll.u32 v35, v1  }
0xdb: {  	v35 =	vbroadcast v35, $0x0  }
0xdc: {  	[tilespmem:v34+s25+$0x0] =	vst.idx.msk $0xffff, v33  }
0xdd: {  	v34 =	vadd.s32 v29, v35;
	v33 =	vld [tilespmem:s13+$0xC0];
	_ =	sdelay $0x4  }
0xde: {  	[tilespmem:v34+s25+$0x0] =	vst.idx.msk $0xffff, v33  }
0xdf: {  	v34 =	vadd.s32 v30, v35;
	v33 =	vld [tilespmem:s13+$0xD0];
	_ =	sdelay $0x4  }
0xe0: {  	[tilespmem:v34+s25+$0x0] =	vst.idx.msk $0xffff, v33  }
0xe1: {  	v34 =	vadd.s32 v31, v35;
	v33 =	vld [tilespmem:s13+$0xE0];
	_ =	sdelay $0x2  }
.Ltmp2:
0xe2: {  	(pc) =	sbr.rel @p1 .LBB2_3-.Ltmp2, $4  }
0xe3: {  	_ = 	snop  }
0xe4: {  	[tilespmem:v34+s25+$0x0] =	vst.idx.msk $0xffff, v33  }
0xe5: {  	v34 =	vadd.s32 v32, v35;
	v33 =	vld [tilespmem:s13+$0xF0]  }
0xe6: {  	s1 =	sadd.s32 $0x8, s1;
	v35 =	vmov s20  }
0xe7: {  	_ = 	snop  }
0xe8: {  	v35 =	vshrl.u32 v35, $0x3  }
0xe9: {  	v35 =	vshll.u32 v35, v1  }
0xea: {  	v35 =	vbroadcast v35, $0x0  }
0xeb: {  	s1 =	sadd.s32 $0x200, s13;
	[tilespmem:v34+s25+$0x0] =	vst.idx.msk $0xffff, v33  }
0xec: {  	v33 =	vld [tilespmem:s1+$0xFFFFFF00];
	v53 =	vadd.s32 v0, v35;
	_ =	sdelay $0x4  }
0xed: {  	[tilespmem:v53+s25+$0x0] =	vst.idx.msk $0xffff, v33  }
0xee: {  	v54 =	vadd.s32 v2, v35;
	v33 =	vld [tilespmem:s1+$0xFFFFFF10];
	_ =	sdelay $0x4  }
0xef: {  	[tilespmem:v54+s25+$0x0] =	vst.idx.msk $0xffff, v33  }
0xf0: {  	v55 =	vadd.s32 v3, v35;
	v33 =	vld [tilespmem:s1+$0xFFFFFF20];
	_ =	sdelay $0x4  }
0xf1: {  	[tilespmem:v55+s25+$0x0] =	vst.idx.msk $0xffff, v33  }
0xf2: {  	s2 =	sadd.s32 $0x1, s20;
	v56 =	vadd.s32 v4, v35;
	v33 =	vld [tilespmem:s1+$0xFFFFFF30]  }
0xf3: {  	v57 =	vmov s2  }
0xf4: {  	v35 =	vshrl.u32 v57, $0x3  }
0xf5: {  	v35 =	vshll.u32 v35, v1  }
0xf6: {  	v35 =	vbroadcast v35, $0x0  }
0xf7: {  	[tilespmem:v56+s25+$0x0] =	vst.idx.msk $0xffff, v33  }
0xf8: {  	v58 =	vadd.s32 v5, v35;
	v33 =	vld [tilespmem:s1+$0xFFFFFF40];
	_ =	sdelay $0x4  }
0xf9: {  	[tilespmem:v58+s25+$0x0] =	vst.idx.msk $0xffff, v33  }
0xfa: {  	v59 =	vadd.s32 v6, v35;
	v33 =	vld [tilespmem:s1+$0xFFFFFF50];
	_ =	sdelay $0x4  }
0xfb: {  	[tilespmem:v59+s25+$0x0] =	vst.idx.msk $0xffff, v33  }
0xfc: {  	v60 =	vadd.s32 v7, v35;
	v33 =	vld [tilespmem:s1+$0xFFFFFF60];
	_ =	sdelay $0x4  }
0xfd: {  	[tilespmem:v60+s25+$0x0] =	vst.idx.msk $0xffff, v33  }
0xfe: {  	s15 =	sadd.s32 $0x2, s20;
	v61 =	vadd.s32 v8, v35;
	v33 =	vld [tilespmem:s1+$0xFFFFFF70]  }
0xff: {  	v62 =	vmov s15  }
0x100: {  	v35 =	vshrl.u32 v62, $0x3  }
0x101: {  	v35 =	vshll.u32 v35, v1  }
0x102: {  	v35 =	vbroadcast v35, $0x0  }
0x103: {  	[tilespmem:v61+s25+$0x0] =	vst.idx.msk $0xffff, v33  }
0x104: {  	v63 =	vadd.s32 v9, v35;
	v33 =	vld [tilespmem:s1+$0xFFFFFF80];
	_ =	sdelay $0x4  }
0x105: {  	[tilespmem:v63+s25+$0x0] =	vst.idx.msk $0xffff, v33  }
0x106: {  	v36 =	vadd.s32 v10, v35;
	v33 =	vld [tilespmem:s1+$0xFFFFFF90];
	_ =	sdelay $0x4  }
0x107: {  	[tilespmem:v36+s25+$0x0] =	vst.idx.msk $0xffff, v33  }
0x108: {  	v37 =	vadd.s32 v11, v35;
	v33 =	vld [tilespmem:s1+$0xFFFFFFA0];
	_ =	sdelay $0x4  }
0x109: {  	[tilespmem:v37+s25+$0x0] =	vst.idx.msk $0xffff, v33  }
0x10a: {  	s26 =	sadd.s32 $0x3, s20;
	v38 =	vadd.s32 v12, v35;
	v33 =	vld [tilespmem:s1+$0xFFFFFFB0]  }
0x10b: {  	v39 =	vmov s26  }
0x10c: {  	v35 =	vshrl.u32 v39, $0x3  }
0x10d: {  	v35 =	vshll.u32 v35, v1  }
0x10e: {  	v35 =	vbroadcast v35, $0x0  }
0x10f: {  	[tilespmem:v38+s25+$0x0] =	vst.idx.msk $0xffff, v33  }
0x110: {  	v40 =	vadd.s32 v13, v35;
	v33 =	vld [tilespmem:s1+$0xFFFFFFC0];
	_ =	sdelay $0x4  }
0x111: {  	[tilespmem:v40+s25+$0x0] =	vst.idx.msk $0xffff, v33  }
0x112: {  	v41 =	vadd.s32 v14, v35;
	v33 =	vld [tilespmem:s1+$0xFFFFFFD0];
	_ =	sdelay $0x4  }
0x113: {  	[tilespmem:v41+s25+$0x0] =	vst.idx.msk $0xffff, v33  }
0x114: {  	v42 =	vadd.s32 v15, v35;
	v33 =	vld [tilespmem:s1+$0xFFFFFFE0];
	_ =	sdelay $0x4  }
0x115: {  	[tilespmem:v42+s25+$0x0] =	vst.idx.msk $0xffff, v33  }
0x116: {  	s28 =	sadd.s32 $0x4, s20;
	v43 =	vadd.s32 v16, v35;
	v33 =	vld [tilespmem:s1+$0xFFFFFFF0]  }
0x117: {  	v44 =	vmov s28  }
0x118: {  	v35 =	vshrl.u32 v44, $0x3  }
0x119: {  	v35 =	vshll.u32 v35, v1  }
0x11a: {  	v35 =	vbroadcast v35, $0x0  }
0x11b: {  	[tilespmem:v43+s25+$0x0] =	vst.idx.msk $0xffff, v33  }
0x11c: {  	v45 =	vadd.s32 v17, v35;
	v33 =	vld [tilespmem:s1+$0x0];
	_ =	sdelay $0x4  }
0x11d: {  	[tilespmem:v45+s25+$0x0] =	vst.idx.msk $0xffff, v33  }
0x11e: {  	v46 =	vadd.s32 v18, v35;
	v33 =	vld [tilespmem:s1+$0x10];
	_ =	sdelay $0x4  }
0x11f: {  	[tilespmem:v46+s25+$0x0] =	vst.idx.msk $0xffff, v33  }
0x120: {  	v47 =	vadd.s32 v19, v35;
	v33 =	vld [tilespmem:s1+$0x20];
	_ =	sdelay $0x4  }
0x121: {  	[tilespmem:v47+s25+$0x0] =	vst.idx.msk $0xffff, v33  }
0x122: {  	s13 =	sadd.s32 $0x5, s20;
	v48 =	vadd.s32 v20, v35;
	v33 =	vld [tilespmem:s1+$0x30]  }
0x123: {  	v49 =	vmov s13  }
0x124: {  	v35 =	vshrl.u32 v49, $0x3  }
0x125: {  	v35 =	vshll.u32 v35, v1  }
0x126: {  	v35 =	vbroadcast v35, $0x0  }
0x127: {  	[tilespmem:v48+s25+$0x0] =	vst.idx.msk $0xffff, v33  }
0x128: {  	v50 =	vadd.s32 v21, v35;
	v33 =	vld [tilespmem:s1+$0x40];
	_ =	sdelay $0x4  }
0x129: {  	[tilespmem:v50+s25+$0x0] =	vst.idx.msk $0xffff, v33  }
0x12a: {  	v51 =	vadd.s32 v22, v35;
	v33 =	vld [tilespmem:s1+$0x50];
	_ =	sdelay $0x4  }
0x12b: {  	[tilespmem:v51+s25+$0x0] =	vst.idx.msk $0xffff, v33  }
0x12c: {  	v52 =	vadd.s32 v23, v35;
	v33 =	vld [tilespmem:s1+$0x60];
	_ =	sdelay $0x4  }
0x12d: {  	[tilespmem:v52+s25+$0x0] =	vst.idx.msk $0xffff, v33  }
0x12e: {  	s15 =	sadd.s32 $0x6, s20;
	v53 =	vadd.s32 v24, v35;
	v33 =	vld [tilespmem:s1+$0x70]  }
0x12f: {  	v54 =	vmov s15  }
0x130: {  	v35 =	vshrl.u32 v54, $0x3  }
0x131: {  	v35 =	vshll.u32 v35, v1  }
0x132: {  	v35 =	vbroadcast v35, $0x0  }
0x133: {  	[tilespmem:v53+s25+$0x0] =	vst.idx.msk $0xffff, v33  }
0x134: {  	v55 =	vadd.s32 v25, v35;
	v33 =	vld [tilespmem:s1+$0x80];
	_ =	sdelay $0x4  }
0x135: {  	[tilespmem:v55+s25+$0x0] =	vst.idx.msk $0xffff, v33  }
0x136: {  	v56 =	vadd.s32 v26, v35;
	v33 =	vld [tilespmem:s1+$0x90];
	_ =	sdelay $0x4  }
0x137: {  	[tilespmem:v56+s25+$0x0] =	vst.idx.msk $0xffff, v33  }
0x138: {  	v57 =	vadd.s32 v27, v35;
	v33 =	vld [tilespmem:s1+$0xA0];
	_ =	sdelay $0x4  }
0x139: {  	[tilespmem:v57+s25+$0x0] =	vst.idx.msk $0xffff, v33  }
0x13a: {  	s20 =	sadd.s32 $0x7, s20;
	v58 =	vadd.s32 v28, v35;
	v33 =	vld [tilespmem:s1+$0xB0]  }
0x13b: {  	v59 =	vmov s20  }
0x13c: {  	v35 =	vshrl.u32 v59, $0x3  }
0x13d: {  	v35 =	vshll.u32 v35, v1  }
0x13e: {  	v35 =	vbroadcast v35, $0x0  }
0x13f: {  	[tilespmem:v58+s25+$0x0] =	vst.idx.msk $0xffff, v33  }
0x140: {  	v60 =	vadd.s32 v29, v35;
	v33 =	vld [tilespmem:s1+$0xC0];
	_ =	sdelay $0x4  }
0x141: {  	[tilespmem:v60+s25+$0x0] =	vst.idx.msk $0xffff, v33  }
0x142: {  	v61 =	vadd.s32 v30, v35;
	v33 =	vld [tilespmem:s1+$0xD0];
	_ =	sdelay $0x4  }
0x143: {  	[tilespmem:v61+s25+$0x0] =	vst.idx.msk $0xffff, v33  }
0x144: {  	v62 =	vadd.s32 v31, v35;
	v33 =	vld [tilespmem:s1+$0xE0];
	_ =	sdelay $0x4  }
0x145: {  	[tilespmem:v62+s25+$0x0] =	vst.idx.msk $0xffff, v33  }
0x146: {  	v63 =	vadd.s32 v32, v35;
	v33 =	vld [tilespmem:s1+$0xF0];
	_ =	sdelay $0x3  }
0x147: {  	s26 =	rddreg [dreg:$0x2]  }
0x148: {  	s28 =	simm.s32 $0x8400;
	s2 =	simm.s32 $0x420;
	s1 =	sadd.s32 s26, s10;
	[tilespmem:v63+s25+$0x0] =	vst.idx.msk $0xffff, v33  }
0x149: {  	[hbm4b:s1+s4] =	stream.linear.scatter [tilespmem:s28], [sflag:$0x9], $0x100, $0x38;
	[tilespmem:$0x10800] =	vst v63  }
.LBB2_5:
0x14a: {  	p1 =	sne.s32 s2, $0x103E0  }
.Ltmp3:
0x14b: {  	_ = 	snop;
	(pc) =	sbr.rel @p1 .LBB2_5-.Ltmp3, $4  }
0x14c: {  	_ = 	snop  }
0x14d: {  	s10 =	sshra.s32 s2, $0x2;
	s2 =	sadd.s32 $0x420, s2  }
0x14e: {  	s1 =	sadd.s32 $0x800, s1;
	s10 =	sadd.s32 $0x8400, s10  }
0x14f: {  	[hbm4b:s1+s4] =	stream.linear.scatter [tilespmem:s10], [sflag:$0x9], $0x100, $0x38;
	[tilespmem:$0x10800] =	vst v63  }
.Ltmp4:
0x150: {  	(pc) =	sbr.rel @p0 .LBB2_2-.Ltmp4, $4  }
0x151: {  	_ = 	snop  }
0x152: {  	_ =	swait.ge [sflag:s21], $0x4000  }
0x153: {  	[sflag:s21] =	ssyncset.done $0x0  }
0x154: {  	s1 =	simm.s32 $0x100;
	p1 =	por $0x0, $0x0;
	[sflag:s21] =	ssyncadd.s32 $0xFFFFC000  }
0x155: {  	s13 =	simm.s32 $0x0;
	s1 =	rddreg [dreg:$0x4]  }
0x156: {  	[tilespmem:s13], [sflag:$0x1] =	stream.linear.gather [hbm4b:s1+s13], $0x100, $0x38;
	[tilespmem:$0x10800] =	vst v63  }
0x157: {  	s15 =	rddreg [dreg:$0x5]  }
0x158: {  	[tilespmem:s22], [sflag:$0x2] =	stream.linear.gather [hbm4b:s15+s13], $0x100, $0x38;
	[tilespmem:$0x10800] =	vst v63  }
0x159: {  	s20 =	rddreg [dreg:$0x6];
	s2 =	simm.s32 $0x200  }
0x15a: {  	[tilespmem:s2], [sflag:$0x3] =	stream.linear.gather [hbm4b:s20+s13], $0x100, $0x38;
	[tilespmem:$0x10800] =	vst v63  }
0x15b: {  	s26 =	rddreg [dreg:$0x8];
	s28 =	simm.s32 $0x300  }
0x15c: {  	[tilespmem:s28], [sflag:$0x4] =	stream.linear.gather [hbm4b:s26+s13], $0x100, $0x38;
	[tilespmem:$0x10800] =	vst v63  }
.LBB2_8:
0x15d: {  	p0 =	sne.s32 s13, $0x64  }
.Ltmp5:
0x15e: {  	_ = 	snop;
	(pc) =	sbr.rel @p0 .LBB2_10-.Ltmp5, $1  }
0x15f: {  	_ =	sdelay $0x3  }
.Ltmp6:
0x160: {  	(pc) =	sbr.rel .LBB2_12-.Ltmp6, $4  }
0x161: {  	_ = 	snop  }
0x162: {  	_ =	swait.ge [sflag:s29], $0x4000  }
0x163: {  	[sflag:s29] =	ssyncset.done $0x0  }
0x164: {  	s10 =	simm.s32 $0x18F;
	[sflag:s29] =	ssyncadd.s32 $0xFFFFC000  }
.LBB2_10:
0x165: {  	s1 =	sshll.u32 s13, $0x2  }
0x166: {  	s10 =	sadd.s32 $0xFFFFFFFF, s1  }
0x167: {  	p0 =	sgt.u32 s10, $0x18F  }
.Ltmp7:
0x168: {  	s2 =	simm.s32 $0x1;
	(pc) =	sbr.rel @p0 .LBB2_18-.Ltmp7, $4  }
0x169: {  	_ =	swait.ge [sflag:s2], $0x100  }
0x16a: {  	[sflag:s2] =	ssyncset.done $0x0  }
0x16b: {  	[sflag:s2] =	ssyncadd.s32 $0xFFFFFF00  }
0x16c: {  	[tilespmem:s23], [sflag:$0x5] =	stream.indirect.gather [hbm4b:s8+s22], $0x40, s4, s22, $0xb8;
	[tilespmem:$0x10800] =	vst v63  }
0x16d: {  	p0 =	seq.s32 s13, $0x0  }
.Ltmp8:
0x16e: {  	s1 =	sshll.u32 s13, $0xF;
	(pc) =	sbr.rel @p0 .LBB2_13-.Ltmp8, $4  }
0x16f: {  	_ =	swait.ge [sflag:s29], $0x4000;
	s1 =	sor.u32 s7, s1  }
0x170: {  	[sflag:s29] =	ssyncset.done $0x0;
	s2 =	rddreg [dreg:$0x7];
	s1 =	sshrl.u32 s1, $0x3  }
0x171: {  	s28 =	simm.s32 $0x300;
	[sflag:s29] =	ssyncadd.s32 $0xFFFFC000;
	s1 =	sadd.s32 s1, s2  }
0x172: {  	[tilespmem:s28], [sflag:$0x4] =	stream.linear.gather [hbm4b:s1+s4], $0x100, $0x38;
	[tilespmem:$0x10800] =	vst v63  }
.LBB2_12:
0x173: {  	_ =	swait.ge [sflag:s30], $0x4000  }
0x174: {  	[sflag:s30] =	ssyncset.done $0x0  }
0x175: {  	[sflag:s30] =	ssyncadd.s32 $0xFFFFC000  }
.LBB2_13:
0x176: {  	s1 =	simm.s32 $0x0  }
0x177: {  	v33 =	vmov s1  }
0x178: {  	v33 =	vshrl.u32 v33, $0x3  }
0x179: {  	v33 =	vshll.u32 v33, v1  }
0x17a: {  	v33 =	vbroadcast v33, $0x0  }
0x17b: {  	s26 =	simm.s32 $0x4500  }
0x17c: {  	v34 =	vld [tilespmem:s26+$0xFFFFFF00];
	v35 =	vadd.s32 v0, v33;
	_ =	sdelay $0x4  }
0x17d: {  	[tilespmem:v35+s31+$0x0] =	vst.idx.msk $0xffff, v34  }
0x17e: {  	v56 =	vadd.s32 v2, v33;
	v34 =	vld [tilespmem:s26+$0xFFFFFF10];
	_ =	sdelay $0x4  }
0x17f: {  	[tilespmem:v56+s31+$0x0] =	vst.idx.msk $0xffff, v34  }
0x180: {  	v57 =	vadd.s32 v3, v33;
	v34 =	vld [tilespmem:s26+$0xFFFFFF20];
	_ =	sdelay $0x4  }
0x181: {  	[tilespmem:v57+s31+$0x0] =	vst.idx.msk $0xffff, v34  }
0x182: {  	s15 =	simm.s32 $0x1;
	v33 =	vadd.s32 v4, v33;
	v34 =	vld [tilespmem:s26+$0xFFFFFF30]  }
0x183: {  	v58 =	vmov s15  }
0x184: {  	v35 =	vshrl.u32 v58, $0x3  }
0x185: {  	v35 =	vshll.u32 v35, v1  }
0x186: {  	v35 =	vbroadcast v35, $0x0  }
0x187: {  	[tilespmem:v33+s31+$0x0] =	vst.idx.msk $0xffff, v34  }
0x188: {  	v59 =	vadd.s32 v5, v35;
	v33 =	vld [tilespmem:s26+$0xFFFFFF40];
	_ =	sdelay $0x4  }
0x189: {  	[tilespmem:v59+s31+$0x0] =	vst.idx.msk $0xffff, v33  }
0x18a: {  	v60 =	vadd.s32 v6, v35;
	v33 =	vld [tilespmem:s26+$0xFFFFFF50];
	_ =	sdelay $0x4  }
0x18b: {  	[tilespmem:v60+s31+$0x0] =	vst.idx.msk $0xffff, v33  }
0x18c: {  	v61 =	vadd.s32 v7, v35;
	v33 =	vld [tilespmem:s26+$0xFFFFFF60];
	_ =	sdelay $0x4  }
0x18d: {  	[tilespmem:v61+s31+$0x0] =	vst.idx.msk $0xffff, v33  }
0x18e: {  	s20 =	simm.s32 $0x2;
	v62 =	vadd.s32 v8, v35;
	v33 =	vld [tilespmem:s26+$0xFFFFFF70]  }
0x18f: {  	v63 =	vmov s20  }
0x190: {  	v35 =	vshrl.u32 v63, $0x3  }
0x191: {  	v35 =	vshll.u32 v35, v1  }
0x192: {  	v35 =	vbroadcast v35, $0x0  }
0x193: {  	[tilespmem:v62+s31+$0x0] =	vst.idx.msk $0xffff, v33  }
0x194: {  	v36 =	vadd.s32 v9, v35;
	v33 =	vld [tilespmem:s26+$0xFFFFFF80];
	_ =	sdelay $0x4  }
0x195: {  	[tilespmem:v36+s31+$0x0] =	vst.idx.msk $0xffff, v33  }
0x196: {  	v37 =	vadd.s32 v10, v35;
	v33 =	vld [tilespmem:s26+$0xFFFFFF90];
	_ =	sdelay $0x4  }
0x197: {  	[tilespmem:v37+s31+$0x0] =	vst.idx.msk $0xffff, v33  }
0x198: {  	v38 =	vadd.s32 v11, v35;
	v33 =	vld [tilespmem:s26+$0xFFFFFFA0];
	_ =	sdelay $0x4  }
0x199: {  	[tilespmem:v38+s31+$0x0] =	vst.idx.msk $0xffff, v33  }
0x19a: {  	s28 =	simm.s32 $0x3;
	v39 =	vadd.s32 v12, v35;
	v33 =	vld [tilespmem:s26+$0xFFFFFFB0]  }
0x19b: {  	v40 =	vmov s28  }
0x19c: {  	v35 =	vshrl.u32 v40, $0x3  }
0x19d: {  	v35 =	vshll.u32 v35, v1  }
0x19e: {  	v35 =	vbroadcast v35, $0x0  }
0x19f: {  	[tilespmem:v39+s31+$0x0] =	vst.idx.msk $0xffff, v33  }
0x1a0: {  	v41 =	vadd.s32 v13, v35;
	v33 =	vld [tilespmem:s26+$0xFFFFFFC0];
	_ =	sdelay $0x4  }
0x1a1: {  	[tilespmem:v41+s31+$0x0] =	vst.idx.msk $0xffff, v33  }
0x1a2: {  	v42 =	vadd.s32 v14, v35;
	v33 =	vld [tilespmem:s26+$0xFFFFFFD0];
	_ =	sdelay $0x4  }
0x1a3: {  	[tilespmem:v42+s31+$0x0] =	vst.idx.msk $0xffff, v33  }
0x1a4: {  	v43 =	vadd.s32 v15, v35;
	v33 =	vld [tilespmem:s26+$0xFFFFFFE0];
	_ =	sdelay $0x4  }
0x1a5: {  	[tilespmem:v43+s31+$0x0] =	vst.idx.msk $0xffff, v33  }
0x1a6: {  	s2 =	simm.s32 $0x4;
	v44 =	vadd.s32 v16, v35;
	v33 =	vld [tilespmem:s26+$0xFFFFFFF0]  }
0x1a7: {  	v45 =	vmov s2  }
0x1a8: {  	v35 =	vshrl.u32 v45, $0x3  }
0x1a9: {  	v35 =	vshll.u32 v35, v1  }
0x1aa: {  	v35 =	vbroadcast v35, $0x0  }
0x1ab: {  	[tilespmem:v44+s31+$0x0] =	vst.idx.msk $0xffff, v33  }
0x1ac: {  	v46 =	vadd.s32 v17, v35;
	v33 =	vld [tilespmem:s26+$0x0];
	_ =	sdelay $0x4  }
0x1ad: {  	[tilespmem:v46+s31+$0x0] =	vst.idx.msk $0xffff, v33  }
0x1ae: {  	v47 =	vadd.s32 v18, v35;
	v33 =	vld [tilespmem:s26+$0x10];
	_ =	sdelay $0x4  }
0x1af: {  	[tilespmem:v47+s31+$0x0] =	vst.idx.msk $0xffff, v33  }
0x1b0: {  	v48 =	vadd.s32 v19, v35;
	v33 =	vld [tilespmem:s26+$0x20];
	_ =	sdelay $0x4  }
0x1b1: {  	[tilespmem:v48+s31+$0x0] =	vst.idx.msk $0xffff, v33  }
0x1b2: {  	s15 =	simm.s32 $0x5;
	v49 =	vadd.s32 v20, v35;
	v33 =	vld [tilespmem:s26+$0x30]  }
0x1b3: {  	v50 =	vmov s15  }
0x1b4: {  	v35 =	vshrl.u32 v50, $0x3  }
0x1b5: {  	v35 =	vshll.u32 v35, v1  }
0x1b6: {  	v35 =	vbroadcast v35, $0x0  }
0x1b7: {  	[tilespmem:v49+s31+$0x0] =	vst.idx.msk $0xffff, v33  }
0x1b8: {  	v51 =	vadd.s32 v21, v35;
	v33 =	vld [tilespmem:s26+$0x40];
	_ =	sdelay $0x4  }
0x1b9: {  	[tilespmem:v51+s31+$0x0] =	vst.idx.msk $0xffff, v33  }
0x1ba: {  	v52 =	vadd.s32 v22, v35;
	v33 =	vld [tilespmem:s26+$0x50];
	_ =	sdelay $0x4  }
0x1bb: {  	[tilespmem:v52+s31+$0x0] =	vst.idx.msk $0xffff, v33  }
0x1bc: {  	v53 =	vadd.s32 v23, v35;
	v33 =	vld [tilespmem:s26+$0x60];
	_ =	sdelay $0x4  }
0x1bd: {  	[tilespmem:v53+s31+$0x0] =	vst.idx.msk $0xffff, v33  }
0x1be: {  	s20 =	simm.s32 $0x6;
	v54 =	vadd.s32 v24, v35;
	v33 =	vld [tilespmem:s26+$0x70]  }
0x1bf: {  	v55 =	vmov s20  }
0x1c0: {  	v35 =	vshrl.u32 v55, $0x3  }
0x1c1: {  	v35 =	vshll.u32 v35, v1  }
0x1c2: {  	v35 =	vbroadcast v35, $0x0  }
0x1c3: {  	[tilespmem:v54+s31+$0x0] =	vst.idx.msk $0xffff, v33  }
0x1c4: {  	v56 =	vadd.s32 v25, v35;
	v33 =	vld [tilespmem:s26+$0x80];
	_ =	sdelay $0x4  }
0x1c5: {  	[tilespmem:v56+s31+$0x0] =	vst.idx.msk $0xffff, v33  }
0x1c6: {  	v57 =	vadd.s32 v26, v35;
	v33 =	vld [tilespmem:s26+$0x90];
	_ =	sdelay $0x4  }
0x1c7: {  	[tilespmem:v57+s31+$0x0] =	vst.idx.msk $0xffff, v33  }
0x1c8: {  	v58 =	vadd.s32 v27, v35;
	v33 =	vld [tilespmem:s26+$0xA0];
	_ =	sdelay $0x4  }
0x1c9: {  	[tilespmem:v58+s31+$0x0] =	vst.idx.msk $0xffff, v33  }
0x1ca: {  	s28 =	simm.s32 $0x7;
	v59 =	vadd.s32 v28, v35;
	v33 =	vld [tilespmem:s26+$0xB0]  }
0x1cb: {  	v60 =	vmov s28  }
0x1cc: {  	v35 =	vshrl.u32 v60, $0x3  }
0x1cd: {  	v35 =	vshll.u32 v35, v1  }
0x1ce: {  	v35 =	vbroadcast v35, $0x0  }
0x1cf: {  	[tilespmem:v59+s31+$0x0] =	vst.idx.msk $0xffff, v33  }
0x1d0: {  	v61 =	vadd.s32 v29, v35;
	v33 =	vld [tilespmem:s26+$0xC0];
	_ =	sdelay $0x4  }
0x1d1: {  	[tilespmem:v61+s31+$0x0] =	vst.idx.msk $0xffff, v33  }
0x1d2: {  	v62 =	vadd.s32 v30, v35;
	v33 =	vld [tilespmem:s26+$0xD0];
	_ =	sdelay $0x4  }
0x1d3: {  	[tilespmem:v62+s31+$0x0] =	vst.idx.msk $0xffff, v33  }
0x1d4: {  	v63 =	vadd.s32 v31, v35;
	v33 =	vld [tilespmem:s26+$0xE0];
	_ =	sdelay $0x4  }
0x1d5: {  	[tilespmem:v63+s31+$0x0] =	vst.idx.msk $0xffff, v33  }
0x1d6: {  	s20 =	simm.s32 $0x8;
	v34 =	vadd.s32 v32, v35;
	v33 =	vld [tilespmem:s26+$0xF0]  }
0x1d7: {  	s1 =	simm.s32 $0x10;
	v35 =	vmov s20  }
.LBB2_14:
0x1d8: {  	p0 =	slt.u32 s1, $0xF8;
	v35 =	vshrl.u32 v35, $0x3  }
0x1d9: {  	v35 =	vshll.u32 v35, v1  }
0x1da: {  	v35 =	vbroadcast v35, $0x0  }
0x1db: {  	s26 =	sadd.s32 $0x200, s26;
	[tilespmem:v34+s31+$0x0] =	vst.idx.msk $0xffff, v33  }
0x1dc: {  	v33 =	vld [tilespmem:s26+$0xFFFFFF00];
	v34 =	vadd.s32 v0, v35;
	_ =	sdelay $0x4  }
0x1dd: {  	[tilespmem:v34+s31+$0x0] =	vst.idx.msk $0xffff, v33  }
0x1de: {  	v34 =	vadd.s32 v2, v35;
	v33 =	vld [tilespmem:s26+$0xFFFFFF10];
	_ =	sdelay $0x4  }
0x1df: {  	[tilespmem:v34+s31+$0x0] =	vst.idx.msk $0xffff, v33  }
0x1e0: {  	v34 =	vadd.s32 v3, v35;
	v33 =	vld [tilespmem:s26+$0xFFFFFF20];
	_ =	sdelay $0x4  }
0x1e1: {  	[tilespmem:v34+s31+$0x0] =	vst.idx.msk $0xffff, v33  }
0x1e2: {  	s2 =	sadd.s32 $0x1, s20;
	v34 =	vadd.s32 v4, v35;
	v33 =	vld [tilespmem:s26+$0xFFFFFF30]  }
0x1e3: {  	v35 =	vmov s2  }
0x1e4: {  	v35 =	vshrl.u32 v35, $0x3  }
0x1e5: {  	v35 =	vshll.u32 v35, v1  }
0x1e6: {  	v35 =	vbroadcast v35, $0x0  }
0x1e7: {  	[tilespmem:v34+s31+$0x0] =	vst.idx.msk $0xffff, v33  }
0x1e8: {  	v34 =	vadd.s32 v5, v35;
	v33 =	vld [tilespmem:s26+$0xFFFFFF40];
	_ =	sdelay $0x4  }
0x1e9: {  	[tilespmem:v34+s31+$0x0] =	vst.idx.msk $0xffff, v33  }
0x1ea: {  	v34 =	vadd.s32 v6, v35;
	v33 =	vld [tilespmem:s26+$0xFFFFFF50];
	_ =	sdelay $0x4  }
0x1eb: {  	[tilespmem:v34+s31+$0x0] =	vst.idx.msk $0xffff, v33  }
0x1ec: {  	v34 =	vadd.s32 v7, v35;
	v33 =	vld [tilespmem:s26+$0xFFFFFF60];
	_ =	sdelay $0x4  }
0x1ed: {  	[tilespmem:v34+s31+$0x0] =	vst.idx.msk $0xffff, v33  }
0x1ee: {  	s2 =	sadd.s32 $0x2, s20;
	v34 =	vadd.s32 v8, v35;
	v33 =	vld [tilespmem:s26+$0xFFFFFF70]  }
0x1ef: {  	v35 =	vmov s2  }
0x1f0: {  	v35 =	vshrl.u32 v35, $0x3  }
0x1f1: {  	v35 =	vshll.u32 v35, v1  }
0x1f2: {  	v35 =	vbroadcast v35, $0x0  }
0x1f3: {  	[tilespmem:v34+s31+$0x0] =	vst.idx.msk $0xffff, v33  }
0x1f4: {  	v34 =	vadd.s32 v9, v35;
	v33 =	vld [tilespmem:s26+$0xFFFFFF80];
	_ =	sdelay $0x4  }
0x1f5: {  	[tilespmem:v34+s31+$0x0] =	vst.idx.msk $0xffff, v33  }
0x1f6: {  	v34 =	vadd.s32 v10, v35;
	v33 =	vld [tilespmem:s26+$0xFFFFFF90];
	_ =	sdelay $0x4  }
0x1f7: {  	[tilespmem:v34+s31+$0x0] =	vst.idx.msk $0xffff, v33  }
0x1f8: {  	v34 =	vadd.s32 v11, v35;
	v33 =	vld [tilespmem:s26+$0xFFFFFFA0];
	_ =	sdelay $0x4  }
0x1f9: {  	[tilespmem:v34+s31+$0x0] =	vst.idx.msk $0xffff, v33  }
0x1fa: {  	s2 =	sadd.s32 $0x3, s20;
	v34 =	vadd.s32 v12, v35;
	v33 =	vld [tilespmem:s26+$0xFFFFFFB0]  }
0x1fb: {  	v35 =	vmov s2  }
0x1fc: {  	v35 =	vshrl.u32 v35, $0x3  }
0x1fd: {  	v35 =	vshll.u32 v35, v1  }
0x1fe: {  	v35 =	vbroadcast v35, $0x0  }
0x1ff: {  	[tilespmem:v34+s31+$0x0] =	vst.idx.msk $0xffff, v33  }
0x200: {  	v34 =	vadd.s32 v13, v35;
	v33 =	vld [tilespmem:s26+$0xFFFFFFC0];
	_ =	sdelay $0x4  }
0x201: {  	[tilespmem:v34+s31+$0x0] =	vst.idx.msk $0xffff, v33  }
0x202: {  	v34 =	vadd.s32 v14, v35;
	v33 =	vld [tilespmem:s26+$0xFFFFFFD0];
	_ =	sdelay $0x4  }
0x203: {  	[tilespmem:v34+s31+$0x0] =	vst.idx.msk $0xffff, v33  }
0x204: {  	v34 =	vadd.s32 v15, v35;
	v33 =	vld [tilespmem:s26+$0xFFFFFFE0];
	_ =	sdelay $0x4  }
0x205: {  	[tilespmem:v34+s31+$0x0] =	vst.idx.msk $0xffff, v33  }
0x206: {  	s2 =	sadd.s32 $0x4, s20;
	v34 =	vadd.s32 v16, v35;
	v33 =	vld [tilespmem:s26+$0xFFFFFFF0]  }
0x207: {  	v35 =	vmov s2  }
0x208: {  	v35 =	vshrl.u32 v35, $0x3  }
0x209: {  	v35 =	vshll.u32 v35, v1  }
0x20a: {  	v35 =	vbroadcast v35, $0x0  }
0x20b: {  	[tilespmem:v34+s31+$0x0] =	vst.idx.msk $0xffff, v33  }
0x20c: {  	v34 =	vadd.s32 v17, v35;
	v33 =	vld [tilespmem:s26+$0x0];
	_ =	sdelay $0x4  }
0x20d: {  	[tilespmem:v34+s31+$0x0] =	vst.idx.msk $0xffff, v33  }
0x20e: {  	v34 =	vadd.s32 v18, v35;
	v33 =	vld [tilespmem:s26+$0x10];
	_ =	sdelay $0x4  }
0x20f: {  	[tilespmem:v34+s31+$0x0] =	vst.idx.msk $0xffff, v33  }
0x210: {  	v34 =	vadd.s32 v19, v35;
	v33 =	vld [tilespmem:s26+$0x20];
	_ =	sdelay $0x4  }
0x211: {  	[tilespmem:v34+s31+$0x0] =	vst.idx.msk $0xffff, v33  }
0x212: {  	s2 =	sadd.s32 $0x5, s20;
	v34 =	vadd.s32 v20, v35;
	v33 =	vld [tilespmem:s26+$0x30]  }
0x213: {  	v35 =	vmov s2  }
0x214: {  	v35 =	vshrl.u32 v35, $0x3  }
0x215: {  	v35 =	vshll.u32 v35, v1  }
0x216: {  	v35 =	vbroadcast v35, $0x0  }
0x217: {  	[tilespmem:v34+s31+$0x0] =	vst.idx.msk $0xffff, v33  }
0x218: {  	v34 =	vadd.s32 v21, v35;
	v33 =	vld [tilespmem:s26+$0x40];
	_ =	sdelay $0x4  }
0x219: {  	[tilespmem:v34+s31+$0x0] =	vst.idx.msk $0xffff, v33  }
0x21a: {  	v34 =	vadd.s32 v22, v35;
	v33 =	vld [tilespmem:s26+$0x50];
	_ =	sdelay $0x4  }
0x21b: {  	[tilespmem:v34+s31+$0x0] =	vst.idx.msk $0xffff, v33  }
0x21c: {  	v34 =	vadd.s32 v23, v35;
	v33 =	vld [tilespmem:s26+$0x60];
	_ =	sdelay $0x4  }
0x21d: {  	[tilespmem:v34+s31+$0x0] =	vst.idx.msk $0xffff, v33  }
0x21e: {  	s2 =	sadd.s32 $0x6, s20;
	v34 =	vadd.s32 v24, v35;
	v33 =	vld [tilespmem:s26+$0x70]  }
0x21f: {  	v35 =	vmov s2  }
0x220: {  	v35 =	vshrl.u32 v35, $0x3  }
0x221: {  	v35 =	vshll.u32 v35, v1  }
0x222: {  	v35 =	vbroadcast v35, $0x0  }
0x223: {  	[tilespmem:v34+s31+$0x0] =	vst.idx.msk $0xffff, v33  }
0x224: {  	v34 =	vadd.s32 v25, v35;
	v33 =	vld [tilespmem:s26+$0x80];
	_ =	sdelay $0x4  }
0x225: {  	[tilespmem:v34+s31+$0x0] =	vst.idx.msk $0xffff, v33  }
0x226: {  	v34 =	vadd.s32 v26, v35;
	v33 =	vld [tilespmem:s26+$0x90];
	_ =	sdelay $0x4  }
0x227: {  	[tilespmem:v34+s31+$0x0] =	vst.idx.msk $0xffff, v33  }
0x228: {  	v34 =	vadd.s32 v27, v35;
	v33 =	vld [tilespmem:s26+$0xA0];
	_ =	sdelay $0x4  }
0x229: {  	[tilespmem:v34+s31+$0x0] =	vst.idx.msk $0xffff, v33  }
0x22a: {  	s2 =	sadd.s32 $0x7, s20;
	s20 =	smov.u32 s1;
	v34 =	vadd.s32 v28, v35;
	v33 =	vld [tilespmem:s26+$0xB0]  }
0x22b: {  	v35 =	vmov s2  }
0x22c: {  	v35 =	vshrl.u32 v35, $0x3  }
0x22d: {  	v35 =	vshll.u32 v35, v1  }
0x22e: {  	v35 =	vbroadcast v35, $0x0  }
0x22f: {  	[tilespmem:v34+s31+$0x0] =	vst.idx.msk $0xffff, v33  }
0x230: {  	v34 =	vadd.s32 v29, v35;
	v33 =	vld [tilespmem:s26+$0xC0];
	_ =	sdelay $0x4  }
0x231: {  	[tilespmem:v34+s31+$0x0] =	vst.idx.msk $0xffff, v33  }
0x232: {  	v34 =	vadd.s32 v30, v35;
	v33 =	vld [tilespmem:s26+$0xD0];
	_ =	sdelay $0x4  }
0x233: {  	[tilespmem:v34+s31+$0x0] =	vst.idx.msk $0xffff, v33  }
0x234: {  	v34 =	vadd.s32 v31, v35;
	v33 =	vld [tilespmem:s26+$0xE0];
	_ =	sdelay $0x2  }
.Ltmp9:
0x235: {  	(pc) =	sbr.rel @p0 .LBB2_14-.Ltmp9, $4  }
0x236: {  	_ = 	snop  }
0x237: {  	[tilespmem:v34+s31+$0x0] =	vst.idx.msk $0xffff, v33  }
0x238: {  	v34 =	vadd.s32 v32, v35;
	v33 =	vld [tilespmem:s26+$0xF0]  }
0x239: {  	s1 =	sadd.s32 $0x8, s1;
	v35 =	vmov s20  }
0x23a: {  	_ = 	snop  }
0x23b: {  	v35 =	vshrl.u32 v35, $0x3  }
0x23c: {  	v35 =	vshll.u32 v35, v1  }
0x23d: {  	v35 =	vbroadcast v35, $0x0  }
0x23e: {  	s1 =	sadd.s32 $0x200, s26;
	[tilespmem:v34+s31+$0x0] =	vst.idx.msk $0xffff, v33  }
0x23f: {  	v33 =	vld [tilespmem:s1+$0xFFFFFF00];
	v53 =	vadd.s32 v0, v35;
	_ =	sdelay $0x4  }
0x240: {  	[tilespmem:v53+s31+$0x0] =	vst.idx.msk $0xffff, v33  }
0x241: {  	v54 =	vadd.s32 v2, v35;
	v33 =	vld [tilespmem:s1+$0xFFFFFF10];
	_ =	sdelay $0x4  }
0x242: {  	[tilespmem:v54+s31+$0x0] =	vst.idx.msk $0xffff, v33  }
0x243: {  	v55 =	vadd.s32 v3, v35;
	v33 =	vld [tilespmem:s1+$0xFFFFFF20];
	_ =	sdelay $0x4  }
0x244: {  	[tilespmem:v55+s31+$0x0] =	vst.idx.msk $0xffff, v33  }
0x245: {  	s2 =	sadd.s32 $0x1, s20;
	v56 =	vadd.s32 v4, v35;
	v33 =	vld [tilespmem:s1+$0xFFFFFF30]  }
0x246: {  	v57 =	vmov s2  }
0x247: {  	v35 =	vshrl.u32 v57, $0x3  }
0x248: {  	v35 =	vshll.u32 v35, v1  }
0x249: {  	v35 =	vbroadcast v35, $0x0  }
0x24a: {  	[tilespmem:v56+s31+$0x0] =	vst.idx.msk $0xffff, v33  }
0x24b: {  	v58 =	vadd.s32 v5, v35;
	v33 =	vld [tilespmem:s1+$0xFFFFFF40];
	_ =	sdelay $0x4  }
0x24c: {  	[tilespmem:v58+s31+$0x0] =	vst.idx.msk $0xffff, v33  }
0x24d: {  	v59 =	vadd.s32 v6, v35;
	v33 =	vld [tilespmem:s1+$0xFFFFFF50];
	_ =	sdelay $0x4  }
0x24e: {  	[tilespmem:v59+s31+$0x0] =	vst.idx.msk $0xffff, v33  }
0x24f: {  	v60 =	vadd.s32 v7, v35;
	v33 =	vld [tilespmem:s1+$0xFFFFFF60];
	_ =	sdelay $0x4  }
0x250: {  	[tilespmem:v60+s31+$0x0] =	vst.idx.msk $0xffff, v33  }
0x251: {  	s28 =	sadd.s32 $0x2, s20;
	v61 =	vadd.s32 v8, v35;
	v33 =	vld [tilespmem:s1+$0xFFFFFF70]  }
0x252: {  	v62 =	vmov s28  }
0x253: {  	v35 =	vshrl.u32 v62, $0x3  }
0x254: {  	v35 =	vshll.u32 v35, v1  }
0x255: {  	v35 =	vbroadcast v35, $0x0  }
0x256: {  	[tilespmem:v61+s31+$0x0] =	vst.idx.msk $0xffff, v33  }
0x257: {  	v63 =	vadd.s32 v9, v35;
	v33 =	vld [tilespmem:s1+$0xFFFFFF80];
	_ =	sdelay $0x4  }
0x258: {  	[tilespmem:v63+s31+$0x0] =	vst.idx.msk $0xffff, v33  }
0x259: {  	v36 =	vadd.s32 v10, v35;
	v33 =	vld [tilespmem:s1+$0xFFFFFF90];
	_ =	sdelay $0x4  }
0x25a: {  	[tilespmem:v36+s31+$0x0] =	vst.idx.msk $0xffff, v33  }
0x25b: {  	v37 =	vadd.s32 v11, v35;
	v33 =	vld [tilespmem:s1+$0xFFFFFFA0];
	_ =	sdelay $0x4  }
0x25c: {  	[tilespmem:v37+s31+$0x0] =	vst.idx.msk $0xffff, v33  }
0x25d: {  	s15 =	sadd.s32 $0x3, s20;
	v38 =	vadd.s32 v12, v35;
	v33 =	vld [tilespmem:s1+$0xFFFFFFB0]  }
0x25e: {  	v39 =	vmov s15  }
0x25f: {  	v35 =	vshrl.u32 v39, $0x3  }
0x260: {  	v35 =	vshll.u32 v35, v1  }
0x261: {  	v35 =	vbroadcast v35, $0x0  }
0x262: {  	[tilespmem:v38+s31+$0x0] =	vst.idx.msk $0xffff, v33  }
0x263: {  	v40 =	vadd.s32 v13, v35;
	v33 =	vld [tilespmem:s1+$0xFFFFFFC0];
	_ =	sdelay $0x4  }
0x264: {  	[tilespmem:v40+s31+$0x0] =	vst.idx.msk $0xffff, v33  }
0x265: {  	v41 =	vadd.s32 v14, v35;
	v33 =	vld [tilespmem:s1+$0xFFFFFFD0];
	_ =	sdelay $0x4  }
0x266: {  	[tilespmem:v41+s31+$0x0] =	vst.idx.msk $0xffff, v33  }
0x267: {  	v42 =	vadd.s32 v15, v35;
	v33 =	vld [tilespmem:s1+$0xFFFFFFE0];
	_ =	sdelay $0x4  }
0x268: {  	[tilespmem:v42+s31+$0x0] =	vst.idx.msk $0xffff, v33  }
0x269: {  	s26 =	sadd.s32 $0x4, s20;
	v43 =	vadd.s32 v16, v35;
	v33 =	vld [tilespmem:s1+$0xFFFFFFF0]  }
0x26a: {  	v44 =	vmov s26  }
0x26b: {  	v35 =	vshrl.u32 v44, $0x3  }
0x26c: {  	v35 =	vshll.u32 v35, v1  }
0x26d: {  	v35 =	vbroadcast v35, $0x0  }
0x26e: {  	[tilespmem:v43+s31+$0x0] =	vst.idx.msk $0xffff, v33  }
0x26f: {  	v45 =	vadd.s32 v17, v35;
	v33 =	vld [tilespmem:s1+$0x0];
	_ =	sdelay $0x4  }
0x270: {  	[tilespmem:v45+s31+$0x0] =	vst.idx.msk $0xffff, v33  }
0x271: {  	v46 =	vadd.s32 v18, v35;
	v33 =	vld [tilespmem:s1+$0x10];
	_ =	sdelay $0x4  }
0x272: {  	[tilespmem:v46+s31+$0x0] =	vst.idx.msk $0xffff, v33  }
0x273: {  	v47 =	vadd.s32 v19, v35;
	v33 =	vld [tilespmem:s1+$0x20];
	_ =	sdelay $0x4  }
0x274: {  	[tilespmem:v47+s31+$0x0] =	vst.idx.msk $0xffff, v33  }
0x275: {  	s28 =	sadd.s32 $0x5, s20;
	v48 =	vadd.s32 v20, v35;
	v33 =	vld [tilespmem:s1+$0x30]  }
0x276: {  	v49 =	vmov s28  }
0x277: {  	v35 =	vshrl.u32 v49, $0x3  }
0x278: {  	v35 =	vshll.u32 v35, v1  }
0x279: {  	v35 =	vbroadcast v35, $0x0  }
0x27a: {  	[tilespmem:v48+s31+$0x0] =	vst.idx.msk $0xffff, v33  }
0x27b: {  	v50 =	vadd.s32 v21, v35;
	v33 =	vld [tilespmem:s1+$0x40];
	_ =	sdelay $0x4  }
0x27c: {  	[tilespmem:v50+s31+$0x0] =	vst.idx.msk $0xffff, v33  }
0x27d: {  	v51 =	vadd.s32 v22, v35;
	v33 =	vld [tilespmem:s1+$0x50];
	_ =	sdelay $0x4  }
0x27e: {  	[tilespmem:v51+s31+$0x0] =	vst.idx.msk $0xffff, v33  }
0x27f: {  	v52 =	vadd.s32 v23, v35;
	v33 =	vld [tilespmem:s1+$0x60];
	_ =	sdelay $0x4  }
0x280: {  	[tilespmem:v52+s31+$0x0] =	vst.idx.msk $0xffff, v33  }
0x281: {  	s15 =	sadd.s32 $0x6, s20;
	v53 =	vadd.s32 v24, v35;
	v33 =	vld [tilespmem:s1+$0x70]  }
0x282: {  	v54 =	vmov s15  }
0x283: {  	v35 =	vshrl.u32 v54, $0x3  }
0x284: {  	v35 =	vshll.u32 v35, v1  }
0x285: {  	v35 =	vbroadcast v35, $0x0  }
0x286: {  	[tilespmem:v53+s31+$0x0] =	vst.idx.msk $0xffff, v33  }
0x287: {  	v55 =	vadd.s32 v25, v35;
	v33 =	vld [tilespmem:s1+$0x80];
	_ =	sdelay $0x4  }
0x288: {  	[tilespmem:v55+s31+$0x0] =	vst.idx.msk $0xffff, v33  }
0x289: {  	v56 =	vadd.s32 v26, v35;
	v33 =	vld [tilespmem:s1+$0x90];
	_ =	sdelay $0x4  }
0x28a: {  	[tilespmem:v56+s31+$0x0] =	vst.idx.msk $0xffff, v33  }
0x28b: {  	v57 =	vadd.s32 v27, v35;
	v33 =	vld [tilespmem:s1+$0xA0];
	_ =	sdelay $0x4  }
0x28c: {  	[tilespmem:v57+s31+$0x0] =	vst.idx.msk $0xffff, v33  }
0x28d: {  	s20 =	sadd.s32 $0x7, s20;
	v58 =	vadd.s32 v28, v35;
	v33 =	vld [tilespmem:s1+$0xB0]  }
0x28e: {  	v59 =	vmov s20  }
0x28f: {  	v35 =	vshrl.u32 v59, $0x3  }
0x290: {  	v35 =	vshll.u32 v35, v1  }
0x291: {  	v35 =	vbroadcast v35, $0x0  }
0x292: {  	[tilespmem:v58+s31+$0x0] =	vst.idx.msk $0xffff, v33  }
0x293: {  	v60 =	vadd.s32 v29, v35;
	v33 =	vld [tilespmem:s1+$0xC0];
	_ =	sdelay $0x4  }
0x294: {  	[tilespmem:v60+s31+$0x0] =	vst.idx.msk $0xffff, v33  }
0x295: {  	v61 =	vadd.s32 v30, v35;
	v33 =	vld [tilespmem:s1+$0xD0];
	_ =	sdelay $0x4  }
0x296: {  	[tilespmem:v61+s31+$0x0] =	vst.idx.msk $0xffff, v33  }
0x297: {  	v62 =	vadd.s32 v31, v35;
	v33 =	vld [tilespmem:s1+$0xE0];
	_ =	sdelay $0x4  }
0x298: {  	[tilespmem:v62+s31+$0x0] =	vst.idx.msk $0xffff, v33  }
0x299: {  	s26 =	sshll.u32 s10, $0x13;
	v63 =	vadd.s32 v32, v35;
	v33 =	vld [tilespmem:s1+$0xF0]  }
0x29a: {  	s1 =	sand.u32 $0xFF00000, s26  }
0x29b: {  	s1 =	sor.u32 s1, s7  }
0x29c: {  	s1 =	sshrl.u32 s1, $0x3  }
0x29d: {  	s1 =	sadd.s32 s1, s9  }
0x29e: {  	s2 =	simm.s32 $0x420;
	s28 =	simm.s32 $0xC600;
	s1 =	sadd.s32 $0x20, s1;
	[tilespmem:v63+s31+$0x0] =	vst.idx.msk $0xffff, v33  }
0x29f: {  	[hbm4b:s1+s4] =	stream.linear.scatter [tilespmem:s28], [sflag:$0x8], $0x100, $0x38;
	[tilespmem:$0x10800] =	vst v63  }
.LBB2_16:
0x2a0: {  	p0 =	sne.s32 s2, $0x103E0  }
.Ltmp10:
0x2a1: {  	_ = 	snop;
	(pc) =	sbr.rel @p0 .LBB2_16-.Ltmp10, $4  }
0x2a2: {  	_ = 	snop  }
0x2a3: {  	s10 =	sshra.s32 s2, $0x2;
	s2 =	sadd.s32 $0x420, s2  }
0x2a4: {  	s1 =	sadd.s32 $0x800, s1;
	s10 =	sadd.s32 $0xC600, s10  }
0x2a5: {  	[hbm4b:s1+s4] =	stream.linear.scatter [tilespmem:s10], [sflag:$0x8], $0x100, $0x38;
	[tilespmem:$0x10800] =	vst v63  }
0x2a6: {  	p0 =	seq.s32 s13, $0x64  }
.Ltmp11:
0x2a7: {  	_ = 	snop;
	(pc) =	sbr.rel @p0 .LBB2_31-.Ltmp11, $1  }
0x2a8: {  	_ =	sdelay $0x3  }
.LBB2_18:
0x2a9: {  	_ =	swait.ge [sflag:s3], $0x100  }
0x2aa: {  	[sflag:s3] =	ssyncset.done $0x0  }
0x2ab: {  	[sflag:s3] =	ssyncadd.s32 $0xFFFFFF00  }
0x2ac: {  	[tilespmem:s11], [sflag:$0x6] =	stream.indirect.gather [hbm4b:s8+s22], $0x40, s22, s22, $0xb8;
	[tilespmem:$0x10800] =	vst v63  }
0x2ad: {  	p0 =	sgt.u32 s13, $0x62;
	_ =	swait.ge [sflag:s24], $0x4000  }
0x2ae: {  	s10 =	sshll.u32 @!p0 s13, $0xF;
	s1 =	rddreg [dreg:$0x9]  }
0x2af: {  	s1 =	sadd.s32 @!p0 s1, s10  }
0x2b0: {  	[sflag:s24] =	ssyncset.done $0x0;
	s1 =	sshrl.u32 @!p0 s1, $0x3  }
0x2b1: {  	s2 =	simm.s32 @!p0 $0x0;
	[sflag:s24] =	ssyncadd.s32 $0xFFFFC000;
	s1 =	sadd.s32 @!p0 s5, s1  }
0x2b2: {  	[tilespmem:s2], [sflag:$0x1] =	stream.linear.gather @!p0 [hbm4b:s1+s2], $0x100, $0x38;
	[tilespmem:$0x10800] =	vst v63  }
0x2b3: {  	s2 =	simm.s32 $0x0  }
0x2b4: {  	p1 =	seq.s32 @!p0 s13, $0x0;
	v33 =	vmov s2  }
0x2b5: {  	p1 =	por p0, !p1;
	v33 =	vshrl.u32 v33, $0x3  }
0x2b6: {  	_ =	swait.ge @p1 [sflag:s0], $0x4000;
	v33 =	vshll.u32 v33, v1  }
0x2b7: {  	[sflag:s0] =	ssyncset.done @p1 $0x0;
	v33 =	vbroadcast v33, $0x0  }
0x2b8: {  	s26 =	simm.s32 $0x500;
	[sflag:s0] =	ssyncadd.s32 @p1 $0xFFFFC000  }
0x2b9: {  	v34 =	vld [tilespmem:s26+$0xFFFFFF00];
	v35 =	vadd.s32 v0, v33;
	_ =	sdelay $0x4  }
0x2ba: {  	[tilespmem:v35+s25+$0x0] =	vst.idx.msk $0xffff, v34  }
0x2bb: {  	v56 =	vadd.s32 v2, v33;
	v34 =	vld [tilespmem:s26+$0xFFFFFF10];
	_ =	sdelay $0x4  }
0x2bc: {  	[tilespmem:v56+s25+$0x0] =	vst.idx.msk $0xffff, v34  }
0x2bd: {  	v57 =	vadd.s32 v3, v33;
	v34 =	vld [tilespmem:s26+$0xFFFFFF20];
	_ =	sdelay $0x4  }
0x2be: {  	[tilespmem:v57+s25+$0x0] =	vst.idx.msk $0xffff, v34  }
0x2bf: {  	s15 =	simm.s32 $0x1;
	v33 =	vadd.s32 v4, v33;
	v34 =	vld [tilespmem:s26+$0xFFFFFF30]  }
0x2c0: {  	v58 =	vmov s15  }
0x2c1: {  	v35 =	vshrl.u32 v58, $0x3  }
0x2c2: {  	v35 =	vshll.u32 v35, v1  }
0x2c3: {  	v35 =	vbroadcast v35, $0x0  }
0x2c4: {  	[tilespmem:v33+s25+$0x0] =	vst.idx.msk $0xffff, v34  }
0x2c5: {  	v59 =	vadd.s32 v5, v35;
	v33 =	vld [tilespmem:s26+$0xFFFFFF40];
	_ =	sdelay $0x4  }
0x2c6: {  	[tilespmem:v59+s25+$0x0] =	vst.idx.msk $0xffff, v33  }
0x2c7: {  	v60 =	vadd.s32 v6, v35;
	v33 =	vld [tilespmem:s26+$0xFFFFFF50];
	_ =	sdelay $0x4  }
0x2c8: {  	[tilespmem:v60+s25+$0x0] =	vst.idx.msk $0xffff, v33  }
0x2c9: {  	v61 =	vadd.s32 v7, v35;
	v33 =	vld [tilespmem:s26+$0xFFFFFF60];
	_ =	sdelay $0x4  }
0x2ca: {  	[tilespmem:v61+s25+$0x0] =	vst.idx.msk $0xffff, v33  }
0x2cb: {  	s20 =	simm.s32 $0x2;
	v62 =	vadd.s32 v8, v35;
	v33 =	vld [tilespmem:s26+$0xFFFFFF70]  }
0x2cc: {  	v63 =	vmov s20  }
0x2cd: {  	v35 =	vshrl.u32 v63, $0x3  }
0x2ce: {  	v35 =	vshll.u32 v35, v1  }
0x2cf: {  	v35 =	vbroadcast v35, $0x0  }
0x2d0: {  	[tilespmem:v62+s25+$0x0] =	vst.idx.msk $0xffff, v33  }
0x2d1: {  	v36 =	vadd.s32 v9, v35;
	v33 =	vld [tilespmem:s26+$0xFFFFFF80];
	_ =	sdelay $0x4  }
0x2d2: {  	[tilespmem:v36+s25+$0x0] =	vst.idx.msk $0xffff, v33  }
0x2d3: {  	v37 =	vadd.s32 v10, v35;
	v33 =	vld [tilespmem:s26+$0xFFFFFF90];
	_ =	sdelay $0x4  }
0x2d4: {  	[tilespmem:v37+s25+$0x0] =	vst.idx.msk $0xffff, v33  }
0x2d5: {  	v38 =	vadd.s32 v11, v35;
	v33 =	vld [tilespmem:s26+$0xFFFFFFA0];
	_ =	sdelay $0x4  }
0x2d6: {  	[tilespmem:v38+s25+$0x0] =	vst.idx.msk $0xffff, v33  }
0x2d7: {  	s28 =	simm.s32 $0x3;
	v39 =	vadd.s32 v12, v35;
	v33 =	vld [tilespmem:s26+$0xFFFFFFB0]  }
0x2d8: {  	v40 =	vmov s28  }
0x2d9: {  	v35 =	vshrl.u32 v40, $0x3  }
0x2da: {  	v35 =	vshll.u32 v35, v1  }
0x2db: {  	v35 =	vbroadcast v35, $0x0  }
0x2dc: {  	[tilespmem:v39+s25+$0x0] =	vst.idx.msk $0xffff, v33  }
0x2dd: {  	v41 =	vadd.s32 v13, v35;
	v33 =	vld [tilespmem:s26+$0xFFFFFFC0];
	_ =	sdelay $0x4  }
0x2de: {  	[tilespmem:v41+s25+$0x0] =	vst.idx.msk $0xffff, v33  }
0x2df: {  	v42 =	vadd.s32 v14, v35;
	v33 =	vld [tilespmem:s26+$0xFFFFFFD0];
	_ =	sdelay $0x4  }
0x2e0: {  	[tilespmem:v42+s25+$0x0] =	vst.idx.msk $0xffff, v33  }
0x2e1: {  	v43 =	vadd.s32 v15, v35;
	v33 =	vld [tilespmem:s26+$0xFFFFFFE0];
	_ =	sdelay $0x4  }
0x2e2: {  	[tilespmem:v43+s25+$0x0] =	vst.idx.msk $0xffff, v33  }
0x2e3: {  	s2 =	simm.s32 $0x4;
	v44 =	vadd.s32 v16, v35;
	v33 =	vld [tilespmem:s26+$0xFFFFFFF0]  }
0x2e4: {  	v45 =	vmov s2  }
0x2e5: {  	v35 =	vshrl.u32 v45, $0x3  }
0x2e6: {  	v35 =	vshll.u32 v35, v1  }
0x2e7: {  	v35 =	vbroadcast v35, $0x0  }
0x2e8: {  	[tilespmem:v44+s25+$0x0] =	vst.idx.msk $0xffff, v33  }
0x2e9: {  	v46 =	vadd.s32 v17, v35;
	v33 =	vld [tilespmem:s26+$0x0];
	_ =	sdelay $0x4  }
0x2ea: {  	[tilespmem:v46+s25+$0x0] =	vst.idx.msk $0xffff, v33  }
0x2eb: {  	v47 =	vadd.s32 v18, v35;
	v33 =	vld [tilespmem:s26+$0x10];
	_ =	sdelay $0x4  }
0x2ec: {  	[tilespmem:v47+s25+$0x0] =	vst.idx.msk $0xffff, v33  }
0x2ed: {  	v48 =	vadd.s32 v19, v35;
	v33 =	vld [tilespmem:s26+$0x20];
	_ =	sdelay $0x4  }
0x2ee: {  	[tilespmem:v48+s25+$0x0] =	vst.idx.msk $0xffff, v33  }
0x2ef: {  	s15 =	simm.s32 $0x5;
	v49 =	vadd.s32 v20, v35;
	v33 =	vld [tilespmem:s26+$0x30]  }
0x2f0: {  	v50 =	vmov s15  }
0x2f1: {  	v35 =	vshrl.u32 v50, $0x3  }
0x2f2: {  	v35 =	vshll.u32 v35, v1  }
0x2f3: {  	v35 =	vbroadcast v35, $0x0  }
0x2f4: {  	[tilespmem:v49+s25+$0x0] =	vst.idx.msk $0xffff, v33  }
0x2f5: {  	v51 =	vadd.s32 v21, v35;
	v33 =	vld [tilespmem:s26+$0x40];
	_ =	sdelay $0x4  }
0x2f6: {  	[tilespmem:v51+s25+$0x0] =	vst.idx.msk $0xffff, v33  }
0x2f7: {  	v52 =	vadd.s32 v22, v35;
	v33 =	vld [tilespmem:s26+$0x50];
	_ =	sdelay $0x4  }
0x2f8: {  	[tilespmem:v52+s25+$0x0] =	vst.idx.msk $0xffff, v33  }
0x2f9: {  	v53 =	vadd.s32 v23, v35;
	v33 =	vld [tilespmem:s26+$0x60];
	_ =	sdelay $0x4  }
0x2fa: {  	[tilespmem:v53+s25+$0x0] =	vst.idx.msk $0xffff, v33  }
0x2fb: {  	s20 =	simm.s32 $0x6;
	v54 =	vadd.s32 v24, v35;
	v33 =	vld [tilespmem:s26+$0x70]  }
0x2fc: {  	v55 =	vmov s20  }
0x2fd: {  	v35 =	vshrl.u32 v55, $0x3  }
0x2fe: {  	v35 =	vshll.u32 v35, v1  }
0x2ff: {  	v35 =	vbroadcast v35, $0x0  }
0x300: {  	[tilespmem:v54+s25+$0x0] =	vst.idx.msk $0xffff, v33  }
0x301: {  	v56 =	vadd.s32 v25, v35;
	v33 =	vld [tilespmem:s26+$0x80];
	_ =	sdelay $0x4  }
0x302: {  	[tilespmem:v56+s25+$0x0] =	vst.idx.msk $0xffff, v33  }
0x303: {  	v57 =	vadd.s32 v26, v35;
	v33 =	vld [tilespmem:s26+$0x90];
	_ =	sdelay $0x4  }
0x304: {  	[tilespmem:v57+s25+$0x0] =	vst.idx.msk $0xffff, v33  }
0x305: {  	v58 =	vadd.s32 v27, v35;
	v33 =	vld [tilespmem:s26+$0xA0];
	_ =	sdelay $0x4  }
0x306: {  	[tilespmem:v58+s25+$0x0] =	vst.idx.msk $0xffff, v33  }
0x307: {  	s28 =	simm.s32 $0x7;
	v59 =	vadd.s32 v28, v35;
	v33 =	vld [tilespmem:s26+$0xB0]  }
0x308: {  	v60 =	vmov s28  }
0x309: {  	v35 =	vshrl.u32 v60, $0x3  }
0x30a: {  	v35 =	vshll.u32 v35, v1  }
0x30b: {  	v35 =	vbroadcast v35, $0x0  }
0x30c: {  	[tilespmem:v59+s25+$0x0] =	vst.idx.msk $0xffff, v33  }
0x30d: {  	v61 =	vadd.s32 v29, v35;
	v33 =	vld [tilespmem:s26+$0xC0];
	_ =	sdelay $0x4  }
0x30e: {  	[tilespmem:v61+s25+$0x0] =	vst.idx.msk $0xffff, v33  }
0x30f: {  	v62 =	vadd.s32 v30, v35;
	v33 =	vld [tilespmem:s26+$0xD0];
	_ =	sdelay $0x4  }
0x310: {  	[tilespmem:v62+s25+$0x0] =	vst.idx.msk $0xffff, v33  }
0x311: {  	v63 =	vadd.s32 v31, v35;
	v33 =	vld [tilespmem:s26+$0xE0];
	_ =	sdelay $0x4  }
0x312: {  	[tilespmem:v63+s25+$0x0] =	vst.idx.msk $0xffff, v33  }
0x313: {  	s20 =	simm.s32 $0x8;
	v34 =	vadd.s32 v32, v35;
	v33 =	vld [tilespmem:s26+$0xF0]  }
0x314: {  	s1 =	simm.s32 $0x10;
	v35 =	vmov s20  }
.LBB2_19:
0x315: {  	p2 =	slt.u32 s1, $0xF8;
	v35 =	vshrl.u32 v35, $0x3  }
0x316: {  	v35 =	vshll.u32 v35, v1  }
0x317: {  	v35 =	vbroadcast v35, $0x0  }
0x318: {  	s26 =	sadd.s32 $0x200, s26;
	[tilespmem:v34+s25+$0x0] =	vst.idx.msk $0xffff, v33  }
0x319: {  	v33 =	vld [tilespmem:s26+$0xFFFFFF00];
	v34 =	vadd.s32 v0, v35;
	_ =	sdelay $0x4  }
0x31a: {  	[tilespmem:v34+s25+$0x0] =	vst.idx.msk $0xffff, v33  }
0x31b: {  	v34 =	vadd.s32 v2, v35;
	v33 =	vld [tilespmem:s26+$0xFFFFFF10];
	_ =	sdelay $0x4  }
0x31c: {  	[tilespmem:v34+s25+$0x0] =	vst.idx.msk $0xffff, v33  }
0x31d: {  	v34 =	vadd.s32 v3, v35;
	v33 =	vld [tilespmem:s26+$0xFFFFFF20];
	_ =	sdelay $0x4  }
0x31e: {  	[tilespmem:v34+s25+$0x0] =	vst.idx.msk $0xffff, v33  }
0x31f: {  	s2 =	sadd.s32 $0x1, s20;
	v34 =	vadd.s32 v4, v35;
	v33 =	vld [tilespmem:s26+$0xFFFFFF30]  }
0x320: {  	v35 =	vmov s2  }
0x321: {  	v35 =	vshrl.u32 v35, $0x3  }
0x322: {  	v35 =	vshll.u32 v35, v1  }
0x323: {  	v35 =	vbroadcast v35, $0x0  }
0x324: {  	[tilespmem:v34+s25+$0x0] =	vst.idx.msk $0xffff, v33  }
0x325: {  	v34 =	vadd.s32 v5, v35;
	v33 =	vld [tilespmem:s26+$0xFFFFFF40];
	_ =	sdelay $0x4  }
0x326: {  	[tilespmem:v34+s25+$0x0] =	vst.idx.msk $0xffff, v33  }
0x327: {  	v34 =	vadd.s32 v6, v35;
	v33 =	vld [tilespmem:s26+$0xFFFFFF50];
	_ =	sdelay $0x4  }
0x328: {  	[tilespmem:v34+s25+$0x0] =	vst.idx.msk $0xffff, v33  }
0x329: {  	v34 =	vadd.s32 v7, v35;
	v33 =	vld [tilespmem:s26+$0xFFFFFF60];
	_ =	sdelay $0x4  }
0x32a: {  	[tilespmem:v34+s25+$0x0] =	vst.idx.msk $0xffff, v33  }
0x32b: {  	s2 =	sadd.s32 $0x2, s20;
	v34 =	vadd.s32 v8, v35;
	v33 =	vld [tilespmem:s26+$0xFFFFFF70]  }
0x32c: {  	v35 =	vmov s2  }
0x32d: {  	v35 =	vshrl.u32 v35, $0x3  }
0x32e: {  	v35 =	vshll.u32 v35, v1  }
0x32f: {  	v35 =	vbroadcast v35, $0x0  }
0x330: {  	[tilespmem:v34+s25+$0x0] =	vst.idx.msk $0xffff, v33  }
0x331: {  	v34 =	vadd.s32 v9, v35;
	v33 =	vld [tilespmem:s26+$0xFFFFFF80];
	_ =	sdelay $0x4  }
0x332: {  	[tilespmem:v34+s25+$0x0] =	vst.idx.msk $0xffff, v33  }
0x333: {  	v34 =	vadd.s32 v10, v35;
	v33 =	vld [tilespmem:s26+$0xFFFFFF90];
	_ =	sdelay $0x4  }
0x334: {  	[tilespmem:v34+s25+$0x0] =	vst.idx.msk $0xffff, v33  }
0x335: {  	v34 =	vadd.s32 v11, v35;
	v33 =	vld [tilespmem:s26+$0xFFFFFFA0];
	_ =	sdelay $0x4  }
0x336: {  	[tilespmem:v34+s25+$0x0] =	vst.idx.msk $0xffff, v33  }
0x337: {  	s2 =	sadd.s32 $0x3, s20;
	v34 =	vadd.s32 v12, v35;
	v33 =	vld [tilespmem:s26+$0xFFFFFFB0]  }
0x338: {  	v35 =	vmov s2  }
0x339: {  	v35 =	vshrl.u32 v35, $0x3  }
0x33a: {  	v35 =	vshll.u32 v35, v1  }
0x33b: {  	v35 =	vbroadcast v35, $0x0  }
0x33c: {  	[tilespmem:v34+s25+$0x0] =	vst.idx.msk $0xffff, v33  }
0x33d: {  	v34 =	vadd.s32 v13, v35;
	v33 =	vld [tilespmem:s26+$0xFFFFFFC0];
	_ =	sdelay $0x4  }
0x33e: {  	[tilespmem:v34+s25+$0x0] =	vst.idx.msk $0xffff, v33  }
0x33f: {  	v34 =	vadd.s32 v14, v35;
	v33 =	vld [tilespmem:s26+$0xFFFFFFD0];
	_ =	sdelay $0x4  }
0x340: {  	[tilespmem:v34+s25+$0x0] =	vst.idx.msk $0xffff, v33  }
0x341: {  	v34 =	vadd.s32 v15, v35;
	v33 =	vld [tilespmem:s26+$0xFFFFFFE0];
	_ =	sdelay $0x4  }
0x342: {  	[tilespmem:v34+s25+$0x0] =	vst.idx.msk $0xffff, v33  }
0x343: {  	s2 =	sadd.s32 $0x4, s20;
	v34 =	vadd.s32 v16, v35;
	v33 =	vld [tilespmem:s26+$0xFFFFFFF0]  }
0x344: {  	v35 =	vmov s2  }
0x345: {  	v35 =	vshrl.u32 v35, $0x3  }
0x346: {  	v35 =	vshll.u32 v35, v1  }
0x347: {  	v35 =	vbroadcast v35, $0x0  }
0x348: {  	[tilespmem:v34+s25+$0x0] =	vst.idx.msk $0xffff, v33  }
0x349: {  	v34 =	vadd.s32 v17, v35;
	v33 =	vld [tilespmem:s26+$0x0];
	_ =	sdelay $0x4  }
0x34a: {  	[tilespmem:v34+s25+$0x0] =	vst.idx.msk $0xffff, v33  }
0x34b: {  	v34 =	vadd.s32 v18, v35;
	v33 =	vld [tilespmem:s26+$0x10];
	_ =	sdelay $0x4  }
0x34c: {  	[tilespmem:v34+s25+$0x0] =	vst.idx.msk $0xffff, v33  }
0x34d: {  	v34 =	vadd.s32 v19, v35;
	v33 =	vld [tilespmem:s26+$0x20];
	_ =	sdelay $0x4  }
0x34e: {  	[tilespmem:v34+s25+$0x0] =	vst.idx.msk $0xffff, v33  }
0x34f: {  	s2 =	sadd.s32 $0x5, s20;
	v34 =	vadd.s32 v20, v35;
	v33 =	vld [tilespmem:s26+$0x30]  }
0x350: {  	v35 =	vmov s2  }
0x351: {  	v35 =	vshrl.u32 v35, $0x3  }
0x352: {  	v35 =	vshll.u32 v35, v1  }
0x353: {  	v35 =	vbroadcast v35, $0x0  }
0x354: {  	[tilespmem:v34+s25+$0x0] =	vst.idx.msk $0xffff, v33  }
0x355: {  	v34 =	vadd.s32 v21, v35;
	v33 =	vld [tilespmem:s26+$0x40];
	_ =	sdelay $0x4  }
0x356: {  	[tilespmem:v34+s25+$0x0] =	vst.idx.msk $0xffff, v33  }
0x357: {  	v34 =	vadd.s32 v22, v35;
	v33 =	vld [tilespmem:s26+$0x50];
	_ =	sdelay $0x4  }
0x358: {  	[tilespmem:v34+s25+$0x0] =	vst.idx.msk $0xffff, v33  }
0x359: {  	v34 =	vadd.s32 v23, v35;
	v33 =	vld [tilespmem:s26+$0x60];
	_ =	sdelay $0x4  }
0x35a: {  	[tilespmem:v34+s25+$0x0] =	vst.idx.msk $0xffff, v33  }
0x35b: {  	s2 =	sadd.s32 $0x6, s20;
	v34 =	vadd.s32 v24, v35;
	v33 =	vld [tilespmem:s26+$0x70]  }
0x35c: {  	v35 =	vmov s2  }
0x35d: {  	v35 =	vshrl.u32 v35, $0x3  }
0x35e: {  	v35 =	vshll.u32 v35, v1  }
0x35f: {  	v35 =	vbroadcast v35, $0x0  }
0x360: {  	[tilespmem:v34+s25+$0x0] =	vst.idx.msk $0xffff, v33  }
0x361: {  	v34 =	vadd.s32 v25, v35;
	v33 =	vld [tilespmem:s26+$0x80];
	_ =	sdelay $0x4  }
0x362: {  	[tilespmem:v34+s25+$0x0] =	vst.idx.msk $0xffff, v33  }
0x363: {  	v34 =	vadd.s32 v26, v35;
	v33 =	vld [tilespmem:s26+$0x90];
	_ =	sdelay $0x4  }
0x364: {  	[tilespmem:v34+s25+$0x0] =	vst.idx.msk $0xffff, v33  }
0x365: {  	v34 =	vadd.s32 v27, v35;
	v33 =	vld [tilespmem:s26+$0xA0];
	_ =	sdelay $0x4  }
0x366: {  	[tilespmem:v34+s25+$0x0] =	vst.idx.msk $0xffff, v33  }
0x367: {  	s2 =	sadd.s32 $0x7, s20;
	s20 =	smov.u32 s1;
	v34 =	vadd.s32 v28, v35;
	v33 =	vld [tilespmem:s26+$0xB0]  }
0x368: {  	v35 =	vmov s2  }
0x369: {  	v35 =	vshrl.u32 v35, $0x3  }
0x36a: {  	v35 =	vshll.u32 v35, v1  }
0x36b: {  	v35 =	vbroadcast v35, $0x0  }
0x36c: {  	[tilespmem:v34+s25+$0x0] =	vst.idx.msk $0xffff, v33  }
0x36d: {  	v34 =	vadd.s32 v29, v35;
	v33 =	vld [tilespmem:s26+$0xC0];
	_ =	sdelay $0x4  }
0x36e: {  	[tilespmem:v34+s25+$0x0] =	vst.idx.msk $0xffff, v33  }
0x36f: {  	v34 =	vadd.s32 v30, v35;
	v33 =	vld [tilespmem:s26+$0xD0];
	_ =	sdelay $0x4  }
0x370: {  	[tilespmem:v34+s25+$0x0] =	vst.idx.msk $0xffff, v33  }
0x371: {  	v34 =	vadd.s32 v31, v35;
	v33 =	vld [tilespmem:s26+$0xE0];
	_ =	sdelay $0x2  }
.Ltmp12:
0x372: {  	(pc) =	sbr.rel @p2 .LBB2_19-.Ltmp12, $4  }
0x373: {  	_ = 	snop  }
0x374: {  	[tilespmem:v34+s25+$0x0] =	vst.idx.msk $0xffff, v33  }
0x375: {  	v34 =	vadd.s32 v32, v35;
	v33 =	vld [tilespmem:s26+$0xF0]  }
0x376: {  	s1 =	sadd.s32 $0x8, s1;
	v35 =	vmov s20  }
0x377: {  	_ = 	snop  }
0x378: {  	v35 =	vshrl.u32 v35, $0x3  }
0x379: {  	v35 =	vshll.u32 v35, v1  }
0x37a: {  	v35 =	vbroadcast v35, $0x0  }
0x37b: {  	s1 =	sadd.s32 $0x200, s26;
	[tilespmem:v34+s25+$0x0] =	vst.idx.msk $0xffff, v33  }
0x37c: {  	v33 =	vld [tilespmem:s1+$0xFFFFFF00];
	v53 =	vadd.s32 v0, v35;
	_ =	sdelay $0x4  }
0x37d: {  	[tilespmem:v53+s25+$0x0] =	vst.idx.msk $0xffff, v33  }
0x37e: {  	v54 =	vadd.s32 v2, v35;
	v33 =	vld [tilespmem:s1+$0xFFFFFF10];
	_ =	sdelay $0x4  }
0x37f: {  	[tilespmem:v54+s25+$0x0] =	vst.idx.msk $0xffff, v33  }
0x380: {  	v55 =	vadd.s32 v3, v35;
	v33 =	vld [tilespmem:s1+$0xFFFFFF20];
	_ =	sdelay $0x4  }
0x381: {  	[tilespmem:v55+s25+$0x0] =	vst.idx.msk $0xffff, v33  }
0x382: {  	s2 =	sadd.s32 $0x1, s20;
	v56 =	vadd.s32 v4, v35;
	v33 =	vld [tilespmem:s1+$0xFFFFFF30]  }
0x383: {  	v57 =	vmov s2  }
0x384: {  	v35 =	vshrl.u32 v57, $0x3  }
0x385: {  	v35 =	vshll.u32 v35, v1  }
0x386: {  	v35 =	vbroadcast v35, $0x0  }
0x387: {  	[tilespmem:v56+s25+$0x0] =	vst.idx.msk $0xffff, v33  }
0x388: {  	v58 =	vadd.s32 v5, v35;
	v33 =	vld [tilespmem:s1+$0xFFFFFF40];
	_ =	sdelay $0x4  }
0x389: {  	[tilespmem:v58+s25+$0x0] =	vst.idx.msk $0xffff, v33  }
0x38a: {  	v59 =	vadd.s32 v6, v35;
	v33 =	vld [tilespmem:s1+$0xFFFFFF50];
	_ =	sdelay $0x4  }
0x38b: {  	[tilespmem:v59+s25+$0x0] =	vst.idx.msk $0xffff, v33  }
0x38c: {  	v60 =	vadd.s32 v7, v35;
	v33 =	vld [tilespmem:s1+$0xFFFFFF60];
	_ =	sdelay $0x4  }
0x38d: {  	[tilespmem:v60+s25+$0x0] =	vst.idx.msk $0xffff, v33  }
0x38e: {  	s15 =	sadd.s32 $0x2, s20;
	v61 =	vadd.s32 v8, v35;
	v33 =	vld [tilespmem:s1+$0xFFFFFF70]  }
0x38f: {  	v62 =	vmov s15  }
0x390: {  	v35 =	vshrl.u32 v62, $0x3  }
0x391: {  	v35 =	vshll.u32 v35, v1  }
0x392: {  	v35 =	vbroadcast v35, $0x0  }
0x393: {  	[tilespmem:v61+s25+$0x0] =	vst.idx.msk $0xffff, v33  }
0x394: {  	v63 =	vadd.s32 v9, v35;
	v33 =	vld [tilespmem:s1+$0xFFFFFF80];
	_ =	sdelay $0x4  }
0x395: {  	[tilespmem:v63+s25+$0x0] =	vst.idx.msk $0xffff, v33  }
0x396: {  	v36 =	vadd.s32 v10, v35;
	v33 =	vld [tilespmem:s1+$0xFFFFFF90];
	_ =	sdelay $0x4  }
0x397: {  	[tilespmem:v36+s25+$0x0] =	vst.idx.msk $0xffff, v33  }
0x398: {  	v37 =	vadd.s32 v11, v35;
	v33 =	vld [tilespmem:s1+$0xFFFFFFA0];
	_ =	sdelay $0x4  }
0x399: {  	[tilespmem:v37+s25+$0x0] =	vst.idx.msk $0xffff, v33  }
0x39a: {  	s26 =	sadd.s32 $0x3, s20;
	v38 =	vadd.s32 v12, v35;
	v33 =	vld [tilespmem:s1+$0xFFFFFFB0]  }
0x39b: {  	v39 =	vmov s26  }
0x39c: {  	v35 =	vshrl.u32 v39, $0x3  }
0x39d: {  	v35 =	vshll.u32 v35, v1  }
0x39e: {  	v35 =	vbroadcast v35, $0x0  }
0x39f: {  	[tilespmem:v38+s25+$0x0] =	vst.idx.msk $0xffff, v33  }
0x3a0: {  	v40 =	vadd.s32 v13, v35;
	v33 =	vld [tilespmem:s1+$0xFFFFFFC0];
	_ =	sdelay $0x4  }
0x3a1: {  	[tilespmem:v40+s25+$0x0] =	vst.idx.msk $0xffff, v33  }
0x3a2: {  	v41 =	vadd.s32 v14, v35;
	v33 =	vld [tilespmem:s1+$0xFFFFFFD0];
	_ =	sdelay $0x4  }
0x3a3: {  	[tilespmem:v41+s25+$0x0] =	vst.idx.msk $0xffff, v33  }
0x3a4: {  	v42 =	vadd.s32 v15, v35;
	v33 =	vld [tilespmem:s1+$0xFFFFFFE0];
	_ =	sdelay $0x4  }
0x3a5: {  	[tilespmem:v42+s25+$0x0] =	vst.idx.msk $0xffff, v33  }
0x3a6: {  	s15 =	sadd.s32 $0x4, s20;
	v43 =	vadd.s32 v16, v35;
	v33 =	vld [tilespmem:s1+$0xFFFFFFF0]  }
0x3a7: {  	v44 =	vmov s15  }
0x3a8: {  	v35 =	vshrl.u32 v44, $0x3  }
0x3a9: {  	v35 =	vshll.u32 v35, v1  }
0x3aa: {  	v35 =	vbroadcast v35, $0x0  }
0x3ab: {  	[tilespmem:v43+s25+$0x0] =	vst.idx.msk $0xffff, v33  }
0x3ac: {  	v45 =	vadd.s32 v17, v35;
	v33 =	vld [tilespmem:s1+$0x0];
	_ =	sdelay $0x4  }
0x3ad: {  	[tilespmem:v45+s25+$0x0] =	vst.idx.msk $0xffff, v33  }
0x3ae: {  	v46 =	vadd.s32 v18, v35;
	v33 =	vld [tilespmem:s1+$0x10];
	_ =	sdelay $0x4  }
0x3af: {  	[tilespmem:v46+s25+$0x0] =	vst.idx.msk $0xffff, v33  }
0x3b0: {  	v47 =	vadd.s32 v19, v35;
	v33 =	vld [tilespmem:s1+$0x20];
	_ =	sdelay $0x4  }
0x3b1: {  	[tilespmem:v47+s25+$0x0] =	vst.idx.msk $0xffff, v33  }
0x3b2: {  	s26 =	sadd.s32 $0x5, s20;
	v48 =	vadd.s32 v20, v35;
	v33 =	vld [tilespmem:s1+$0x30]  }
0x3b3: {  	v49 =	vmov s26  }
0x3b4: {  	v35 =	vshrl.u32 v49, $0x3  }
0x3b5: {  	v35 =	vshll.u32 v35, v1  }
0x3b6: {  	v35 =	vbroadcast v35, $0x0  }
0x3b7: {  	[tilespmem:v48+s25+$0x0] =	vst.idx.msk $0xffff, v33  }
0x3b8: {  	v50 =	vadd.s32 v21, v35;
	v33 =	vld [tilespmem:s1+$0x40];
	_ =	sdelay $0x4  }
0x3b9: {  	[tilespmem:v50+s25+$0x0] =	vst.idx.msk $0xffff, v33  }
0x3ba: {  	v51 =	vadd.s32 v22, v35;
	v33 =	vld [tilespmem:s1+$0x50];
	_ =	sdelay $0x4  }
0x3bb: {  	[tilespmem:v51+s25+$0x0] =	vst.idx.msk $0xffff, v33  }
0x3bc: {  	v52 =	vadd.s32 v23, v35;
	v33 =	vld [tilespmem:s1+$0x60];
	_ =	sdelay $0x4  }
0x3bd: {  	[tilespmem:v52+s25+$0x0] =	vst.idx.msk $0xffff, v33  }
0x3be: {  	s15 =	sadd.s32 $0x6, s20;
	v53 =	vadd.s32 v24, v35;
	v33 =	vld [tilespmem:s1+$0x70]  }
0x3bf: {  	v54 =	vmov s15  }
0x3c0: {  	v35 =	vshrl.u32 v54, $0x3  }
0x3c1: {  	v35 =	vshll.u32 v35, v1  }
0x3c2: {  	v35 =	vbroadcast v35, $0x0  }
0x3c3: {  	[tilespmem:v53+s25+$0x0] =	vst.idx.msk $0xffff, v33  }
0x3c4: {  	v55 =	vadd.s32 v25, v35;
	v33 =	vld [tilespmem:s1+$0x80];
	_ =	sdelay $0x4  }
0x3c5: {  	[tilespmem:v55+s25+$0x0] =	vst.idx.msk $0xffff, v33  }
0x3c6: {  	v56 =	vadd.s32 v26, v35;
	v33 =	vld [tilespmem:s1+$0x90];
	_ =	sdelay $0x4  }
0x3c7: {  	[tilespmem:v56+s25+$0x0] =	vst.idx.msk $0xffff, v33  }
0x3c8: {  	v57 =	vadd.s32 v27, v35;
	v33 =	vld [tilespmem:s1+$0xA0];
	_ =	sdelay $0x4  }
0x3c9: {  	[tilespmem:v57+s25+$0x0] =	vst.idx.msk $0xffff, v33  }
0x3ca: {  	s26 =	sadd.s32 $0x7, s20;
	v58 =	vadd.s32 v28, v35;
	v33 =	vld [tilespmem:s1+$0xB0]  }
0x3cb: {  	v59 =	vmov s26  }
0x3cc: {  	v35 =	vshrl.u32 v59, $0x3  }
0x3cd: {  	v35 =	vshll.u32 v35, v1  }
0x3ce: {  	v35 =	vbroadcast v35, $0x0  }
0x3cf: {  	[tilespmem:v58+s25+$0x0] =	vst.idx.msk $0xffff, v33  }
0x3d0: {  	v60 =	vadd.s32 v29, v35;
	v33 =	vld [tilespmem:s1+$0xC0];
	_ =	sdelay $0x4  }
0x3d1: {  	[tilespmem:v60+s25+$0x0] =	vst.idx.msk $0xffff, v33  }
0x3d2: {  	v61 =	vadd.s32 v30, v35;
	v33 =	vld [tilespmem:s1+$0xD0];
	_ =	sdelay $0x4  }
0x3d3: {  	[tilespmem:v61+s25+$0x0] =	vst.idx.msk $0xffff, v33  }
0x3d4: {  	v62 =	vadd.s32 v31, v35;
	v33 =	vld [tilespmem:s1+$0xE0];
	_ =	sdelay $0x4  }
0x3d5: {  	[tilespmem:v62+s25+$0x0] =	vst.idx.msk $0xffff, v33  }
0x3d6: {  	v63 =	vadd.s32 v32, v35;
	v33 =	vld [tilespmem:s1+$0xF0];
	_ =	sdelay $0x1  }
0x3d7: {  	s28 =	sshll.u32 s13, $0x15  }
0x3d8: {  	s15 =	sor.u32 s7, s28  }
0x3d9: {  	s26 =	sshrl.u32 s15, $0x3  }
0x3da: {  	s2 =	simm.s32 $0x420;
	s20 =	simm.s32 $0x8400;
	s1 =	sadd.s32 s9, s26;
	[tilespmem:v63+s25+$0x0] =	vst.idx.msk $0xffff, v33  }
0x3db: {  	[hbm4b:s1+s4] =	stream.linear.scatter [tilespmem:s20], [sflag:$0x7], $0x100, $0x38;
	[tilespmem:$0x10800] =	vst v63  }
.LBB2_21:
0x3dc: {  	p2 =	sne.s32 s2, $0x103E0  }
.Ltmp13:
0x3dd: {  	_ = 	snop;
	(pc) =	sbr.rel @p2 .LBB2_21-.Ltmp13, $4  }
0x3de: {  	_ = 	snop  }
0x3df: {  	s20 =	sshra.s32 s2, $0x2;
	s2 =	sadd.s32 $0x420, s2  }
0x3e0: {  	s1 =	sadd.s32 $0x800, s1;
	s20 =	sadd.s32 $0x8400, s20  }
0x3e1: {  	[hbm4b:s1+s4] =	stream.linear.scatter [tilespmem:s20], [sflag:$0x7], $0x100, $0x38;
	[tilespmem:$0x10800] =	vst v63  }
0x3e2: {  	_ =	swait.ge [sflag:s12], $0x100  }
0x3e3: {  	[sflag:s12] =	ssyncset.done $0x0  }
0x3e4: {  	s1 =	simm.s32 $0x200;
	[sflag:s12] =	ssyncadd.s32 $0xFFFFFF00  }
0x3e5: {  	[tilespmem:s23], [sflag:$0x5] =	stream.indirect.gather [hbm4b:s8+s22], $0x40, s1, s22, $0xb8;
	[tilespmem:$0x10800] =	vst v63  }
0x3e6: {  	s1 =	sadd.s32 @!p0 s17, s10;
	_ =	swait.ge [sflag:s29], $0x4000  }
0x3e7: {  	s2 =	simm.s32 @!p0 $0x0;
	s1 =	sshrl.u32 @!p0 s1, $0x3;
	[sflag:s29] =	ssyncset.done $0x0  }
0x3e8: {  	s20 =	simm.s32 @!p0 $0x100;
	s1 =	sadd.s32 @!p0 s5, s1;
	[sflag:s29] =	ssyncadd.s32 $0xFFFFC000  }
0x3e9: {  	[tilespmem:s20], [sflag:$0x2] =	stream.linear.gather @!p0 [hbm4b:s1+s2], $0x100, $0x38;
	[tilespmem:$0x10800] =	vst v63  }
0x3ea: {  	s2 =	simm.s32 $0x0  }
0x3eb: {  	v33 =	vmov s2  }
0x3ec: {  	v33 =	vshrl.u32 v33, $0x3  }
0x3ed: {  	_ =	swait.ge @p1 [sflag:s30], $0x4000;
	v33 =	vshll.u32 v33, v1  }
0x3ee: {  	[sflag:s30] =	ssyncset.done @p1 $0x0;
	v33 =	vbroadcast v33, $0x0  }
0x3ef: {  	s20 =	simm.s32 $0x4500;
	[sflag:s30] =	ssyncadd.s32 @p1 $0xFFFFC000  }
0x3f0: {  	v34 =	vld [tilespmem:s20+$0xFFFFFF00];
	v35 =	vadd.s32 v0, v33;
	_ =	sdelay $0x4  }
0x3f1: {  	[tilespmem:v35+s31+$0x0] =	vst.idx.msk $0xffff, v34  }
0x3f2: {  	v56 =	vadd.s32 v2, v33;
	v34 =	vld [tilespmem:s20+$0xFFFFFF10];
	_ =	sdelay $0x4  }
0x3f3: {  	[tilespmem:v56+s31+$0x0] =	vst.idx.msk $0xffff, v34  }
0x3f4: {  	v57 =	vadd.s32 v3, v33;
	v34 =	vld [tilespmem:s20+$0xFFFFFF20];
	_ =	sdelay $0x4  }
0x3f5: {  	[tilespmem:v57+s31+$0x0] =	vst.idx.msk $0xffff, v34  }
0x3f6: {  	s15 =	simm.s32 $0x1;
	v33 =	vadd.s32 v4, v33;
	v34 =	vld [tilespmem:s20+$0xFFFFFF30]  }
0x3f7: {  	v58 =	vmov s15  }
0x3f8: {  	v35 =	vshrl.u32 v58, $0x3  }
0x3f9: {  	v35 =	vshll.u32 v35, v1  }
0x3fa: {  	v35 =	vbroadcast v35, $0x0  }
0x3fb: {  	[tilespmem:v33+s31+$0x0] =	vst.idx.msk $0xffff, v34  }
0x3fc: {  	v59 =	vadd.s32 v5, v35;
	v33 =	vld [tilespmem:s20+$0xFFFFFF40];
	_ =	sdelay $0x4  }
0x3fd: {  	[tilespmem:v59+s31+$0x0] =	vst.idx.msk $0xffff, v33  }
0x3fe: {  	v60 =	vadd.s32 v6, v35;
	v33 =	vld [tilespmem:s20+$0xFFFFFF50];
	_ =	sdelay $0x4  }
0x3ff: {  	[tilespmem:v60+s31+$0x0] =	vst.idx.msk $0xffff, v33  }
0x400: {  	v61 =	vadd.s32 v7, v35;
	v33 =	vld [tilespmem:s20+$0xFFFFFF60];
	_ =	sdelay $0x4  }
0x401: {  	[tilespmem:v61+s31+$0x0] =	vst.idx.msk $0xffff, v33  }
0x402: {  	s2 =	simm.s32 $0x2;
	v62 =	vadd.s32 v8, v35;
	v33 =	vld [tilespmem:s20+$0xFFFFFF70]  }
0x403: {  	v63 =	vmov s2  }
0x404: {  	v35 =	vshrl.u32 v63, $0x3  }
0x405: {  	v35 =	vshll.u32 v35, v1  }
0x406: {  	v35 =	vbroadcast v35, $0x0  }
0x407: {  	[tilespmem:v62+s31+$0x0] =	vst.idx.msk $0xffff, v33  }
0x408: {  	v36 =	vadd.s32 v9, v35;
	v33 =	vld [tilespmem:s20+$0xFFFFFF80];
	_ =	sdelay $0x4  }
0x409: {  	[tilespmem:v36+s31+$0x0] =	vst.idx.msk $0xffff, v33  }
0x40a: {  	v37 =	vadd.s32 v10, v35;
	v33 =	vld [tilespmem:s20+$0xFFFFFF90];
	_ =	sdelay $0x4  }
0x40b: {  	[tilespmem:v37+s31+$0x0] =	vst.idx.msk $0xffff, v33  }
0x40c: {  	v38 =	vadd.s32 v11, v35;
	v33 =	vld [tilespmem:s20+$0xFFFFFFA0];
	_ =	sdelay $0x4  }
0x40d: {  	[tilespmem:v38+s31+$0x0] =	vst.idx.msk $0xffff, v33  }
0x40e: {  	s15 =	simm.s32 $0x3;
	v39 =	vadd.s32 v12, v35;
	v33 =	vld [tilespmem:s20+$0xFFFFFFB0]  }
0x40f: {  	v40 =	vmov s15  }
0x410: {  	v35 =	vshrl.u32 v40, $0x3  }
0x411: {  	v35 =	vshll.u32 v35, v1  }
0x412: {  	v35 =	vbroadcast v35, $0x0  }
0x413: {  	[tilespmem:v39+s31+$0x0] =	vst.idx.msk $0xffff, v33  }
0x414: {  	v41 =	vadd.s32 v13, v35;
	v33 =	vld [tilespmem:s20+$0xFFFFFFC0];
	_ =	sdelay $0x4  }
0x415: {  	[tilespmem:v41+s31+$0x0] =	vst.idx.msk $0xffff, v33  }
0x416: {  	v42 =	vadd.s32 v14, v35;
	v33 =	vld [tilespmem:s20+$0xFFFFFFD0];
	_ =	sdelay $0x4  }
0x417: {  	[tilespmem:v42+s31+$0x0] =	vst.idx.msk $0xffff, v33  }
0x418: {  	v43 =	vadd.s32 v15, v35;
	v33 =	vld [tilespmem:s20+$0xFFFFFFE0];
	_ =	sdelay $0x4  }
0x419: {  	[tilespmem:v43+s31+$0x0] =	vst.idx.msk $0xffff, v33  }
0x41a: {  	s2 =	simm.s32 $0x4;
	v44 =	vadd.s32 v16, v35;
	v33 =	vld [tilespmem:s20+$0xFFFFFFF0]  }
0x41b: {  	v45 =	vmov s2  }
0x41c: {  	v35 =	vshrl.u32 v45, $0x3  }
0x41d: {  	v35 =	vshll.u32 v35, v1  }
0x41e: {  	v35 =	vbroadcast v35, $0x0  }
0x41f: {  	[tilespmem:v44+s31+$0x0] =	vst.idx.msk $0xffff, v33  }
0x420: {  	v46 =	vadd.s32 v17, v35;
	v33 =	vld [tilespmem:s20+$0x0];
	_ =	sdelay $0x4  }
0x421: {  	[tilespmem:v46+s31+$0x0] =	vst.idx.msk $0xffff, v33  }
0x422: {  	v47 =	vadd.s32 v18, v35;
	v33 =	vld [tilespmem:s20+$0x10];
	_ =	sdelay $0x4  }
0x423: {  	[tilespmem:v47+s31+$0x0] =	vst.idx.msk $0xffff, v33  }
0x424: {  	v48 =	vadd.s32 v19, v35;
	v33 =	vld [tilespmem:s20+$0x20];
	_ =	sdelay $0x4  }
0x425: {  	[tilespmem:v48+s31+$0x0] =	vst.idx.msk $0xffff, v33  }
0x426: {  	s15 =	simm.s32 $0x5;
	v49 =	vadd.s32 v20, v35;
	v33 =	vld [tilespmem:s20+$0x30]  }
0x427: {  	v50 =	vmov s15  }
0x428: {  	v35 =	vshrl.u32 v50, $0x3  }
0x429: {  	v35 =	vshll.u32 v35, v1  }
0x42a: {  	v35 =	vbroadcast v35, $0x0  }
0x42b: {  	[tilespmem:v49+s31+$0x0] =	vst.idx.msk $0xffff, v33  }
0x42c: {  	v51 =	vadd.s32 v21, v35;
	v33 =	vld [tilespmem:s20+$0x40];
	_ =	sdelay $0x4  }
0x42d: {  	[tilespmem:v51+s31+$0x0] =	vst.idx.msk $0xffff, v33  }
0x42e: {  	v52 =	vadd.s32 v22, v35;
	v33 =	vld [tilespmem:s20+$0x50];
	_ =	sdelay $0x4  }
0x42f: {  	[tilespmem:v52+s31+$0x0] =	vst.idx.msk $0xffff, v33  }
0x430: {  	v53 =	vadd.s32 v23, v35;
	v33 =	vld [tilespmem:s20+$0x60];
	_ =	sdelay $0x4  }
0x431: {  	[tilespmem:v53+s31+$0x0] =	vst.idx.msk $0xffff, v33  }
0x432: {  	s2 =	simm.s32 $0x6;
	v54 =	vadd.s32 v24, v35;
	v33 =	vld [tilespmem:s20+$0x70]  }
0x433: {  	v55 =	vmov s2  }
0x434: {  	v35 =	vshrl.u32 v55, $0x3  }
0x435: {  	v35 =	vshll.u32 v35, v1  }
0x436: {  	v35 =	vbroadcast v35, $0x0  }
0x437: {  	[tilespmem:v54+s31+$0x0] =	vst.idx.msk $0xffff, v33  }
0x438: {  	v56 =	vadd.s32 v25, v35;
	v33 =	vld [tilespmem:s20+$0x80];
	_ =	sdelay $0x4  }
0x439: {  	[tilespmem:v56+s31+$0x0] =	vst.idx.msk $0xffff, v33  }
0x43a: {  	v57 =	vadd.s32 v26, v35;
	v33 =	vld [tilespmem:s20+$0x90];
	_ =	sdelay $0x4  }
0x43b: {  	[tilespmem:v57+s31+$0x0] =	vst.idx.msk $0xffff, v33  }
0x43c: {  	v58 =	vadd.s32 v27, v35;
	v33 =	vld [tilespmem:s20+$0xA0];
	_ =	sdelay $0x4  }
0x43d: {  	[tilespmem:v58+s31+$0x0] =	vst.idx.msk $0xffff, v33  }
0x43e: {  	s15 =	simm.s32 $0x7;
	v59 =	vadd.s32 v28, v35;
	v33 =	vld [tilespmem:s20+$0xB0]  }
0x43f: {  	v60 =	vmov s15  }
0x440: {  	v35 =	vshrl.u32 v60, $0x3  }
0x441: {  	v35 =	vshll.u32 v35, v1  }
0x442: {  	v35 =	vbroadcast v35, $0x0  }
0x443: {  	[tilespmem:v59+s31+$0x0] =	vst.idx.msk $0xffff, v33  }
0x444: {  	v61 =	vadd.s32 v29, v35;
	v33 =	vld [tilespmem:s20+$0xC0];
	_ =	sdelay $0x4  }
0x445: {  	[tilespmem:v61+s31+$0x0] =	vst.idx.msk $0xffff, v33  }
0x446: {  	v62 =	vadd.s32 v30, v35;
	v33 =	vld [tilespmem:s20+$0xD0];
	_ =	sdelay $0x4  }
0x447: {  	[tilespmem:v62+s31+$0x0] =	vst.idx.msk $0xffff, v33  }
0x448: {  	v63 =	vadd.s32 v31, v35;
	v33 =	vld [tilespmem:s20+$0xE0];
	_ =	sdelay $0x4  }
0x449: {  	[tilespmem:v63+s31+$0x0] =	vst.idx.msk $0xffff, v33  }
0x44a: {  	s1 =	simm.s32 $0x8;
	v34 =	vadd.s32 v32, v35;
	v33 =	vld [tilespmem:s20+$0xF0]  }
0x44b: {  	s2 =	simm.s32 $0x10;
	v35 =	vmov s1  }
.LBB2_23:
0x44c: {  	p1 =	slt.u32 s2, $0xF8;
	v35 =	vshrl.u32 v35, $0x3  }
0x44d: {  	v35 =	vshll.u32 v35, v1  }
0x44e: {  	v35 =	vbroadcast v35, $0x0  }
0x44f: {  	s20 =	sadd.s32 $0x200, s20;
	[tilespmem:v34+s31+$0x0] =	vst.idx.msk $0xffff, v33  }
0x450: {  	v33 =	vld [tilespmem:s20+$0xFFFFFF00];
	v34 =	vadd.s32 v0, v35;
	_ =	sdelay $0x4  }
0x451: {  	[tilespmem:v34+s31+$0x0] =	vst.idx.msk $0xffff, v33  }
0x452: {  	v34 =	vadd.s32 v2, v35;
	v33 =	vld [tilespmem:s20+$0xFFFFFF10];
	_ =	sdelay $0x4  }
0x453: {  	[tilespmem:v34+s31+$0x0] =	vst.idx.msk $0xffff, v33  }
0x454: {  	v34 =	vadd.s32 v3, v35;
	v33 =	vld [tilespmem:s20+$0xFFFFFF20];
	_ =	sdelay $0x4  }
0x455: {  	[tilespmem:v34+s31+$0x0] =	vst.idx.msk $0xffff, v33  }
0x456: {  	s15 =	sadd.s32 $0x1, s1;
	v34 =	vadd.s32 v4, v35;
	v33 =	vld [tilespmem:s20+$0xFFFFFF30]  }
0x457: {  	v35 =	vmov s15  }
0x458: {  	v35 =	vshrl.u32 v35, $0x3  }
0x459: {  	v35 =	vshll.u32 v35, v1  }
0x45a: {  	v35 =	vbroadcast v35, $0x0  }
0x45b: {  	[tilespmem:v34+s31+$0x0] =	vst.idx.msk $0xffff, v33  }
0x45c: {  	v34 =	vadd.s32 v5, v35;
	v33 =	vld [tilespmem:s20+$0xFFFFFF40];
	_ =	sdelay $0x4  }
0x45d: {  	[tilespmem:v34+s31+$0x0] =	vst.idx.msk $0xffff, v33  }
0x45e: {  	v34 =	vadd.s32 v6, v35;
	v33 =	vld [tilespmem:s20+$0xFFFFFF50];
	_ =	sdelay $0x4  }
0x45f: {  	[tilespmem:v34+s31+$0x0] =	vst.idx.msk $0xffff, v33  }
0x460: {  	v34 =	vadd.s32 v7, v35;
	v33 =	vld [tilespmem:s20+$0xFFFFFF60];
	_ =	sdelay $0x4  }
0x461: {  	[tilespmem:v34+s31+$0x0] =	vst.idx.msk $0xffff, v33  }
0x462: {  	s15 =	sadd.s32 $0x2, s1;
	v34 =	vadd.s32 v8, v35;
	v33 =	vld [tilespmem:s20+$0xFFFFFF70]  }
0x463: {  	v35 =	vmov s15  }
0x464: {  	v35 =	vshrl.u32 v35, $0x3  }
0x465: {  	v35 =	vshll.u32 v35, v1  }
0x466: {  	v35 =	vbroadcast v35, $0x0  }
0x467: {  	[tilespmem:v34+s31+$0x0] =	vst.idx.msk $0xffff, v33  }
0x468: {  	v34 =	vadd.s32 v9, v35;
	v33 =	vld [tilespmem:s20+$0xFFFFFF80];
	_ =	sdelay $0x4  }
0x469: {  	[tilespmem:v34+s31+$0x0] =	vst.idx.msk $0xffff, v33  }
0x46a: {  	v34 =	vadd.s32 v10, v35;
	v33 =	vld [tilespmem:s20+$0xFFFFFF90];
	_ =	sdelay $0x4  }
0x46b: {  	[tilespmem:v34+s31+$0x0] =	vst.idx.msk $0xffff, v33  }
0x46c: {  	v34 =	vadd.s32 v11, v35;
	v33 =	vld [tilespmem:s20+$0xFFFFFFA0];
	_ =	sdelay $0x4  }
0x46d: {  	[tilespmem:v34+s31+$0x0] =	vst.idx.msk $0xffff, v33  }
0x46e: {  	s15 =	sadd.s32 $0x3, s1;
	v34 =	vadd.s32 v12, v35;
	v33 =	vld [tilespmem:s20+$0xFFFFFFB0]  }
0x46f: {  	v35 =	vmov s15  }
0x470: {  	v35 =	vshrl.u32 v35, $0x3  }
0x471: {  	v35 =	vshll.u32 v35, v1  }
0x472: {  	v35 =	vbroadcast v35, $0x0  }
0x473: {  	[tilespmem:v34+s31+$0x0] =	vst.idx.msk $0xffff, v33  }
0x474: {  	v34 =	vadd.s32 v13, v35;
	v33 =	vld [tilespmem:s20+$0xFFFFFFC0];
	_ =	sdelay $0x4  }
0x475: {  	[tilespmem:v34+s31+$0x0] =	vst.idx.msk $0xffff, v33  }
0x476: {  	v34 =	vadd.s32 v14, v35;
	v33 =	vld [tilespmem:s20+$0xFFFFFFD0];
	_ =	sdelay $0x4  }
0x477: {  	[tilespmem:v34+s31+$0x0] =	vst.idx.msk $0xffff, v33  }
0x478: {  	v34 =	vadd.s32 v15, v35;
	v33 =	vld [tilespmem:s20+$0xFFFFFFE0];
	_ =	sdelay $0x4  }
0x479: {  	[tilespmem:v34+s31+$0x0] =	vst.idx.msk $0xffff, v33  }
0x47a: {  	s15 =	sadd.s32 $0x4, s1;
	v34 =	vadd.s32 v16, v35;
	v33 =	vld [tilespmem:s20+$0xFFFFFFF0]  }
0x47b: {  	v35 =	vmov s15  }
0x47c: {  	v35 =	vshrl.u32 v35, $0x3  }
0x47d: {  	v35 =	vshll.u32 v35, v1  }
0x47e: {  	v35 =	vbroadcast v35, $0x0  }
0x47f: {  	[tilespmem:v34+s31+$0x0] =	vst.idx.msk $0xffff, v33  }
0x480: {  	v34 =	vadd.s32 v17, v35;
	v33 =	vld [tilespmem:s20+$0x0];
	_ =	sdelay $0x4  }
0x481: {  	[tilespmem:v34+s31+$0x0] =	vst.idx.msk $0xffff, v33  }
0x482: {  	v34 =	vadd.s32 v18, v35;
	v33 =	vld [tilespmem:s20+$0x10];
	_ =	sdelay $0x4  }
0x483: {  	[tilespmem:v34+s31+$0x0] =	vst.idx.msk $0xffff, v33  }
0x484: {  	v34 =	vadd.s32 v19, v35;
	v33 =	vld [tilespmem:s20+$0x20];
	_ =	sdelay $0x4  }
0x485: {  	[tilespmem:v34+s31+$0x0] =	vst.idx.msk $0xffff, v33  }
0x486: {  	s15 =	sadd.s32 $0x5, s1;
	v34 =	vadd.s32 v20, v35;
	v33 =	vld [tilespmem:s20+$0x30]  }
0x487: {  	v35 =	vmov s15  }
0x488: {  	v35 =	vshrl.u32 v35, $0x3  }
0x489: {  	v35 =	vshll.u32 v35, v1  }
0x48a: {  	v35 =	vbroadcast v35, $0x0  }
0x48b: {  	[tilespmem:v34+s31+$0x0] =	vst.idx.msk $0xffff, v33  }
0x48c: {  	v34 =	vadd.s32 v21, v35;
	v33 =	vld [tilespmem:s20+$0x40];
	_ =	sdelay $0x4  }
0x48d: {  	[tilespmem:v34+s31+$0x0] =	vst.idx.msk $0xffff, v33  }
0x48e: {  	v34 =	vadd.s32 v22, v35;
	v33 =	vld [tilespmem:s20+$0x50];
	_ =	sdelay $0x4  }
0x48f: {  	[tilespmem:v34+s31+$0x0] =	vst.idx.msk $0xffff, v33  }
0x490: {  	v34 =	vadd.s32 v23, v35;
	v33 =	vld [tilespmem:s20+$0x60];
	_ =	sdelay $0x4  }
0x491: {  	[tilespmem:v34+s31+$0x0] =	vst.idx.msk $0xffff, v33  }
0x492: {  	s15 =	sadd.s32 $0x6, s1;
	v34 =	vadd.s32 v24, v35;
	v33 =	vld [tilespmem:s20+$0x70]  }
0x493: {  	v35 =	vmov s15  }
0x494: {  	v35 =	vshrl.u32 v35, $0x3  }
0x495: {  	v35 =	vshll.u32 v35, v1  }
0x496: {  	v35 =	vbroadcast v35, $0x0  }
0x497: {  	[tilespmem:v34+s31+$0x0] =	vst.idx.msk $0xffff, v33  }
0x498: {  	v34 =	vadd.s32 v25, v35;
	v33 =	vld [tilespmem:s20+$0x80];
	_ =	sdelay $0x4  }
0x499: {  	[tilespmem:v34+s31+$0x0] =	vst.idx.msk $0xffff, v33  }
0x49a: {  	v34 =	vadd.s32 v26, v35;
	v33 =	vld [tilespmem:s20+$0x90];
	_ =	sdelay $0x4  }
0x49b: {  	[tilespmem:v34+s31+$0x0] =	vst.idx.msk $0xffff, v33  }
0x49c: {  	v34 =	vadd.s32 v27, v35;
	v33 =	vld [tilespmem:s20+$0xA0];
	_ =	sdelay $0x4  }
0x49d: {  	[tilespmem:v34+s31+$0x0] =	vst.idx.msk $0xffff, v33  }
0x49e: {  	s15 =	sadd.s32 $0x7, s1;
	s1 =	smov.u32 s2;
	v34 =	vadd.s32 v28, v35;
	v33 =	vld [tilespmem:s20+$0xB0]  }
0x49f: {  	v35 =	vmov s15  }
0x4a0: {  	v35 =	vshrl.u32 v35, $0x3  }
0x4a1: {  	v35 =	vshll.u32 v35, v1  }
0x4a2: {  	v35 =	vbroadcast v35, $0x0  }
0x4a3: {  	[tilespmem:v34+s31+$0x0] =	vst.idx.msk $0xffff, v33  }
0x4a4: {  	v34 =	vadd.s32 v29, v35;
	v33 =	vld [tilespmem:s20+$0xC0];
	_ =	sdelay $0x4  }
0x4a5: {  	[tilespmem:v34+s31+$0x0] =	vst.idx.msk $0xffff, v33  }
0x4a6: {  	v34 =	vadd.s32 v30, v35;
	v33 =	vld [tilespmem:s20+$0xD0];
	_ =	sdelay $0x4  }
0x4a7: {  	[tilespmem:v34+s31+$0x0] =	vst.idx.msk $0xffff, v33  }
0x4a8: {  	v34 =	vadd.s32 v31, v35;
	v33 =	vld [tilespmem:s20+$0xE0];
	_ =	sdelay $0x2  }
.Ltmp14:
0x4a9: {  	(pc) =	sbr.rel @p1 .LBB2_23-.Ltmp14, $4  }
0x4aa: {  	_ = 	snop  }
0x4ab: {  	[tilespmem:v34+s31+$0x0] =	vst.idx.msk $0xffff, v33  }
0x4ac: {  	v34 =	vadd.s32 v32, v35;
	v33 =	vld [tilespmem:s20+$0xF0]  }
0x4ad: {  	s2 =	sadd.s32 $0x8, s2;
	v35 =	vmov s1  }
0x4ae: {  	_ = 	snop  }
0x4af: {  	v35 =	vshrl.u32 v35, $0x3  }
0x4b0: {  	v35 =	vshll.u32 v35, v1  }
0x4b1: {  	v35 =	vbroadcast v35, $0x0  }
0x4b2: {  	s2 =	sadd.s32 $0x200, s20;
	[tilespmem:v34+s31+$0x0] =	vst.idx.msk $0xffff, v33  }
0x4b3: {  	v33 =	vld [tilespmem:s2+$0xFFFFFF00];
	v53 =	vadd.s32 v0, v35;
	_ =	sdelay $0x4  }
0x4b4: {  	[tilespmem:v53+s31+$0x0] =	vst.idx.msk $0xffff, v33  }
0x4b5: {  	v54 =	vadd.s32 v2, v35;
	v33 =	vld [tilespmem:s2+$0xFFFFFF10];
	_ =	sdelay $0x4  }
0x4b6: {  	[tilespmem:v54+s31+$0x0] =	vst.idx.msk $0xffff, v33  }
0x4b7: {  	v55 =	vadd.s32 v3, v35;
	v33 =	vld [tilespmem:s2+$0xFFFFFF20];
	_ =	sdelay $0x4  }
0x4b8: {  	[tilespmem:v55+s31+$0x0] =	vst.idx.msk $0xffff, v33  }
0x4b9: {  	s15 =	sadd.s32 $0x1, s1;
	v56 =	vadd.s32 v4, v35;
	v33 =	vld [tilespmem:s2+$0xFFFFFF30]  }
0x4ba: {  	v57 =	vmov s15  }
0x4bb: {  	v35 =	vshrl.u32 v57, $0x3  }
0x4bc: {  	v35 =	vshll.u32 v35, v1  }
0x4bd: {  	v35 =	vbroadcast v35, $0x0  }
0x4be: {  	[tilespmem:v56+s31+$0x0] =	vst.idx.msk $0xffff, v33  }
0x4bf: {  	v58 =	vadd.s32 v5, v35;
	v33 =	vld [tilespmem:s2+$0xFFFFFF40];
	_ =	sdelay $0x4  }
0x4c0: {  	[tilespmem:v58+s31+$0x0] =	vst.idx.msk $0xffff, v33  }
0x4c1: {  	v59 =	vadd.s32 v6, v35;
	v33 =	vld [tilespmem:s2+$0xFFFFFF50];
	_ =	sdelay $0x4  }
0x4c2: {  	[tilespmem:v59+s31+$0x0] =	vst.idx.msk $0xffff, v33  }
0x4c3: {  	v60 =	vadd.s32 v7, v35;
	v33 =	vld [tilespmem:s2+$0xFFFFFF60];
	_ =	sdelay $0x4  }
0x4c4: {  	[tilespmem:v60+s31+$0x0] =	vst.idx.msk $0xffff, v33  }
0x4c5: {  	s20 =	sadd.s32 $0x2, s1;
	v61 =	vadd.s32 v8, v35;
	v33 =	vld [tilespmem:s2+$0xFFFFFF70]  }
0x4c6: {  	v62 =	vmov s20  }
0x4c7: {  	v35 =	vshrl.u32 v62, $0x3  }
0x4c8: {  	v35 =	vshll.u32 v35, v1  }
0x4c9: {  	v35 =	vbroadcast v35, $0x0  }
0x4ca: {  	[tilespmem:v61+s31+$0x0] =	vst.idx.msk $0xffff, v33  }
0x4cb: {  	v63 =	vadd.s32 v9, v35;
	v33 =	vld [tilespmem:s2+$0xFFFFFF80];
	_ =	sdelay $0x4  }
0x4cc: {  	[tilespmem:v63+s31+$0x0] =	vst.idx.msk $0xffff, v33  }
0x4cd: {  	v36 =	vadd.s32 v10, v35;
	v33 =	vld [tilespmem:s2+$0xFFFFFF90];
	_ =	sdelay $0x4  }
0x4ce: {  	[tilespmem:v36+s31+$0x0] =	vst.idx.msk $0xffff, v33  }
0x4cf: {  	v37 =	vadd.s32 v11, v35;
	v33 =	vld [tilespmem:s2+$0xFFFFFFA0];
	_ =	sdelay $0x4  }
0x4d0: {  	[tilespmem:v37+s31+$0x0] =	vst.idx.msk $0xffff, v33  }
0x4d1: {  	s20 =	sadd.s32 $0x3, s1;
	v38 =	vadd.s32 v12, v35;
	v33 =	vld [tilespmem:s2+$0xFFFFFFB0]  }
0x4d2: {  	v39 =	vmov s20  }
0x4d3: {  	v35 =	vshrl.u32 v39, $0x3  }
0x4d4: {  	v35 =	vshll.u32 v35, v1  }
0x4d5: {  	v35 =	vbroadcast v35, $0x0  }
0x4d6: {  	[tilespmem:v38+s31+$0x0] =	vst.idx.msk $0xffff, v33  }
0x4d7: {  	v40 =	vadd.s32 v13, v35;
	v33 =	vld [tilespmem:s2+$0xFFFFFFC0];
	_ =	sdelay $0x4  }
0x4d8: {  	[tilespmem:v40+s31+$0x0] =	vst.idx.msk $0xffff, v33  }
0x4d9: {  	v41 =	vadd.s32 v14, v35;
	v33 =	vld [tilespmem:s2+$0xFFFFFFD0];
	_ =	sdelay $0x4  }
0x4da: {  	[tilespmem:v41+s31+$0x0] =	vst.idx.msk $0xffff, v33  }
0x4db: {  	v42 =	vadd.s32 v15, v35;
	v33 =	vld [tilespmem:s2+$0xFFFFFFE0];
	_ =	sdelay $0x4  }
0x4dc: {  	[tilespmem:v42+s31+$0x0] =	vst.idx.msk $0xffff, v33  }
0x4dd: {  	s20 =	sadd.s32 $0x4, s1;
	v43 =	vadd.s32 v16, v35;
	v33 =	vld [tilespmem:s2+$0xFFFFFFF0]  }
0x4de: {  	v44 =	vmov s20  }
0x4df: {  	v35 =	vshrl.u32 v44, $0x3  }
0x4e0: {  	v35 =	vshll.u32 v35, v1  }
0x4e1: {  	v35 =	vbroadcast v35, $0x0  }
0x4e2: {  	[tilespmem:v43+s31+$0x0] =	vst.idx.msk $0xffff, v33  }
0x4e3: {  	v45 =	vadd.s32 v17, v35;
	v33 =	vld [tilespmem:s2+$0x0];
	_ =	sdelay $0x4  }
0x4e4: {  	[tilespmem:v45+s31+$0x0] =	vst.idx.msk $0xffff, v33  }
0x4e5: {  	v46 =	vadd.s32 v18, v35;
	v33 =	vld [tilespmem:s2+$0x10];
	_ =	sdelay $0x4  }
0x4e6: {  	[tilespmem:v46+s31+$0x0] =	vst.idx.msk $0xffff, v33  }
0x4e7: {  	v47 =	vadd.s32 v19, v35;
	v33 =	vld [tilespmem:s2+$0x20];
	_ =	sdelay $0x4  }
0x4e8: {  	[tilespmem:v47+s31+$0x0] =	vst.idx.msk $0xffff, v33  }
0x4e9: {  	s20 =	sadd.s32 $0x5, s1;
	v48 =	vadd.s32 v20, v35;
	v33 =	vld [tilespmem:s2+$0x30]  }
0x4ea: {  	v49 =	vmov s20  }
0x4eb: {  	v35 =	vshrl.u32 v49, $0x3  }
0x4ec: {  	v35 =	vshll.u32 v35, v1  }
0x4ed: {  	v35 =	vbroadcast v35, $0x0  }
0x4ee: {  	[tilespmem:v48+s31+$0x0] =	vst.idx.msk $0xffff, v33  }
0x4ef: {  	v50 =	vadd.s32 v21, v35;
	v33 =	vld [tilespmem:s2+$0x40];
	_ =	sdelay $0x4  }
0x4f0: {  	[tilespmem:v50+s31+$0x0] =	vst.idx.msk $0xffff, v33  }
0x4f1: {  	v51 =	vadd.s32 v22, v35;
	v33 =	vld [tilespmem:s2+$0x50];
	_ =	sdelay $0x4  }
0x4f2: {  	[tilespmem:v51+s31+$0x0] =	vst.idx.msk $0xffff, v33  }
0x4f3: {  	v52 =	vadd.s32 v23, v35;
	v33 =	vld [tilespmem:s2+$0x60];
	_ =	sdelay $0x4  }
0x4f4: {  	[tilespmem:v52+s31+$0x0] =	vst.idx.msk $0xffff, v33  }
0x4f5: {  	s20 =	sadd.s32 $0x6, s1;
	v53 =	vadd.s32 v24, v35;
	v33 =	vld [tilespmem:s2+$0x70]  }
0x4f6: {  	v54 =	vmov s20  }
0x4f7: {  	v35 =	vshrl.u32 v54, $0x3  }
0x4f8: {  	v35 =	vshll.u32 v35, v1  }
0x4f9: {  	v35 =	vbroadcast v35, $0x0  }
0x4fa: {  	[tilespmem:v53+s31+$0x0] =	vst.idx.msk $0xffff, v33  }
0x4fb: {  	v55 =	vadd.s32 v25, v35;
	v33 =	vld [tilespmem:s2+$0x80];
	_ =	sdelay $0x4  }
0x4fc: {  	[tilespmem:v55+s31+$0x0] =	vst.idx.msk $0xffff, v33  }
0x4fd: {  	v56 =	vadd.s32 v26, v35;
	v33 =	vld [tilespmem:s2+$0x90];
	_ =	sdelay $0x4  }
0x4fe: {  	[tilespmem:v56+s31+$0x0] =	vst.idx.msk $0xffff, v33  }
0x4ff: {  	v57 =	vadd.s32 v27, v35;
	v33 =	vld [tilespmem:s2+$0xA0];
	_ =	sdelay $0x4  }
0x500: {  	[tilespmem:v57+s31+$0x0] =	vst.idx.msk $0xffff, v33  }
0x501: {  	s15 =	sadd.s32 $0x7, s1;
	v58 =	vadd.s32 v28, v35;
	v33 =	vld [tilespmem:s2+$0xB0]  }
0x502: {  	v59 =	vmov s15  }
0x503: {  	v35 =	vshrl.u32 v59, $0x3  }
0x504: {  	v35 =	vshll.u32 v35, v1  }
0x505: {  	v35 =	vbroadcast v35, $0x0  }
0x506: {  	[tilespmem:v58+s31+$0x0] =	vst.idx.msk $0xffff, v33  }
0x507: {  	v60 =	vadd.s32 v29, v35;
	v33 =	vld [tilespmem:s2+$0xC0];
	_ =	sdelay $0x4  }
0x508: {  	[tilespmem:v60+s31+$0x0] =	vst.idx.msk $0xffff, v33  }
0x509: {  	v61 =	vadd.s32 v30, v35;
	v33 =	vld [tilespmem:s2+$0xD0];
	_ =	sdelay $0x4  }
0x50a: {  	[tilespmem:v61+s31+$0x0] =	vst.idx.msk $0xffff, v33  }
0x50b: {  	v62 =	vadd.s32 v31, v35;
	v33 =	vld [tilespmem:s2+$0xE0];
	_ =	sdelay $0x4  }
0x50c: {  	[tilespmem:v62+s31+$0x0] =	vst.idx.msk $0xffff, v33  }
0x50d: {  	v63 =	vadd.s32 v32, v35;
	v33 =	vld [tilespmem:s2+$0xF0];
	_ =	sdelay $0x2  }
0x50e: {  	s20 =	sor.u32 s18, s28  }
0x50f: {  	s1 =	sshrl.u32 s20, $0x3  }
0x510: {  	s28 =	simm.s32 $0xC600;
	s1 =	sadd.s32 s9, s1;
	s2 =	simm.s32 $0x420;
	[tilespmem:v63+s31+$0x0] =	vst.idx.msk $0xffff, v33  }
0x511: {  	[hbm4b:s1+s4] =	stream.linear.scatter [tilespmem:s28], [sflag:$0x8], $0x100, $0x38;
	[tilespmem:$0x10800] =	vst v63  }
.LBB2_25:
0x512: {  	p1 =	sne.s32 s2, $0x103E0  }
.Ltmp15:
0x513: {  	_ = 	snop;
	(pc) =	sbr.rel @p1 .LBB2_25-.Ltmp15, $4  }
0x514: {  	_ = 	snop  }
0x515: {  	s15 =	sshra.s32 s2, $0x2;
	s2 =	sadd.s32 $0x420, s2  }
0x516: {  	s1 =	sadd.s32 $0x800, s1;
	s15 =	sadd.s32 $0xC600, s15  }
0x517: {  	[hbm4b:s1+s4] =	stream.linear.scatter [tilespmem:s15], [sflag:$0x8], $0x100, $0x38;
	[tilespmem:$0x10800] =	vst v63  }
0x518: {  	_ =	swait.ge [sflag:s14], $0x100  }
0x519: {  	[sflag:s14] =	ssyncset.done $0x0  }
0x51a: {  	s1 =	simm.s32 $0x300;
	[sflag:s14] =	ssyncadd.s32 $0xFFFFFF00  }
0x51b: {  	[tilespmem:s11], [sflag:$0x6] =	stream.indirect.gather [hbm4b:s8+s22], $0x40, s1, s22, $0xb8;
	[tilespmem:$0x10800] =	vst v63  }
0x51c: {  	s2 =	simm.s32 $0x0;
	s1 =	sadd.s32 @!p0 s16, s10;
	_ =	swait.ge [sflag:s24], $0x4000  }
0x51d: {  	v33 =	vmov s2;
	s2 =	simm.s32 @!p0 $0x200;
	s1 =	sshrl.u32 @!p0 s1, $0x3;
	[sflag:s24] =	ssyncset.done $0x0  }
0x51e: {  	s10 =	simm.s32 @!p0 $0x0;
	s1 =	sadd.s32 @!p0 s5, s1;
	[sflag:s24] =	ssyncadd.s32 $0xFFFFC000  }
0x51f: {  	v33 =	vshrl.u32 v33, $0x3;
	[tilespmem:s2], [sflag:$0x3] =	stream.linear.gather @!p0 [hbm4b:s1+s10], $0x100, $0x38;
	[tilespmem:$0x10800] =	vst v63  }
0x520: {  	v33 =	vshll.u32 v33, v1;
	_ =	swait.ge [sflag:s0], $0x4000  }
0x521: {  	v33 =	vbroadcast v33, $0x0;
	[sflag:s0] =	ssyncset.done $0x0  }
0x522: {  	s10 =	simm.s32 $0x500;
	[sflag:s0] =	ssyncadd.s32 $0xFFFFC000  }
0x523: {  	v35 =	vadd.s32 v0, v33;
	v34 =	vld [tilespmem:s10+$0xFFFFFF00];
	_ =	sdelay $0x4  }
0x524: {  	[tilespmem:v35+s25+$0x0] =	vst.idx.msk $0xffff, v34  }
0x525: {  	v56 =	vadd.s32 v2, v33;
	v34 =	vld [tilespmem:s10+$0xFFFFFF10];
	_ =	sdelay $0x4  }
0x526: {  	[tilespmem:v56+s25+$0x0] =	vst.idx.msk $0xffff, v34  }
0x527: {  	v57 =	vadd.s32 v3, v33;
	v34 =	vld [tilespmem:s10+$0xFFFFFF20];
	_ =	sdelay $0x4  }
0x528: {  	[tilespmem:v57+s25+$0x0] =	vst.idx.msk $0xffff, v34  }
0x529: {  	s15 =	simm.s32 $0x1;
	v33 =	vadd.s32 v4, v33;
	v34 =	vld [tilespmem:s10+$0xFFFFFF30]  }
0x52a: {  	v58 =	vmov s15  }
0x52b: {  	v35 =	vshrl.u32 v58, $0x3  }
0x52c: {  	v35 =	vshll.u32 v35, v1  }
0x52d: {  	v35 =	vbroadcast v35, $0x0  }
0x52e: {  	[tilespmem:v33+s25+$0x0] =	vst.idx.msk $0xffff, v34  }
0x52f: {  	v59 =	vadd.s32 v5, v35;
	v33 =	vld [tilespmem:s10+$0xFFFFFF40];
	_ =	sdelay $0x4  }
0x530: {  	[tilespmem:v59+s25+$0x0] =	vst.idx.msk $0xffff, v33  }
0x531: {  	v60 =	vadd.s32 v6, v35;
	v33 =	vld [tilespmem:s10+$0xFFFFFF50];
	_ =	sdelay $0x4  }
0x532: {  	[tilespmem:v60+s25+$0x0] =	vst.idx.msk $0xffff, v33  }
0x533: {  	v61 =	vadd.s32 v7, v35;
	v33 =	vld [tilespmem:s10+$0xFFFFFF60];
	_ =	sdelay $0x4  }
0x534: {  	[tilespmem:v61+s25+$0x0] =	vst.idx.msk $0xffff, v33  }
0x535: {  	s20 =	simm.s32 $0x2;
	v62 =	vadd.s32 v8, v35;
	v33 =	vld [tilespmem:s10+$0xFFFFFF70]  }
0x536: {  	v63 =	vmov s20  }
0x537: {  	v35 =	vshrl.u32 v63, $0x3  }
0x538: {  	v35 =	vshll.u32 v35, v1  }
0x539: {  	v35 =	vbroadcast v35, $0x0  }
0x53a: {  	[tilespmem:v62+s25+$0x0] =	vst.idx.msk $0xffff, v33  }
0x53b: {  	v36 =	vadd.s32 v9, v35;
	v33 =	vld [tilespmem:s10+$0xFFFFFF80];
	_ =	sdelay $0x4  }
0x53c: {  	[tilespmem:v36+s25+$0x0] =	vst.idx.msk $0xffff, v33  }
0x53d: {  	v37 =	vadd.s32 v10, v35;
	v33 =	vld [tilespmem:s10+$0xFFFFFF90];
	_ =	sdelay $0x4  }
0x53e: {  	[tilespmem:v37+s25+$0x0] =	vst.idx.msk $0xffff, v33  }
0x53f: {  	v38 =	vadd.s32 v11, v35;
	v33 =	vld [tilespmem:s10+$0xFFFFFFA0];
	_ =	sdelay $0x4  }
0x540: {  	[tilespmem:v38+s25+$0x0] =	vst.idx.msk $0xffff, v33  }
0x541: {  	s28 =	simm.s32 $0x3;
	v39 =	vadd.s32 v12, v35;
	v33 =	vld [tilespmem:s10+$0xFFFFFFB0]  }
0x542: {  	v40 =	vmov s28  }
0x543: {  	v35 =	vshrl.u32 v40, $0x3  }
0x544: {  	v35 =	vshll.u32 v35, v1  }
0x545: {  	v35 =	vbroadcast v35, $0x0  }
0x546: {  	[tilespmem:v39+s25+$0x0] =	vst.idx.msk $0xffff, v33  }
0x547: {  	v41 =	vadd.s32 v13, v35;
	v33 =	vld [tilespmem:s10+$0xFFFFFFC0];
	_ =	sdelay $0x4  }
0x548: {  	[tilespmem:v41+s25+$0x0] =	vst.idx.msk $0xffff, v33  }
0x549: {  	v42 =	vadd.s32 v14, v35;
	v33 =	vld [tilespmem:s10+$0xFFFFFFD0];
	_ =	sdelay $0x4  }
0x54a: {  	[tilespmem:v42+s25+$0x0] =	vst.idx.msk $0xffff, v33  }
0x54b: {  	v43 =	vadd.s32 v15, v35;
	v33 =	vld [tilespmem:s10+$0xFFFFFFE0];
	_ =	sdelay $0x4  }
0x54c: {  	[tilespmem:v43+s25+$0x0] =	vst.idx.msk $0xffff, v33  }
0x54d: {  	s2 =	simm.s32 $0x4;
	v44 =	vadd.s32 v16, v35;
	v33 =	vld [tilespmem:s10+$0xFFFFFFF0]  }
0x54e: {  	v45 =	vmov s2  }
0x54f: {  	v35 =	vshrl.u32 v45, $0x3  }
0x550: {  	v35 =	vshll.u32 v35, v1  }
0x551: {  	v35 =	vbroadcast v35, $0x0  }
0x552: {  	[tilespmem:v44+s25+$0x0] =	vst.idx.msk $0xffff, v33  }
0x553: {  	v46 =	vadd.s32 v17, v35;
	v33 =	vld [tilespmem:s10+$0x0];
	_ =	sdelay $0x4  }
0x554: {  	[tilespmem:v46+s25+$0x0] =	vst.idx.msk $0xffff, v33  }
0x555: {  	v47 =	vadd.s32 v18, v35;
	v33 =	vld [tilespmem:s10+$0x10];
	_ =	sdelay $0x4  }
0x556: {  	[tilespmem:v47+s25+$0x0] =	vst.idx.msk $0xffff, v33  }
0x557: {  	v48 =	vadd.s32 v19, v35;
	v33 =	vld [tilespmem:s10+$0x20];
	_ =	sdelay $0x4  }
0x558: {  	[tilespmem:v48+s25+$0x0] =	vst.idx.msk $0xffff, v33  }
0x559: {  	s15 =	simm.s32 $0x5;
	v49 =	vadd.s32 v20, v35;
	v33 =	vld [tilespmem:s10+$0x30]  }
0x55a: {  	v50 =	vmov s15  }
0x55b: {  	v35 =	vshrl.u32 v50, $0x3  }
0x55c: {  	v35 =	vshll.u32 v35, v1  }
0x55d: {  	v35 =	vbroadcast v35, $0x0  }
0x55e: {  	[tilespmem:v49+s25+$0x0] =	vst.idx.msk $0xffff, v33  }
0x55f: {  	v51 =	vadd.s32 v21, v35;
	v33 =	vld [tilespmem:s10+$0x40];
	_ =	sdelay $0x4  }
0x560: {  	[tilespmem:v51+s25+$0x0] =	vst.idx.msk $0xffff, v33  }
0x561: {  	v52 =	vadd.s32 v22, v35;
	v33 =	vld [tilespmem:s10+$0x50];
	_ =	sdelay $0x4  }
0x562: {  	[tilespmem:v52+s25+$0x0] =	vst.idx.msk $0xffff, v33  }
0x563: {  	v53 =	vadd.s32 v23, v35;
	v33 =	vld [tilespmem:s10+$0x60];
	_ =	sdelay $0x4  }
0x564: {  	[tilespmem:v53+s25+$0x0] =	vst.idx.msk $0xffff, v33  }
0x565: {  	s20 =	simm.s32 $0x6;
	v54 =	vadd.s32 v24, v35;
	v33 =	vld [tilespmem:s10+$0x70]  }
0x566: {  	v55 =	vmov s20  }
0x567: {  	v35 =	vshrl.u32 v55, $0x3  }
0x568: {  	v35 =	vshll.u32 v35, v1  }
0x569: {  	v35 =	vbroadcast v35, $0x0  }
0x56a: {  	[tilespmem:v54+s25+$0x0] =	vst.idx.msk $0xffff, v33  }
0x56b: {  	v56 =	vadd.s32 v25, v35;
	v33 =	vld [tilespmem:s10+$0x80];
	_ =	sdelay $0x4  }
0x56c: {  	[tilespmem:v56+s25+$0x0] =	vst.idx.msk $0xffff, v33  }
0x56d: {  	v57 =	vadd.s32 v26, v35;
	v33 =	vld [tilespmem:s10+$0x90];
	_ =	sdelay $0x4  }
0x56e: {  	[tilespmem:v57+s25+$0x0] =	vst.idx.msk $0xffff, v33  }
0x56f: {  	v58 =	vadd.s32 v27, v35;
	v33 =	vld [tilespmem:s10+$0xA0];
	_ =	sdelay $0x4  }
0x570: {  	[tilespmem:v58+s25+$0x0] =	vst.idx.msk $0xffff, v33  }
0x571: {  	s28 =	simm.s32 $0x7;
	v59 =	vadd.s32 v28, v35;
	v33 =	vld [tilespmem:s10+$0xB0]  }
0x572: {  	v60 =	vmov s28  }
0x573: {  	v35 =	vshrl.u32 v60, $0x3  }
0x574: {  	v35 =	vshll.u32 v35, v1  }
0x575: {  	v35 =	vbroadcast v35, $0x0  }
0x576: {  	[tilespmem:v59+s25+$0x0] =	vst.idx.msk $0xffff, v33  }
0x577: {  	v61 =	vadd.s32 v29, v35;
	v33 =	vld [tilespmem:s10+$0xC0];
	_ =	sdelay $0x4  }
0x578: {  	[tilespmem:v61+s25+$0x0] =	vst.idx.msk $0xffff, v33  }
0x579: {  	v62 =	vadd.s32 v30, v35;
	v33 =	vld [tilespmem:s10+$0xD0];
	_ =	sdelay $0x4  }
0x57a: {  	[tilespmem:v62+s25+$0x0] =	vst.idx.msk $0xffff, v33  }
0x57b: {  	v63 =	vadd.s32 v31, v35;
	v33 =	vld [tilespmem:s10+$0xE0];
	_ =	sdelay $0x4  }
0x57c: {  	[tilespmem:v63+s25+$0x0] =	vst.idx.msk $0xffff, v33  }
0x57d: {  	s1 =	simm.s32 $0x8;
	v34 =	vadd.s32 v32, v35;
	v33 =	vld [tilespmem:s10+$0xF0]  }
0x57e: {  	s2 =	simm.s32 $0x10;
	v35 =	vmov s1  }
.LBB2_27:
0x57f: {  	p0 =	slt.u32 s2, $0xF8;
	v35 =	vshrl.u32 v35, $0x3  }
0x580: {  	v35 =	vshll.u32 v35, v1  }
0x581: {  	v35 =	vbroadcast v35, $0x0  }
0x582: {  	s10 =	sadd.s32 $0x200, s10;
	[tilespmem:v34+s25+$0x0] =	vst.idx.msk $0xffff, v33  }
0x583: {  	v33 =	vld [tilespmem:s10+$0xFFFFFF00];
	v34 =	vadd.s32 v0, v35;
	_ =	sdelay $0x4  }
0x584: {  	[tilespmem:v34+s25+$0x0] =	vst.idx.msk $0xffff, v33  }
0x585: {  	v34 =	vadd.s32 v2, v35;
	v33 =	vld [tilespmem:s10+$0xFFFFFF10];
	_ =	sdelay $0x4  }
0x586: {  	[tilespmem:v34+s25+$0x0] =	vst.idx.msk $0xffff, v33  }
0x587: {  	v34 =	vadd.s32 v3, v35;
	v33 =	vld [tilespmem:s10+$0xFFFFFF20];
	_ =	sdelay $0x4  }
0x588: {  	[tilespmem:v34+s25+$0x0] =	vst.idx.msk $0xffff, v33  }
0x589: {  	s15 =	sadd.s32 $0x1, s1;
	v34 =	vadd.s32 v4, v35;
	v33 =	vld [tilespmem:s10+$0xFFFFFF30]  }
0x58a: {  	v35 =	vmov s15  }
0x58b: {  	v35 =	vshrl.u32 v35, $0x3  }
0x58c: {  	v35 =	vshll.u32 v35, v1  }
0x58d: {  	v35 =	vbroadcast v35, $0x0  }
0x58e: {  	[tilespmem:v34+s25+$0x0] =	vst.idx.msk $0xffff, v33  }
0x58f: {  	v34 =	vadd.s32 v5, v35;
	v33 =	vld [tilespmem:s10+$0xFFFFFF40];
	_ =	sdelay $0x4  }
0x590: {  	[tilespmem:v34+s25+$0x0] =	vst.idx.msk $0xffff, v33  }
0x591: {  	v34 =	vadd.s32 v6, v35;
	v33 =	vld [tilespmem:s10+$0xFFFFFF50];
	_ =	sdelay $0x4  }
0x592: {  	[tilespmem:v34+s25+$0x0] =	vst.idx.msk $0xffff, v33  }
0x593: {  	v34 =	vadd.s32 v7, v35;
	v33 =	vld [tilespmem:s10+$0xFFFFFF60];
	_ =	sdelay $0x4  }
0x594: {  	[tilespmem:v34+s25+$0x0] =	vst.idx.msk $0xffff, v33  }
0x595: {  	s15 =	sadd.s32 $0x2, s1;
	v34 =	vadd.s32 v8, v35;
	v33 =	vld [tilespmem:s10+$0xFFFFFF70]  }
0x596: {  	v35 =	vmov s15  }
0x597: {  	v35 =	vshrl.u32 v35, $0x3  }
0x598: {  	v35 =	vshll.u32 v35, v1  }
0x599: {  	v35 =	vbroadcast v35, $0x0  }
0x59a: {  	[tilespmem:v34+s25+$0x0] =	vst.idx.msk $0xffff, v33  }
0x59b: {  	v34 =	vadd.s32 v9, v35;
	v33 =	vld [tilespmem:s10+$0xFFFFFF80];
	_ =	sdelay $0x4  }
0x59c: {  	[tilespmem:v34+s25+$0x0] =	vst.idx.msk $0xffff, v33  }
0x59d: {  	v34 =	vadd.s32 v10, v35;
	v33 =	vld [tilespmem:s10+$0xFFFFFF90];
	_ =	sdelay $0x4  }
0x59e: {  	[tilespmem:v34+s25+$0x0] =	vst.idx.msk $0xffff, v33  }
0x59f: {  	v34 =	vadd.s32 v11, v35;
	v33 =	vld [tilespmem:s10+$0xFFFFFFA0];
	_ =	sdelay $0x4  }
0x5a0: {  	[tilespmem:v34+s25+$0x0] =	vst.idx.msk $0xffff, v33  }
0x5a1: {  	s15 =	sadd.s32 $0x3, s1;
	v34 =	vadd.s32 v12, v35;
	v33 =	vld [tilespmem:s10+$0xFFFFFFB0]  }
0x5a2: {  	v35 =	vmov s15  }
0x5a3: {  	v35 =	vshrl.u32 v35, $0x3  }
0x5a4: {  	v35 =	vshll.u32 v35, v1  }
0x5a5: {  	v35 =	vbroadcast v35, $0x0  }
0x5a6: {  	[tilespmem:v34+s25+$0x0] =	vst.idx.msk $0xffff, v33  }
0x5a7: {  	v34 =	vadd.s32 v13, v35;
	v33 =	vld [tilespmem:s10+$0xFFFFFFC0];
	_ =	sdelay $0x4  }
0x5a8: {  	[tilespmem:v34+s25+$0x0] =	vst.idx.msk $0xffff, v33  }
0x5a9: {  	v34 =	vadd.s32 v14, v35;
	v33 =	vld [tilespmem:s10+$0xFFFFFFD0];
	_ =	sdelay $0x4  }
0x5aa: {  	[tilespmem:v34+s25+$0x0] =	vst.idx.msk $0xffff, v33  }
0x5ab: {  	v34 =	vadd.s32 v15, v35;
	v33 =	vld [tilespmem:s10+$0xFFFFFFE0];
	_ =	sdelay $0x4  }
0x5ac: {  	[tilespmem:v34+s25+$0x0] =	vst.idx.msk $0xffff, v33  }
0x5ad: {  	s15 =	sadd.s32 $0x4, s1;
	v34 =	vadd.s32 v16, v35;
	v33 =	vld [tilespmem:s10+$0xFFFFFFF0]  }
0x5ae: {  	v35 =	vmov s15  }
0x5af: {  	v35 =	vshrl.u32 v35, $0x3  }
0x5b0: {  	v35 =	vshll.u32 v35, v1  }
0x5b1: {  	v35 =	vbroadcast v35, $0x0  }
0x5b2: {  	[tilespmem:v34+s25+$0x0] =	vst.idx.msk $0xffff, v33  }
0x5b3: {  	v34 =	vadd.s32 v17, v35;
	v33 =	vld [tilespmem:s10+$0x0];
	_ =	sdelay $0x4  }
0x5b4: {  	[tilespmem:v34+s25+$0x0] =	vst.idx.msk $0xffff, v33  }
0x5b5: {  	v34 =	vadd.s32 v18, v35;
	v33 =	vld [tilespmem:s10+$0x10];
	_ =	sdelay $0x4  }
0x5b6: {  	[tilespmem:v34+s25+$0x0] =	vst.idx.msk $0xffff, v33  }
0x5b7: {  	v34 =	vadd.s32 v19, v35;
	v33 =	vld [tilespmem:s10+$0x20];
	_ =	sdelay $0x4  }
0x5b8: {  	[tilespmem:v34+s25+$0x0] =	vst.idx.msk $0xffff, v33  }
0x5b9: {  	s15 =	sadd.s32 $0x5, s1;
	v34 =	vadd.s32 v20, v35;
	v33 =	vld [tilespmem:s10+$0x30]  }
0x5ba: {  	v35 =	vmov s15  }
0x5bb: {  	v35 =	vshrl.u32 v35, $0x3  }
0x5bc: {  	v35 =	vshll.u32 v35, v1  }
0x5bd: {  	v35 =	vbroadcast v35, $0x0  }
0x5be: {  	[tilespmem:v34+s25+$0x0] =	vst.idx.msk $0xffff, v33  }
0x5bf: {  	v34 =	vadd.s32 v21, v35;
	v33 =	vld [tilespmem:s10+$0x40];
	_ =	sdelay $0x4  }
0x5c0: {  	[tilespmem:v34+s25+$0x0] =	vst.idx.msk $0xffff, v33  }
0x5c1: {  	v34 =	vadd.s32 v22, v35;
	v33 =	vld [tilespmem:s10+$0x50];
	_ =	sdelay $0x4  }
0x5c2: {  	[tilespmem:v34+s25+$0x0] =	vst.idx.msk $0xffff, v33  }
0x5c3: {  	v34 =	vadd.s32 v23, v35;
	v33 =	vld [tilespmem:s10+$0x60];
	_ =	sdelay $0x4  }
0x5c4: {  	[tilespmem:v34+s25+$0x0] =	vst.idx.msk $0xffff, v33  }
0x5c5: {  	s15 =	sadd.s32 $0x6, s1;
	v34 =	vadd.s32 v24, v35;
	v33 =	vld [tilespmem:s10+$0x70]  }
0x5c6: {  	v35 =	vmov s15  }
0x5c7: {  	v35 =	vshrl.u32 v35, $0x3  }
0x5c8: {  	v35 =	vshll.u32 v35, v1  }
0x5c9: {  	v35 =	vbroadcast v35, $0x0  }
0x5ca: {  	[tilespmem:v34+s25+$0x0] =	vst.idx.msk $0xffff, v33  }
0x5cb: {  	v34 =	vadd.s32 v25, v35;
	v33 =	vld [tilespmem:s10+$0x80];
	_ =	sdelay $0x4  }
0x5cc: {  	[tilespmem:v34+s25+$0x0] =	vst.idx.msk $0xffff, v33  }
0x5cd: {  	v34 =	vadd.s32 v26, v35;
	v33 =	vld [tilespmem:s10+$0x90];
	_ =	sdelay $0x4  }
0x5ce: {  	[tilespmem:v34+s25+$0x0] =	vst.idx.msk $0xffff, v33  }
0x5cf: {  	v34 =	vadd.s32 v27, v35;
	v33 =	vld [tilespmem:s10+$0xA0];
	_ =	sdelay $0x4  }
0x5d0: {  	[tilespmem:v34+s25+$0x0] =	vst.idx.msk $0xffff, v33  }
0x5d1: {  	s15 =	sadd.s32 $0x7, s1;
	s1 =	smov.u32 s2;
	v34 =	vadd.s32 v28, v35;
	v33 =	vld [tilespmem:s10+$0xB0]  }
0x5d2: {  	v35 =	vmov s15  }
0x5d3: {  	v35 =	vshrl.u32 v35, $0x3  }
0x5d4: {  	v35 =	vshll.u32 v35, v1  }
0x5d5: {  	v35 =	vbroadcast v35, $0x0  }
0x5d6: {  	[tilespmem:v34+s25+$0x0] =	vst.idx.msk $0xffff, v33  }
0x5d7: {  	v34 =	vadd.s32 v29, v35;
	v33 =	vld [tilespmem:s10+$0xC0];
	_ =	sdelay $0x4  }
0x5d8: {  	[tilespmem:v34+s25+$0x0] =	vst.idx.msk $0xffff, v33  }
0x5d9: {  	v34 =	vadd.s32 v30, v35;
	v33 =	vld [tilespmem:s10+$0xD0];
	_ =	sdelay $0x4  }
0x5da: {  	[tilespmem:v34+s25+$0x0] =	vst.idx.msk $0xffff, v33  }
0x5db: {  	v34 =	vadd.s32 v31, v35;
	v33 =	vld [tilespmem:s10+$0xE0];
	_ =	sdelay $0x2  }
.Ltmp16:
0x5dc: {  	(pc) =	sbr.rel @p0 .LBB2_27-.Ltmp16, $4  }
0x5dd: {  	_ = 	snop  }
0x5de: {  	[tilespmem:v34+s25+$0x0] =	vst.idx.msk $0xffff, v33  }
0x5df: {  	v34 =	vadd.s32 v32, v35;
	v33 =	vld [tilespmem:s10+$0xF0]  }
0x5e0: {  	s2 =	sadd.s32 $0x8, s2;
	v35 =	vmov s1  }
0x5e1: {  	_ = 	snop  }
0x5e2: {  	v35 =	vshrl.u32 v35, $0x3  }
0x5e3: {  	v35 =	vshll.u32 v35, v1  }
0x5e4: {  	v35 =	vbroadcast v35, $0x0  }
0x5e5: {  	s2 =	sadd.s32 $0x200, s10;
	[tilespmem:v34+s25+$0x0] =	vst.idx.msk $0xffff, v33  }
0x5e6: {  	v33 =	vld [tilespmem:s2+$0xFFFFFF00];
	v53 =	vadd.s32 v0, v35;
	_ =	sdelay $0x4  }
0x5e7: {  	[tilespmem:v53+s25+$0x0] =	vst.idx.msk $0xffff, v33  }
0x5e8: {  	v54 =	vadd.s32 v2, v35;
	v33 =	vld [tilespmem:s2+$0xFFFFFF10];
	_ =	sdelay $0x4  }
0x5e9: {  	[tilespmem:v54+s25+$0x0] =	vst.idx.msk $0xffff, v33  }
0x5ea: {  	v55 =	vadd.s32 v3, v35;
	v33 =	vld [tilespmem:s2+$0xFFFFFF20];
	_ =	sdelay $0x4  }
0x5eb: {  	[tilespmem:v55+s25+$0x0] =	vst.idx.msk $0xffff, v33  }
0x5ec: {  	s20 =	sadd.s32 $0x1, s1;
	v56 =	vadd.s32 v4, v35;
	v33 =	vld [tilespmem:s2+$0xFFFFFF30]  }
0x5ed: {  	v57 =	vmov s20  }
0x5ee: {  	v35 =	vshrl.u32 v57, $0x3  }
0x5ef: {  	v35 =	vshll.u32 v35, v1  }
0x5f0: {  	v35 =	vbroadcast v35, $0x0  }
0x5f1: {  	[tilespmem:v56+s25+$0x0] =	vst.idx.msk $0xffff, v33  }
0x5f2: {  	v58 =	vadd.s32 v5, v35;
	v33 =	vld [tilespmem:s2+$0xFFFFFF40];
	_ =	sdelay $0x4  }
0x5f3: {  	[tilespmem:v58+s25+$0x0] =	vst.idx.msk $0xffff, v33  }
0x5f4: {  	v59 =	vadd.s32 v6, v35;
	v33 =	vld [tilespmem:s2+$0xFFFFFF50];
	_ =	sdelay $0x4  }
0x5f5: {  	[tilespmem:v59+s25+$0x0] =	vst.idx.msk $0xffff, v33  }
0x5f6: {  	v60 =	vadd.s32 v7, v35;
	v33 =	vld [tilespmem:s2+$0xFFFFFF60];
	_ =	sdelay $0x4  }
0x5f7: {  	[tilespmem:v60+s25+$0x0] =	vst.idx.msk $0xffff, v33  }
0x5f8: {  	s28 =	sadd.s32 $0x2, s1;
	v61 =	vadd.s32 v8, v35;
	v33 =	vld [tilespmem:s2+$0xFFFFFF70]  }
0x5f9: {  	v62 =	vmov s28  }
0x5fa: {  	v35 =	vshrl.u32 v62, $0x3  }
0x5fb: {  	v35 =	vshll.u32 v35, v1  }
0x5fc: {  	v35 =	vbroadcast v35, $0x0  }
0x5fd: {  	[tilespmem:v61+s25+$0x0] =	vst.idx.msk $0xffff, v33  }
0x5fe: {  	v63 =	vadd.s32 v9, v35;
	v33 =	vld [tilespmem:s2+$0xFFFFFF80];
	_ =	sdelay $0x4  }
0x5ff: {  	[tilespmem:v63+s25+$0x0] =	vst.idx.msk $0xffff, v33  }
0x600: {  	v36 =	vadd.s32 v10, v35;
	v33 =	vld [tilespmem:s2+$0xFFFFFF90];
	_ =	sdelay $0x4  }
0x601: {  	[tilespmem:v36+s25+$0x0] =	vst.idx.msk $0xffff, v33  }
0x602: {  	v37 =	vadd.s32 v11, v35;
	v33 =	vld [tilespmem:s2+$0xFFFFFFA0];
	_ =	sdelay $0x4  }
0x603: {  	[tilespmem:v37+s25+$0x0] =	vst.idx.msk $0xffff, v33  }
0x604: {  	s15 =	sadd.s32 $0x3, s1;
	v38 =	vadd.s32 v12, v35;
	v33 =	vld [tilespmem:s2+$0xFFFFFFB0]  }
0x605: {  	v39 =	vmov s15  }
0x606: {  	v35 =	vshrl.u32 v39, $0x3  }
0x607: {  	v35 =	vshll.u32 v35, v1  }
0x608: {  	v35 =	vbroadcast v35, $0x0  }
0x609: {  	[tilespmem:v38+s25+$0x0] =	vst.idx.msk $0xffff, v33  }
0x60a: {  	v40 =	vadd.s32 v13, v35;
	v33 =	vld [tilespmem:s2+$0xFFFFFFC0];
	_ =	sdelay $0x4  }
0x60b: {  	[tilespmem:v40+s25+$0x0] =	vst.idx.msk $0xffff, v33  }
0x60c: {  	v41 =	vadd.s32 v14, v35;
	v33 =	vld [tilespmem:s2+$0xFFFFFFD0];
	_ =	sdelay $0x4  }
0x60d: {  	[tilespmem:v41+s25+$0x0] =	vst.idx.msk $0xffff, v33  }
0x60e: {  	v42 =	vadd.s32 v15, v35;
	v33 =	vld [tilespmem:s2+$0xFFFFFFE0];
	_ =	sdelay $0x4  }
0x60f: {  	[tilespmem:v42+s25+$0x0] =	vst.idx.msk $0xffff, v33  }
0x610: {  	s20 =	sadd.s32 $0x4, s1;
	v43 =	vadd.s32 v16, v35;
	v33 =	vld [tilespmem:s2+$0xFFFFFFF0]  }
0x611: {  	v44 =	vmov s20  }
0x612: {  	v35 =	vshrl.u32 v44, $0x3  }
0x613: {  	v35 =	vshll.u32 v35, v1  }
0x614: {  	v35 =	vbroadcast v35, $0x0  }
0x615: {  	[tilespmem:v43+s25+$0x0] =	vst.idx.msk $0xffff, v33  }
0x616: {  	v45 =	vadd.s32 v17, v35;
	v33 =	vld [tilespmem:s2+$0x0];
	_ =	sdelay $0x4  }
0x617: {  	[tilespmem:v45+s25+$0x0] =	vst.idx.msk $0xffff, v33  }
0x618: {  	v46 =	vadd.s32 v18, v35;
	v33 =	vld [tilespmem:s2+$0x10];
	_ =	sdelay $0x4  }
0x619: {  	[tilespmem:v46+s25+$0x0] =	vst.idx.msk $0xffff, v33  }
0x61a: {  	v47 =	vadd.s32 v19, v35;
	v33 =	vld [tilespmem:s2+$0x20];
	_ =	sdelay $0x4  }
0x61b: {  	[tilespmem:v47+s25+$0x0] =	vst.idx.msk $0xffff, v33  }
0x61c: {  	s28 =	sadd.s32 $0x5, s1;
	v48 =	vadd.s32 v20, v35;
	v33 =	vld [tilespmem:s2+$0x30]  }
0x61d: {  	v49 =	vmov s28  }
0x61e: {  	v35 =	vshrl.u32 v49, $0x3  }
0x61f: {  	v35 =	vshll.u32 v35, v1  }
0x620: {  	v35 =	vbroadcast v35, $0x0  }
0x621: {  	[tilespmem:v48+s25+$0x0] =	vst.idx.msk $0xffff, v33  }
0x622: {  	v50 =	vadd.s32 v21, v35;
	v33 =	vld [tilespmem:s2+$0x40];
	_ =	sdelay $0x4  }
0x623: {  	[tilespmem:v50+s25+$0x0] =	vst.idx.msk $0xffff, v33  }
0x624: {  	v51 =	vadd.s32 v22, v35;
	v33 =	vld [tilespmem:s2+$0x50];
	_ =	sdelay $0x4  }
0x625: {  	[tilespmem:v51+s25+$0x0] =	vst.idx.msk $0xffff, v33  }
0x626: {  	v52 =	vadd.s32 v23, v35;
	v33 =	vld [tilespmem:s2+$0x60];
	_ =	sdelay $0x4  }
0x627: {  	[tilespmem:v52+s25+$0x0] =	vst.idx.msk $0xffff, v33  }
0x628: {  	s15 =	sadd.s32 $0x6, s1;
	v53 =	vadd.s32 v24, v35;
	v33 =	vld [tilespmem:s2+$0x70]  }
0x629: {  	v54 =	vmov s15  }
0x62a: {  	v35 =	vshrl.u32 v54, $0x3  }
0x62b: {  	v35 =	vshll.u32 v35, v1  }
0x62c: {  	v35 =	vbroadcast v35, $0x0  }
0x62d: {  	[tilespmem:v53+s25+$0x0] =	vst.idx.msk $0xffff, v33  }
0x62e: {  	v55 =	vadd.s32 v25, v35;
	v33 =	vld [tilespmem:s2+$0x80];
	_ =	sdelay $0x4  }
0x62f: {  	[tilespmem:v55+s25+$0x0] =	vst.idx.msk $0xffff, v33  }
0x630: {  	v56 =	vadd.s32 v26, v35;
	v33 =	vld [tilespmem:s2+$0x90];
	_ =	sdelay $0x4  }
0x631: {  	[tilespmem:v56+s25+$0x0] =	vst.idx.msk $0xffff, v33  }
0x632: {  	v57 =	vadd.s32 v27, v35;
	v33 =	vld [tilespmem:s2+$0xA0];
	_ =	sdelay $0x4  }
0x633: {  	[tilespmem:v57+s25+$0x0] =	vst.idx.msk $0xffff, v33  }
0x634: {  	s20 =	sadd.s32 $0x7, s1;
	v58 =	vadd.s32 v28, v35;
	v33 =	vld [tilespmem:s2+$0xB0]  }
0x635: {  	v59 =	vmov s20  }
0x636: {  	v35 =	vshrl.u32 v59, $0x3  }
0x637: {  	v35 =	vshll.u32 v35, v1  }
0x638: {  	v35 =	vbroadcast v35, $0x0  }
0x639: {  	[tilespmem:v58+s25+$0x0] =	vst.idx.msk $0xffff, v33  }
0x63a: {  	v60 =	vadd.s32 v29, v35;
	v33 =	vld [tilespmem:s2+$0xC0];
	_ =	sdelay $0x4  }
0x63b: {  	[tilespmem:v60+s25+$0x0] =	vst.idx.msk $0xffff, v33  }
0x63c: {  	v61 =	vadd.s32 v30, v35;
	v33 =	vld [tilespmem:s2+$0xD0];
	_ =	sdelay $0x4  }
0x63d: {  	[tilespmem:v61+s25+$0x0] =	vst.idx.msk $0xffff, v33  }
0x63e: {  	v62 =	vadd.s32 v31, v35;
	v33 =	vld [tilespmem:s2+$0xE0];
	_ =	sdelay $0x4  }
0x63f: {  	[tilespmem:v62+s25+$0x0] =	vst.idx.msk $0xffff, v33  }
0x640: {  	v63 =	vadd.s32 v32, v35;
	v33 =	vld [tilespmem:s2+$0xF0];
	_ =	sdelay $0x4  }
0x641: {  	s1 =	sadd.s32 s26, s19;
	s28 =	simm.s32 $0x8400;
	s2 =	simm.s32 $0x420;
	[tilespmem:v63+s25+$0x0] =	vst.idx.msk $0xffff, v33  }
0x642: {  	[hbm4b:s1+s4] =	stream.linear.scatter [tilespmem:s28], [sflag:$0x7], $0x100, $0x38;
	[tilespmem:$0x10800] =	vst v63  }
.LBB2_29:
0x643: {  	p0 =	sne.s32 s2, $0x103E0  }
.Ltmp17:
0x644: {  	_ = 	snop;
	(pc) =	sbr.rel @p0 .LBB2_29-.Ltmp17, $4  }
0x645: {  	_ = 	snop  }
0x646: {  	s10 =	sshra.s32 s2, $0x2;
	s2 =	sadd.s32 $0x420, s2  }
0x647: {  	s1 =	sadd.s32 $0x800, s1;
	s10 =	sadd.s32 $0x8400, s10  }
0x648: {  	[hbm4b:s1+s4] =	stream.linear.scatter [tilespmem:s10], [sflag:$0x7], $0x100, $0x38;
	[tilespmem:$0x10800] =	vst v63  }
0x649: {  	s13 =	sadd.s32 $0x1, s13  }
0x64a: {  	p0 =	sne.s32 s13, $0x65  }
.Ltmp18:
0x64b: {  	_ = 	snop;
	(pc) =	sbr.rel @p0 .LBB2_8-.Ltmp18, $4  }
.Ltmp19:
0x64c: {  	_ = 	snop;
	(pc) =	sbr.rel @!p0 .LBB2_31-.Ltmp19, $4  }
0x64d: {  	_ = 	snop  }
0x64e: {  	_ = 	snop  }
0x64f: {  	_ = 	snop  }
0x650: {  	_ = 	snop  }
.LBB2_32:
0x651: {  	_ =	sfence.sel $0x180000  }
0x652: {  	[bflag:$0x0] =	sbarrier.arrive $0xFFFF  }
0x653: {  	_ =	strace $0x90000047  }
0x654: {  	s0 =	stileid.u32;
	[bflag:$0x2] =	sbarrier.arrive $0xFFFF  }
0x655: {  	p0 =	sne.s32 s0, $0x0;
	s0 =	rddreg [dreg:$0x3]  }
0x656: {  	s0 =	sadd.s32 @!p0 $0x100000, s0  }
0x657: {  	[sflag:s0] =	ssyncadd.tile.s32 @!p0 $0x1;
	_ =	shalt  }
.Lfunc_end2:
_tile_overlayer_lowered:
.L_overlay_start_2:
0x658: {  	(tag) =	ssettag $0x2  }
0x659: {  	s0 =	rddreg [dreg:$0x0];
	s2 =	stileid.u32  }
0x65a: {  	s1 =	rddreg [dreg:$0x1];
	p0 =	sne.s32 s2, $0x0  }
0x65b: {  	s3 =	rddreg [dreg:$0x2];
	[bflag:$0x3] =	sbarrier.arrive $0xFFFF;
	s2 =	simm.s32 @!p0 $0x1C09  }
0x65c: {  	[timem:s3], [sflag:s2] =	dma.local @!p0 [hbm:s0], s1  }
0x65d: {  	s0 =	simm.s32 @!p0 $0x9  }
0x65e: {  	_ =	swait.ge @!p0 [sflag:s0], s1  }
0x65f: {  	s1 =	ssub.s32 @!p0 $0x0, s1;
	[sflag:s0] =	ssyncset.done @!p0 $0x0  }
0x660: {  	[sflag:s0] =	ssyncadd.s32 @!p0 s1  }
0x661: {  	[bflag:$0x3] =	sbarrier.arrive $0xFFFF  }
0x662: {  	_ =	shalt  }

</sc_bundles>
